<compile_context>
chip_gen: v7x
topology: tpu7x:2x2x1
jax: 0.10.2.dev20260603
libtpu: 0.0.44.dev20260713+nightly
codegen_flags: <defaults>
</compile_context>

<pallas_src>
import jax
import jax.numpy as jnp
from jax import lax
from jax.experimental import pallas as pl
from jax.experimental.pallas import tpu as pltpu
from jax.experimental.pallas import tpu_sc as plsc

_N = 10000
_E = 320000
_R = 8
_D_IN = 128
_D_HID = 64
_D_OUT = 32

_NC = 2
_NS = 16
_NW = _NC * _NS
_CHUNK = 125
_NCH = 80
_EPT = _NCH * _CHUNK
_N_ROWS = 10240
_ZR = _N_ROWS // _NS
_OR = _N_ROWS // _NS
_DEG_W = 8

_BN = 2000



def _make_sc_agg(d, with_deg):
  mesh = plsc.VectorSubcoreMesh(core_axis_name="c", subcore_axis_name="s")
  if with_deg:
    out_type = [jax.ShapeDtypeStruct((_NC, _N_ROWS, d), jnp.bfloat16),
                jax.ShapeDtypeStruct((_NC, _N_ROWS, _DEG_W), jnp.float32)]
  else:
    out_type = jax.ShapeDtypeStruct((_NC, _N_ROWS, d), jnp.bfloat16)
  scratch = [
      pltpu.VMEM((_NCH, _CHUNK), jnp.int32),
      pltpu.VMEM((_NCH, _CHUNK), jnp.int32),
      pltpu.VMEM((10, _CHUNK, d), jnp.bfloat16),
      pltpu.VMEM_SHARED((_N_ROWS, d), jnp.bfloat16),
  ] + [pltpu.SemaphoreType.DMA] * 12
  if with_deg:
    scratch += [
        pltpu.VMEM((_CHUNK, _DEG_W), jnp.float32),
        pltpu.VMEM_SHARED((_N_ROWS, _DEG_W), jnp.float32),
    ]

  def body(*refs):
    if with_deg:
      (gidx_hbm, dst_hbm, table_hbm, zrow_hbm, zdeg_hbm, ones_hbm,
       out_hbm, deg_hbm,
       gidx_v, dst_v, bufs, agg_sh, *rest2) = refs
      sems, (sem_s, sem_d), (ones_v, deg_sh) = rest2[:10], rest2[10:12], rest2[12:]
    else:
      (gidx_hbm, dst_hbm, table_hbm, zrow_hbm,
       out_hbm,
       gidx_v, dst_v, bufs, agg_sh, *rest2) = refs
      sems, (sem_s, sem_d) = rest2[:10], rest2[10:12]
    c = lax.axis_index("c")
    s = lax.axis_index("s")
    wid = c * _NS + s

    pltpu.sync_copy(zrow_hbm, agg_sh.at[pl.ds(s * _ZR, _ZR)])
    if with_deg:
      pltpu.sync_copy(zdeg_hbm, deg_sh.at[pl.ds(s * _ZR, _ZR)])
      pltpu.sync_copy(ones_hbm, ones_v)
    pltpu.sync_copy(gidx_hbm.at[wid], gidx_v)
    pltpu.sync_copy(dst_hbm.at[wid], dst_v)
    plsc.subcore_barrier()

    def step(i, carry):
      gath = [
          pltpu.async_copy(table_hbm.at[gidx_v.at[10 * i + j]],
                           bufs.at[j], sems[j])
          for j in range(10)
      ]
      scat = []
      for j in range(10):
        gath[j].wait()
        scat.append(pltpu.async_copy(
            bufs.at[j], agg_sh.at[dst_v.at[10 * i + j]], sem_s, add=True))
        if with_deg:
          scat.append(pltpu.async_copy(
              ones_v, deg_sh.at[dst_v.at[10 * i + j]], sem_d, add=True))
      for dsc in scat:
        dsc.wait()
      return carry
    lax.fori_loop(0, _NCH // 10, step, 0)

    plsc.subcore_barrier()
    pltpu.sync_copy(agg_sh.at[pl.ds(s * _OR, _OR)],
                    out_hbm.at[c].at[pl.ds(s * _OR, _OR)])
    if with_deg:
      pltpu.sync_copy(deg_sh.at[pl.ds(s * _OR, _OR)],
                      deg_hbm.at[c].at[pl.ds(s * _OR, _OR)])

  return pl.kernel(
      body, out_type=out_type, mesh=mesh, scratch_types=scratch,
      compiler_params=pltpu.CompilerParams(use_tc_tiling_on_sc=False))



def _tc_a_body(x_ref, wc_ref, ws_ref, xw_ref, sf_ref):
  xb = x_ref[...]
  xw = jnp.dot(xb, wc_ref[...], preferred_element_type=jnp.float32)
  xw_ref[...] = xw.astype(jnp.bfloat16)
  sf_ref[...] = jnp.dot(xb, ws_ref[...], preferred_element_type=jnp.float32)


_tc_a = pl.pallas_call(
    _tc_a_body,
    grid=(_N // _BN,),
    in_specs=[
        pl.BlockSpec((_BN, _D_IN), lambda i: (i, 0)),
        pl.BlockSpec((_D_IN, _R * _D_HID), lambda i: (0, 0)),
        pl.BlockSpec((_D_IN, _D_HID), lambda i: (0, 0)),
    ],
    out_specs=[
        pl.BlockSpec((_BN, _R * _D_HID), lambda i: (i, 0)),
        pl.BlockSpec((_BN, _D_HID), lambda i: (i, 0)),
    ],
    out_shape=[
        jax.ShapeDtypeStruct((_N, _R * _D_HID), jnp.bfloat16),
        jax.ShapeDtypeStruct((_N, _D_HID), jnp.float32),
    ],
)


def _tc_b_body(p0_ref, p1_ref, d0_ref, d1_ref, s1_ref, wc_ref, ws_ref,
               xw_ref, sf_ref):
  deg = jnp.maximum(d0_ref[:, 0:1] + d1_ref[:, 0:1], 1.0)
  p = p0_ref[...].astype(jnp.float32) + p1_ref[...].astype(jnp.float32)
  h = jnp.maximum(p / deg + s1_ref[...], 0.0)
  xw = jnp.dot(h, wc_ref[...], preferred_element_type=jnp.float32)
  xw_ref[...] = xw.astype(jnp.bfloat16)
  sf_ref[...] = jnp.dot(h, ws_ref[...], preferred_element_type=jnp.float32)


_tc_b = pl.pallas_call(
    _tc_b_body,
    grid=(_N // _BN,),
    in_specs=[
        pl.BlockSpec((_BN, _D_HID), lambda i: (i, 0)),
        pl.BlockSpec((_BN, _D_HID), lambda i: (i, 0)),
        pl.BlockSpec((_BN, _DEG_W), lambda i: (i, 0)),
        pl.BlockSpec((_BN, _DEG_W), lambda i: (i, 0)),
        pl.BlockSpec((_BN, _D_HID), lambda i: (i, 0)),
        pl.BlockSpec((_D_HID, _R * _D_OUT), lambda i: (0, 0)),
        pl.BlockSpec((_D_HID, _D_OUT), lambda i: (0, 0)),
    ],
    out_specs=[
        pl.BlockSpec((_BN, _R * _D_OUT), lambda i: (i, 0)),
        pl.BlockSpec((_BN, _D_OUT), lambda i: (i, 0)),
    ],
    out_shape=[
        jax.ShapeDtypeStruct((_N, _R * _D_OUT), jnp.bfloat16),
        jax.ShapeDtypeStruct((_N, _D_OUT), jnp.float32),
    ],
)


def _tc_c_body(q0_ref, q1_ref, d0_ref, d1_ref, s2_ref, out_ref):
  deg = jnp.maximum(d0_ref[:, 0:1] + d1_ref[:, 0:1], 1.0)
  q = q0_ref[...].astype(jnp.float32) + q1_ref[...].astype(jnp.float32)
  out_ref[...] = q / deg + s2_ref[...]


_tc_c = pl.pallas_call(
    _tc_c_body,
    grid=(_N // _BN,),
    in_specs=[
        pl.BlockSpec((_BN, _D_OUT), lambda i: (i, 0)),
        pl.BlockSpec((_BN, _D_OUT), lambda i: (i, 0)),
        pl.BlockSpec((_BN, _DEG_W), lambda i: (i, 0)),
        pl.BlockSpec((_BN, _DEG_W), lambda i: (i, 0)),
        pl.BlockSpec((_BN, _D_OUT), lambda i: (i, 0)),
    ],
    out_specs=pl.BlockSpec((_BN, _D_OUT), lambda i: (i, 0)),
    out_shape=jax.ShapeDtypeStruct((_N, _D_OUT), jnp.float32),
)



def kernel(x, edge_index, edge_type, W1_rel, W1_self, W2_rel, W2_self):
  src, dst = edge_index[0], edge_index[1]
  gidx = (src * _R + edge_type).reshape(_NW, _NCH, _CHUNK)
  dstp = dst.reshape(_NW, _NCH, _CHUNK)

  zrow1 = jnp.zeros((_ZR, _D_HID), jnp.bfloat16)
  zrow2 = jnp.zeros((_ZR, _D_OUT), jnp.bfloat16)
  zdeg = jnp.zeros((_ZR, _DEG_W), jnp.float32)
  ones = jnp.ones((_CHUNK, _DEG_W), jnp.float32)

  wc1 = W1_rel.transpose(1, 0, 2).reshape(_D_IN, _R * _D_HID)
  wc2 = W2_rel.transpose(1, 0, 2).reshape(_D_HID, _R * _D_OUT)

  xw1, self1 = _tc_a(x, wc1, W1_self)
  agg1, deg = _make_sc_agg(_D_HID, True)(
      gidx, dstp, xw1.reshape(_N * _R, _D_HID), zrow1, zdeg, ones)
  xw2, self2 = _tc_b(agg1[0], agg1[1], deg[0], deg[1], self1, wc2, W2_self)
  agg2 = _make_sc_agg(_D_OUT, False)(
      gidx, dstp, xw2.reshape(_N * _R, _D_OUT), zrow2)
  out = _tc_c(agg2[0], agg2[1], deg[0], deg[1], self2)
  return out

# --- scband reference (transcript-rebuilt; emitter-appended) ---
"""Pipeline reference for scband-mrgcn-69209103008406 (READ-ONLY COPY).

The authoritative reference and input builder live on the scoring server;
editing this copy changes nothing except your own understanding.
"""

import jax, jax.numpy as jnp
import numpy as np

N = 10000
E = 320000
R = 8
D_IN = 128
D_HID = 64
D_OUT = 32


def setup_inputs(seed: int = 0) -> dict:
    key = jax.random.key(seed)
    ks = jax.random.split(key, 8)
    x = jax.random.normal(ks[0], (N, D_IN), dtype=jnp.float32)
    edge_index = jax.random.randint(ks[1], (2, E), 0, N, dtype=jnp.int32)
    edge_type = jax.random.randint(ks[2], (E,), 0, R, dtype=jnp.int32)
    W1_rel = jax.random.normal(ks[3], (R, D_IN, D_HID), dtype=jnp.float32) / jnp.sqrt(D_IN)
    W1_self = jax.random.normal(ks[4], (D_IN, D_HID), dtype=jnp.float32) / jnp.sqrt(D_IN)
    W2_rel = jax.random.normal(ks[5], (R, D_HID, D_OUT), dtype=jnp.float32) / jnp.sqrt(D_HID)
    W2_self = jax.random.normal(ks[6], (D_HID, D_OUT), dtype=jnp.float32) / jnp.sqrt(D_HID)
    return {"x": x, "edge_index": edge_index, "edge_type": edge_type,
            "W1_rel": W1_rel, "W1_self": W1_self, "W2_rel": W2_rel, "W2_self": W2_self}


def _rgcn_layer(x, src, dst, etype, W_rel, W_self, num_nodes):
    # per-relation projection: [N, R, out]
    xw = jnp.einsum('nf,rfo->nro', x, W_rel)
    # gather per-edge message for (src node, edge relation)
    msgs = xw[src, etype]  # [E, out]
    agg = jax.ops.segment_sum(msgs, dst, num_segments=num_nodes)
    deg = jax.ops.segment_sum(jnp.ones_like(dst, dtype=x.dtype), dst, num_segments=num_nodes)
    agg = agg / jnp.clip(deg, 1.0)[:, None]
    return agg + x @ W_self


def reference(x, edge_index, edge_type, W1_rel, W1_self, W2_rel, W2_self):
    src, dst = edge_index[0], edge_index[1]
    h = jax.nn.relu(_rgcn_layer(x, src, dst, edge_type, W1_rel, W1_self, N))
    out = _rgcn_layer(h, src, dst, edge_type, W2_rel, W2_self, N)
    return out

if __name__ == "__main__":
    import jax
    _d = setup_inputs()
    print(jax.jit(kernel)(*tuple(_d.values())))

</pallas_src>

<mosaic_0001>
#map = affine_map<(d0, d1) -> (0, 0, 0)>
#map1 = affine_map<(d0, d1) -> (0, 0)>
module attributes {stable_mosaic.version = 14 : i64} {
  func.func @body(%arg0: i32, %arg1: i32, %arg2: memref<32x80x125xi32, #tpu.memory_space<hbm>>, %arg3: memref<32x80x125xi32, #tpu.memory_space<hbm>>, %arg4: memref<80000x64xbf16, #tpu.memory_space<hbm>>, %arg5: memref<640x64xbf16, #tpu.memory_space<hbm>>, %arg6: memref<640x8xf32, #tpu.memory_space<hbm>>, %arg7: memref<125x8xf32, #tpu.memory_space<hbm>>, %arg8: memref<2x10240x64xbf16, #tpu.memory_space<hbm>>, %arg9: memref<2x10240x8xf32, #tpu.memory_space<hbm>>, %arg10: memref<80x125xi32, #tpu.memory_space<vmem>>, %arg11: memref<80x125xi32, #tpu.memory_space<vmem>>, %arg12: memref<10x125x64xbf16, #tpu.memory_space<vmem>>, %arg13: memref<10240x64xbf16, #tpu.memory_space<vmem_shared>>, %arg14: memref<!tpu.dma_semaphore, #tpu.memory_space<semaphore_mem>>, %arg15: memref<!tpu.dma_semaphore, #tpu.memory_space<semaphore_mem>>, %arg16: memref<!tpu.dma_semaphore, #tpu.memory_space<semaphore_mem>>, %arg17: memref<!tpu.dma_semaphore, #tpu.memory_space<semaphore_mem>>, %arg18: memref<!tpu.dma_semaphore, #tpu.memory_space<semaphore_mem>>, %arg19: memref<!tpu.dma_semaphore, #tpu.memory_space<semaphore_mem>>, %arg20: memref<!tpu.dma_semaphore, #tpu.memory_space<semaphore_mem>>, %arg21: memref<!tpu.dma_semaphore, #tpu.memory_space<semaphore_mem>>, %arg22: memref<!tpu.dma_semaphore, #tpu.memory_space<semaphore_mem>>, %arg23: memref<!tpu.dma_semaphore, #tpu.memory_space<semaphore_mem>>, %arg24: memref<!tpu.dma_semaphore, #tpu.memory_space<semaphore_mem>>, %arg25: memref<!tpu.dma_semaphore, #tpu.memory_space<semaphore_mem>>, %arg26: memref<125x8xf32, #tpu.memory_space<vmem>>, %arg27: memref<10240x8xf32, #tpu.memory_space<vmem_shared>>) attributes {dimension_semantics = [#tpu.dimension_semantics<core_parallel>, #tpu.dimension_semantics<subcore_parallel>], iteration_bounds = array<i64: 2, 16>, scalar_prefetch = 0 : i64, scratch_operands = 18 : i64, tpu.core_type = #tpu.core_type<sc_vector_subcore>, window_params = [{transform_indices = #map}, {transform_indices = #map}, {transform_indices = #map1}, {transform_indices = #map1}, {transform_indices = #map1}, {transform_indices = #map1}, {transform_indices = #map}, {transform_indices = #map}]} {
    %mul3A = arith.constant 16 : i32
    %mul3A_0 = arith.muli %arg0, %mul3A : i32
    %add3A = arith.addi %mul3A_0, %arg1 : i32
    %mul3A_1 = arith.constant 640 : i32
    %mul3A_2 = arith.muli %arg1, %mul3A_1 : i32
    "tpu.region"() ({
      %run_scoped3A = tpu.sem_alloc : memref<!tpu.dma_semaphore, #tpu.memory_space<semaphore_mem>>
      %dma_start3A = arith.constant 0 : i32
      %dma_start3A_19 = tpu.memref_slice %arg13[%mul3A_2, %dma_start3A] : memref<10240x64xbf16, #tpu.memory_space<vmem_shared>> -> memref<640x64xbf16, #tpu.memory_space<vmem_shared>>
      tpu.enqueue_dma source(%arg5 : memref<640x64xbf16, #tpu.memory_space<hbm>>) target(%dma_start3A_19 : memref<640x64xbf16, #tpu.memory_space<vmem_shared>>) target_semaphore(%run_scoped3A : memref<!tpu.dma_semaphore, #tpu.memory_space<semaphore_mem>>)
      %dma_wait3A = arith.constant 0 : i32
      %dma_wait3A_20 = tpu.memref_slice %arg13[%mul3A_2, %dma_wait3A] : memref<10240x64xbf16, #tpu.memory_space<vmem_shared>> -> memref<640x64xbf16, #tpu.memory_space<vmem_shared>>
      tpu.wait_dma2 semaphore(%run_scoped3A : memref<!tpu.dma_semaphore, #tpu.memory_space<semaphore_mem>>) src(%arg5 : memref<640x64xbf16, #tpu.memory_space<hbm>>) dst(%dma_wait3A_20 : memref<640x64xbf16, #tpu.memory_space<vmem_shared>>)
      tpu.yield
    }) : () -> ()
    %mul3A_3 = arith.constant 640 : i32
    %mul3A_4 = arith.muli %arg1, %mul3A_3 : i32
    "tpu.region"() ({
      %run_scoped3A = tpu.sem_alloc : memref<!tpu.dma_semaphore, #tpu.memory_space<semaphore_mem>>
      %dma_start3A = arith.constant 0 : i32
      %dma_start3A_19 = tpu.memref_slice %arg27[%mul3A_4, %dma_start3A] : memref<10240x8xf32, #tpu.memory_space<vmem_shared>> -> memref<640x8xf32, #tpu.memory_space<vmem_shared>>
      tpu.enqueue_dma source(%arg6 : memref<640x8xf32, #tpu.memory_space<hbm>>) target(%dma_start3A_19 : memref<640x8xf32, #tpu.memory_space<vmem_shared>>) target_semaphore(%run_scoped3A : memref<!tpu.dma_semaphore, #tpu.memory_space<semaphore_mem>>)
      %dma_wait3A = arith.constant 0 : i32
      %dma_wait3A_20 = tpu.memref_slice %arg27[%mul3A_4, %dma_wait3A] : memref<10240x8xf32, #tpu.memory_space<vmem_shared>> -> memref<640x8xf32, #tpu.memory_space<vmem_shared>>
      tpu.wait_dma2 semaphore(%run_scoped3A : memref<!tpu.dma_semaphore, #tpu.memory_space<semaphore_mem>>) src(%arg6 : memref<640x8xf32, #tpu.memory_space<hbm>>) dst(%dma_wait3A_20 : memref<640x8xf32, #tpu.memory_space<vmem_shared>>)
      tpu.yield
    }) : () -> ()
    "tpu.region"() ({
      %run_scoped3A = tpu.sem_alloc : memref<!tpu.dma_semaphore, #tpu.memory_space<semaphore_mem>>
      tpu.enqueue_dma source(%arg7 : memref<125x8xf32, #tpu.memory_space<hbm>>) target(%arg26 : memref<125x8xf32, #tpu.memory_space<vmem>>) target_semaphore(%run_scoped3A : memref<!tpu.dma_semaphore, #tpu.memory_space<semaphore_mem>>)
      tpu.wait_dma2 semaphore(%run_scoped3A : memref<!tpu.dma_semaphore, #tpu.memory_space<semaphore_mem>>) src(%arg7 : memref<125x8xf32, #tpu.memory_space<hbm>>) dst(%arg26 : memref<125x8xf32, #tpu.memory_space<vmem>>)
      tpu.yield
    }) : () -> ()
    "tpu.region"() ({
      %run_scoped3A = tpu.sem_alloc : memref<!tpu.dma_semaphore, #tpu.memory_space<semaphore_mem>>
      %dma_start3A = arith.constant 0 : i32
      %dma_start3A_19 = arith.constant 0 : i32
      %dma_start3A_20 = tpu.memref_slice %arg2[%add3A, %dma_start3A, %dma_start3A_19] : memref<32x80x125xi32, #tpu.memory_space<hbm>> -> memref<1x80x125xi32, #tpu.memory_space<hbm>>
      %dma_start3A_21 = tpu.memref_squeeze %dma_start3A_20 : memref<1x80x125xi32, #tpu.memory_space<hbm>> -> memref<80x125xi32, #tpu.memory_space<hbm>>
      %dma_start3A_22 = arith.constant 0 : i32
      %dma_start3A_23 = arith.constant 0 : i32
      %dma_start3A_24 = tpu.memref_slice %arg2[%add3A, %dma_start3A_22, %dma_start3A_23] : memref<32x80x125xi32, #tpu.memory_space<hbm>> -> memref<1x80x125xi32, #tpu.memory_space<hbm>>
      %dma_start3A_25 = tpu.memref_squeeze %dma_start3A_24 : memref<1x80x125xi32, #tpu.memory_space<hbm>> -> memref<80x125xi32, #tpu.memory_space<hbm>>
      tpu.enqueue_dma source(%dma_start3A_25 : memref<80x125xi32, #tpu.memory_space<hbm>>) target(%arg10 : memref<80x125xi32, #tpu.memory_space<vmem>>) target_semaphore(%run_scoped3A : memref<!tpu.dma_semaphore, #tpu.memory_space<semaphore_mem>>)
      %dma_wait3A = arith.constant 0 : i32
      %dma_wait3A_26 = arith.constant 0 : i32
      %dma_wait3A_27 = tpu.memref_slice %arg2[%add3A, %dma_wait3A, %dma_wait3A_26] : memref<32x80x125xi32, #tpu.memory_space<hbm>> -> memref<1x80x125xi32, #tpu.memory_space<hbm>>
      %dma_wait3A_28 = tpu.memref_squeeze %dma_wait3A_27 : memref<1x80x125xi32, #tpu.memory_space<hbm>> -> memref<80x125xi32, #tpu.memory_space<hbm>>
      %dma_wait3A_29 = arith.constant 0 : i32
      %dma_wait3A_30 = arith.constant 0 : i32
      %dma_wait3A_31 = tpu.memref_slice %arg2[%add3A, %dma_wait3A_29, %dma_wait3A_30] : memref<32x80x125xi32, #tpu.memory_space<hbm>> -> memref<1x80x125xi32, #tpu.memory_space<hbm>>
      %dma_wait3A_32 = tpu.memref_squeeze %dma_wait3A_31 : memref<1x80x125xi32, #tpu.memory_space<hbm>> -> memref<80x125xi32, #tpu.memory_space<hbm>>
      tpu.wait_dma2 semaphore(%run_scoped3A : memref<!tpu.dma_semaphore, #tpu.memory_space<semaphore_mem>>) src(%dma_wait3A_32 : memref<80x125xi32, #tpu.memory_space<hbm>>) dst(%arg10 : memref<80x125xi32, #tpu.memory_space<vmem>>)
      tpu.yield
    }) : () -> ()
    "tpu.region"() ({
      %run_scoped3A = tpu.sem_alloc : memref<!tpu.dma_semaphore, #tpu.memory_space<semaphore_mem>>
      %dma_start3A = arith.constant 0 : i32
      %dma_start3A_19 = arith.constant 0 : i32
      %dma_start3A_20 = tpu.memref_slice %arg3[%add3A, %dma_start3A, %dma_start3A_19] : memref<32x80x125xi32, #tpu.memory_space<hbm>> -> memref<1x80x125xi32, #tpu.memory_space<hbm>>
      %dma_start3A_21 = tpu.memref_squeeze %dma_start3A_20 : memref<1x80x125xi32, #tpu.memory_space<hbm>> -> memref<80x125xi32, #tpu.memory_space<hbm>>
      %dma_start3A_22 = arith.constant 0 : i32
      %dma_start3A_23 = arith.constant 0 : i32
      %dma_start3A_24 = tpu.memref_slice %arg3[%add3A, %dma_start3A_22, %dma_start3A_23] : memref<32x80x125xi32, #tpu.memory_space<hbm>> -> memref<1x80x125xi32, #tpu.memory_space<hbm>>
      %dma_start3A_25 = tpu.memref_squeeze %dma_start3A_24 : memref<1x80x125xi32, #tpu.memory_space<hbm>> -> memref<80x125xi32, #tpu.memory_space<hbm>>
      tpu.enqueue_dma source(%dma_start3A_25 : memref<80x125xi32, #tpu.memory_space<hbm>>) target(%arg11 : memref<80x125xi32, #tpu.memory_space<vmem>>) target_semaphore(%run_scoped3A : memref<!tpu.dma_semaphore, #tpu.memory_space<semaphore_mem>>)
      %dma_wait3A = arith.constant 0 : i32
      %dma_wait3A_26 = arith.constant 0 : i32
      %dma_wait3A_27 = tpu.memref_slice %arg3[%add3A, %dma_wait3A, %dma_wait3A_26] : memref<32x80x125xi32, #tpu.memory_space<hbm>> -> memref<1x80x125xi32, #tpu.memory_space<hbm>>
      %dma_wait3A_28 = tpu.memref_squeeze %dma_wait3A_27 : memref<1x80x125xi32, #tpu.memory_space<hbm>> -> memref<80x125xi32, #tpu.memory_space<hbm>>
      %dma_wait3A_29 = arith.constant 0 : i32
      %dma_wait3A_30 = arith.constant 0 : i32
      %dma_wait3A_31 = tpu.memref_slice %arg3[%add3A, %dma_wait3A_29, %dma_wait3A_30] : memref<32x80x125xi32, #tpu.memory_space<hbm>> -> memref<1x80x125xi32, #tpu.memory_space<hbm>>
      %dma_wait3A_32 = tpu.memref_squeeze %dma_wait3A_31 : memref<1x80x125xi32, #tpu.memory_space<hbm>> -> memref<80x125xi32, #tpu.memory_space<hbm>>
      tpu.wait_dma2 semaphore(%run_scoped3A : memref<!tpu.dma_semaphore, #tpu.memory_space<semaphore_mem>>) src(%dma_wait3A_32 : memref<80x125xi32, #tpu.memory_space<hbm>>) dst(%arg11 : memref<80x125xi32, #tpu.memory_space<vmem>>)
      tpu.yield
    }) : () -> ()
    %barrier3A = arith.constant 0 : index
    tpu.barrier barrier_id(%barrier3A)
    %scan3A = arith.constant 0 : i32
    %scan3A_5 = arith.constant 0 : i32
    %scan3A_6 = arith.constant 8 : i32
    %scan3A_7 = arith.addi %scan3A_5, %scan3A_6 : i32
    %scan3A_8 = arith.constant 1 : i32
    scf.for %scan3A_19 = %scan3A_5 to %scan3A_7 step %scan3A_8  : i32 {
      %mul3A_20 = arith.constant 10 : i32
      %mul3A_21 = arith.muli %mul3A_20, %scan3A_19 : i32
      %add3A_22 = arith.constant 0 : i32
      %add3A_23 = arith.addi %mul3A_21, %add3A_22 : i32
      %dma_start3A = arith.constant 0 : i32
      %dma_start3A_24 = arith.constant 0 : i32
      %dma_start3A_25 = arith.constant 0 : i32
      %dma_start3A_26 = tpu.memref_slice %arg12[%dma_start3A, %dma_start3A_24, %dma_start3A_25] : memref<10x125x64xbf16, #tpu.memory_space<vmem>> -> memref<1x125x64xbf16, #tpu.memory_space<vmem>>
      %dma_start3A_27 = tpu.memref_squeeze %dma_start3A_26 : memref<1x125x64xbf16, #tpu.memory_space<vmem>> -> memref<125x64xbf16, #tpu.memory_space<vmem>>
      %dma_start3A_28 = arith.constant 0 : i32
      %dma_start3A_29 = tpu.memref_slice %arg10[%add3A_23, %dma_start3A_28] : memref<80x125xi32, #tpu.memory_space<vmem>> -> memref<1x125xi32, #tpu.memory_space<vmem>>
      %dma_start3A_30 = tpu.memref_squeeze %dma_start3A_29 : memref<1x125xi32, #tpu.memory_space<vmem>> -> memref<125xi32, #tpu.memory_space<vmem>>
      %dma_start3A_31 = arith.constant 0 : i32
      %dma_start3A_32 = arith.constant 0 : i32
      %dma_start3A_33 = tpu.memref_slice %arg4[%dma_start3A_31, %dma_start3A_32] : memref<80000x64xbf16, #tpu.memory_space<hbm>> -> memref<80000x64xbf16, #tpu.memory_space<hbm>>
      tpu.enqueue_indirect_dma source(%dma_start3A_33 : memref<80000x64xbf16, #tpu.memory_space<hbm>>) target(%dma_start3A_27 : memref<125x64xbf16, #tpu.memory_space<vmem>>) offsets(%dma_start3A_30 : memref<125xi32, #tpu.memory_space<vmem>>) semaphore(%arg14 : memref<!tpu.dma_semaphore, #tpu.memory_space<semaphore_mem>>)
      %mul3A_34 = arith.constant 10 : i32
      %mul3A_35 = arith.muli %mul3A_34, %scan3A_19 : i32
      %add3A_36 = arith.constant 1 : i32
      %add3A_37 = arith.addi %mul3A_35, %add3A_36 : i32
      %dma_start3A_38 = arith.constant 1 : i32
      %dma_start3A_39 = arith.constant 0 : i32
      %dma_start3A_40 = arith.constant 0 : i32
      %dma_start3A_41 = tpu.memref_slice %arg12[%dma_start3A_38, %dma_start3A_39, %dma_start3A_40] : memref<10x125x64xbf16, #tpu.memory_space<vmem>> -> memref<1x125x64xbf16, #tpu.memory_space<vmem>>
      %dma_start3A_42 = tpu.memref_squeeze %dma_start3A_41 : memref<1x125x64xbf16, #tpu.memory_space<vmem>> -> memref<125x64xbf16, #tpu.memory_space<vmem>>
      %dma_start3A_43 = arith.constant 0 : i32
      %dma_start3A_44 = tpu.memref_slice %arg10[%add3A_37, %dma_start3A_43] : memref<80x125xi32, #tpu.memory_space<vmem>> -> memref<1x125xi32, #tpu.memory_space<vmem>>
      %dma_start3A_45 = tpu.memref_squeeze %dma_start3A_44 : memref<1x125xi32, #tpu.memory_space<vmem>> -> memref<125xi32, #tpu.memory_space<vmem>>
      %dma_start3A_46 = arith.constant 0 : i32
      %dma_start3A_47 = arith.constant 0 : i32
      %dma_start3A_48 = tpu.memref_slice %arg4[%dma_start3A_46, %dma_start3A_47] : memref<80000x64xbf16, #tpu.memory_space<hbm>> -> memref<80000x64xbf16, #tpu.memory_space<hbm>>
      tpu.enqueue_indirect_dma source(%dma_start3A_48 : memref<80000x64xbf16, #tpu.memory_space<hbm>>) target(%dma_start3A_42 : memref<125x64xbf16, #tpu.memory_space<vmem>>) offsets(%dma_start3A_45 : memref<125xi32, #tpu.memory_space<vmem>>) semaphore(%arg15 : memref<!tpu.dma_semaphore, #tpu.memory_space<semaphore_mem>>)
      %mul3A_49 = arith.constant 10 : i32
      %mul3A_50 = arith.muli %mul3A_49, %scan3A_19 : i32
      %add3A_51 = arith.constant 2 : i32
      %add3A_52 = arith.addi %mul3A_50, %add3A_51 : i32
      %dma_start3A_53 = arith.constant 2 : i32
      %dma_start3A_54 = arith.constant 0 : i32
      %dma_start3A_55 = arith.constant 0 : i32
      %dma_start3A_56 = tpu.memref_slice %arg12[%dma_start3A_53, %dma_start3A_54, %dma_start3A_55] : memref<10x125x64xbf16, #tpu.memory_space<vmem>> -> memref<1x125x64xbf16, #tpu.memory_space<vmem>>
      %dma_start3A_57 = tpu.memref_squeeze %dma_start3A_56 : memref<1x125x64xbf16, #tpu.memory_space<vmem>> -> memref<125x64xbf16, #tpu.memory_space<vmem>>
      %dma_start3A_58 = arith.constant 0 : i32
      %dma_start3A_59 = tpu.memref_slice %arg10[%add3A_52, %dma_start3A_58] : memref<80x125xi32, #tpu.memory_space<vmem>> -> memref<1x125xi32, #tpu.memory_space<vmem>>
      %dma_start3A_60 = tpu.memref_squeeze %dma_start3A_59 : memref<1x125xi32, #tpu.memory_space<vmem>> -> memref<125xi32, #tpu.memory_space<vmem>>
      %dma_start3A_61 = arith.constant 0 : i32
      %dma_start3A_62 = arith.constant 0 : i32
      %dma_start3A_63 = tpu.memref_slice %arg4[%dma_start3A_61, %dma_start3A_62] : memref<80000x64xbf16, #tpu.memory_space<hbm>> -> memref<80000x64xbf16, #tpu.memory_space<hbm>>
      tpu.enqueue_indirect_dma source(%dma_start3A_63 : memref<80000x64xbf16, #tpu.memory_space<hbm>>) target(%dma_start3A_57 : memref<125x64xbf16, #tpu.memory_space<vmem>>) offsets(%dma_start3A_60 : memref<125xi32, #tpu.memory_space<vmem>>) semaphore(%arg16 : memref<!tpu.dma_semaphore, #tpu.memory_space<semaphore_mem>>)
      %mul3A_64 = arith.constant 10 : i32
      %mul3A_65 = arith.muli %mul3A_64, %scan3A_19 : i32
      %add3A_66 = arith.constant 3 : i32
      %add3A_67 = arith.addi %mul3A_65, %add3A_66 : i32
      %dma_start3A_68 = arith.constant 3 : i32
      %dma_start3A_69 = arith.constant 0 : i32
      %dma_start3A_70 = arith.constant 0 : i32
      %dma_start3A_71 = tpu.memref_slice %arg12[%dma_start3A_68, %dma_start3A_69, %dma_start3A_70] : memref<10x125x64xbf16, #tpu.memory_space<vmem>> -> memref<1x125x64xbf16, #tpu.memory_space<vmem>>
      %dma_start3A_72 = tpu.memref_squeeze %dma_start3A_71 : memref<1x125x64xbf16, #tpu.memory_space<vmem>> -> memref<125x64xbf16, #tpu.memory_space<vmem>>
      %dma_start3A_73 = arith.constant 0 : i32
      %dma_start3A_74 = tpu.memref_slice %arg10[%add3A_67, %dma_start3A_73] : memref<80x125xi32, #tpu.memory_space<vmem>> -> memref<1x125xi32, #tpu.memory_space<vmem>>
      %dma_start3A_75 = tpu.memref_squeeze %dma_start3A_74 : memref<1x125xi32, #tpu.memory_space<vmem>> -> memref<125xi32, #tpu.memory_space<vmem>>
      %dma_start3A_76 = arith.constant 0 : i32
      %dma_start3A_77 = arith.constant 0 : i32
      %dma_start3A_78 = tpu.memref_slice %arg4[%dma_start3A_76, %dma_start3A_77] : memref<80000x64xbf16, #tpu.memory_space<hbm>> -> memref<80000x64xbf16, #tpu.memory_space<hbm>>
      tpu.enqueue_indirect_dma source(%dma_start3A_78 : memref<80000x64xbf16, #tpu.memory_space<hbm>>) target(%dma_start3A_72 : memref<125x64xbf16, #tpu.memory_space<vmem>>) offsets(%dma_start3A_75 : memref<125xi32, #tpu.memory_space<vmem>>) semaphore(%arg17 : memref<!tpu.dma_semaphore, #tpu.memory_space<semaphore_mem>>)
      %mul3A_79 = arith.constant 10 : i32
      %mul3A_80 = arith.muli %mul3A_79, %scan3A_19 : i32
      %add3A_81 = arith.constant 4 : i32
      %add3A_82 = arith.addi %mul3A_80, %add3A_81 : i32
      %dma_start3A_83 = arith.constant 4 : i32
      %dma_start3A_84 = arith.constant 0 : i32
      %dma_start3A_85 = arith.constant 0 : i32
      %dma_start3A_86 = tpu.memref_slice %arg12[%dma_start3A_83, %dma_start3A_84, %dma_start3A_85] : memref<10x125x64xbf16, #tpu.memory_space<vmem>> -> memref<1x125x64xbf16, #tpu.memory_space<vmem>>
      %dma_start3A_87 = tpu.memref_squeeze %dma_start3A_86 : memref<1x125x64xbf16, #tpu.memory_space<vmem>> -> memref<125x64xbf16, #tpu.memory_space<vmem>>
      %dma_start3A_88 = arith.constant 0 : i32
      %dma_start3A_89 = tpu.memref_slice %arg10[%add3A_82, %dma_start3A_88] : memref<80x125xi32, #tpu.memory_space<vmem>> -> memref<1x125xi32, #tpu.memory_space<vmem>>
      %dma_start3A_90 = tpu.memref_squeeze %dma_start3A_89 : memref<1x125xi32, #tpu.memory_space<vmem>> -> memref<125xi32, #tpu.memory_space<vmem>>
      %dma_start3A_91 = arith.constant 0 : i32
      %dma_start3A_92 = arith.constant 0 : i32
      %dma_start3A_93 = tpu.memref_slice %arg4[%dma_start3A_91, %dma_start3A_92] : memref<80000x64xbf16, #tpu.memory_space<hbm>> -> memref<80000x64xbf16, #tpu.memory_space<hbm>>
      tpu.enqueue_indirect_dma source(%dma_start3A_93 : memref<80000x64xbf16, #tpu.memory_space<hbm>>) target(%dma_start3A_87 : memref<125x64xbf16, #tpu.memory_space<vmem>>) offsets(%dma_start3A_90 : memref<125xi32, #tpu.memory_space<vmem>>) semaphore(%arg18 : memref<!tpu.dma_semaphore, #tpu.memory_space<semaphore_mem>>)
      %mul3A_94 = arith.constant 10 : i32
      %mul3A_95 = arith.muli %mul3A_94, %scan3A_19 : i32
      %add3A_96 = arith.constant 5 : i32
      %add3A_97 = arith.addi %mul3A_95, %add3A_96 : i32
      %dma_start3A_98 = arith.constant 5 : i32
      %dma_start3A_99 = arith.constant 0 : i32
      %dma_start3A_100 = arith.constant 0 : i32
      %dma_start3A_101 = tpu.memref_slice %arg12[%dma_start3A_98, %dma_start3A_99, %dma_start3A_100] : memref<10x125x64xbf16, #tpu.memory_space<vmem>> -> memref<1x125x64xbf16, #tpu.memory_space<vmem>>
      %dma_start3A_102 = tpu.memref_squeeze %dma_start3A_101 : memref<1x125x64xbf16, #tpu.memory_space<vmem>> -> memref<125x64xbf16, #tpu.memory_space<vmem>>
      %dma_start3A_103 = arith.constant 0 : i32
      %dma_start3A_104 = tpu.memref_slice %arg10[%add3A_97, %dma_start3A_103] : memref<80x125xi32, #tpu.memory_space<vmem>> -> memref<1x125xi32, #tpu.memory_space<vmem>>
      %dma_start3A_105 = tpu.memref_squeeze %dma_start3A_104 : memref<1x125xi32, #tpu.memory_space<vmem>> -> memref<125xi32, #tpu.memory_space<vmem>>
      %dma_start3A_106 = arith.constant 0 : i32
      %dma_start3A_107 = arith.constant 0 : i32
      %dma_start3A_108 = tpu.memref_slice %arg4[%dma_start3A_106, %dma_start3A_107] : memref<80000x64xbf16, #tpu.memory_space<hbm>> -> memref<80000x64xbf16, #tpu.memory_space<hbm>>
      tpu.enqueue_indirect_dma source(%dma_start3A_108 : memref<80000x64xbf16, #tpu.memory_space<hbm>>) target(%dma_start3A_102 : memref<125x64xbf16, #tpu.memory_space<vmem>>) offsets(%dma_start3A_105 : memref<125xi32, #tpu.memory_space<vmem>>) semaphore(%arg19 : memref<!tpu.dma_semaphore, #tpu.memory_space<semaphore_mem>>)
      %mul3A_109 = arith.constant 10 : i32
      %mul3A_110 = arith.muli %mul3A_109, %scan3A_19 : i32
      %add3A_111 = arith.constant 6 : i32
      %add3A_112 = arith.addi %mul3A_110, %add3A_111 : i32
      %dma_start3A_113 = arith.constant 6 : i32
      %dma_start3A_114 = arith.constant 0 : i32
      %dma_start3A_115 = arith.constant 0 : i32
      %dma_start3A_116 = tpu.memref_slice %arg12[%dma_start3A_113, %dma_start3A_114, %dma_start3A_115] : memref<10x125x64xbf16, #tpu.memory_space<vmem>> -> memref<1x125x64xbf16, #tpu.memory_space<vmem>>
      %dma_start3A_117 = tpu.memref_squeeze %dma_start3A_116 : memref<1x125x64xbf16, #tpu.memory_space<vmem>> -> memref<125x64xbf16, #tpu.memory_space<vmem>>
      %dma_start3A_118 = arith.constant 0 : i32
      %dma_start3A_119 = tpu.memref_slice %arg10[%add3A_112, %dma_start3A_118] : memref<80x125xi32, #tpu.memory_space<vmem>> -> memref<1x125xi32, #tpu.memory_space<vmem>>
      %dma_start3A_120 = tpu.memref_squeeze %dma_start3A_119 : memref<1x125xi32, #tpu.memory_space<vmem>> -> memref<125xi32, #tpu.memory_space<vmem>>
      %dma_start3A_121 = arith.constant 0 : i32
      %dma_start3A_122 = arith.constant 0 : i32
      %dma_start3A_123 = tpu.memref_slice %arg4[%dma_start3A_121, %dma_start3A_122] : memref<80000x64xbf16, #tpu.memory_space<hbm>> -> memref<80000x64xbf16, #tpu.memory_space<hbm>>
      tpu.enqueue_indirect_dma source(%dma_start3A_123 : memref<80000x64xbf16, #tpu.memory_space<hbm>>) target(%dma_start3A_117 : memref<125x64xbf16, #tpu.memory_space<vmem>>) offsets(%dma_start3A_120 : memref<125xi32, #tpu.memory_space<vmem>>) semaphore(%arg20 : memref<!tpu.dma_semaphore, #tpu.memory_space<semaphore_mem>>)
      %mul3A_124 = arith.constant 10 : i32
      %mul3A_125 = arith.muli %mul3A_124, %scan3A_19 : i32
      %add3A_126 = arith.constant 7 : i32
      %add3A_127 = arith.addi %mul3A_125, %add3A_126 : i32
      %dma_start3A_128 = arith.constant 7 : i32
      %dma_start3A_129 = arith.constant 0 : i32
      %dma_start3A_130 = arith.constant 0 : i32
      %dma_start3A_131 = tpu.memref_slice %arg12[%dma_start3A_128, %dma_start3A_129, %dma_start3A_130] : memref<10x125x64xbf16, #tpu.memory_space<vmem>> -> memref<1x125x64xbf16, #tpu.memory_space<vmem>>
      %dma_start3A_132 = tpu.memref_squeeze %dma_start3A_131 : memref<1x125x64xbf16, #tpu.memory_space<vmem>> -> memref<125x64xbf16, #tpu.memory_space<vmem>>
      %dma_start3A_133 = arith.constant 0 : i32
      %dma_start3A_134 = tpu.memref_slice %arg10[%add3A_127, %dma_start3A_133] : memref<80x125xi32, #tpu.memory_space<vmem>> -> memref<1x125xi32, #tpu.memory_space<vmem>>
      %dma_start3A_135 = tpu.memref_squeeze %dma_start3A_134 : memref<1x125xi32, #tpu.memory_space<vmem>> -> memref<125xi32, #tpu.memory_space<vmem>>
      %dma_start3A_136 = arith.constant 0 : i32
      %dma_start3A_137 = arith.constant 0 : i32
      %dma_start3A_138 = tpu.memref_slice %arg4[%dma_start3A_136, %dma_start3A_137] : memref<80000x64xbf16, #tpu.memory_space<hbm>> -> memref<80000x64xbf16, #tpu.memory_space<hbm>>
      tpu.enqueue_indirect_dma source(%dma_start3A_138 : memref<80000x64xbf16, #tpu.memory_space<hbm>>) target(%dma_start3A_132 : memref<125x64xbf16, #tpu.memory_space<vmem>>) offsets(%dma_start3A_135 : memref<125xi32, #tpu.memory_space<vmem>>) semaphore(%arg21 : memref<!tpu.dma_semaphore, #tpu.memory_space<semaphore_mem>>)
      %mul3A_139 = arith.constant 10 : i32
      %mul3A_140 = arith.muli %mul3A_139, %scan3A_19 : i32
      %add3A_141 = arith.constant 8 : i32
      %add3A_142 = arith.addi %mul3A_140, %add3A_141 : i32
      %dma_start3A_143 = arith.constant 8 : i32
      %dma_start3A_144 = arith.constant 0 : i32
      %dma_start3A_145 = arith.constant 0 : i32
      %dma_start3A_146 = tpu.memref_slice %arg12[%dma_start3A_143, %dma_start3A_144, %dma_start3A_145] : memref<10x125x64xbf16, #tpu.memory_space<vmem>> -> memref<1x125x64xbf16, #tpu.memory_space<vmem>>
      %dma_start3A_147 = tpu.memref_squeeze %dma_start3A_146 : memref<1x125x64xbf16, #tpu.memory_space<vmem>> -> memref<125x64xbf16, #tpu.memory_space<vmem>>
      %dma_start3A_148 = arith.constant 0 : i32
      %dma_start3A_149 = tpu.memref_slice %arg10[%add3A_142, %dma_start3A_148] : memref<80x125xi32, #tpu.memory_space<vmem>> -> memref<1x125xi32, #tpu.memory_space<vmem>>
      %dma_start3A_150 = tpu.memref_squeeze %dma_start3A_149 : memref<1x125xi32, #tpu.memory_space<vmem>> -> memref<125xi32, #tpu.memory_space<vmem>>
      %dma_start3A_151 = arith.constant 0 : i32
      %dma_start3A_152 = arith.constant 0 : i32
      %dma_start3A_153 = tpu.memref_slice %arg4[%dma_start3A_151, %dma_start3A_152] : memref<80000x64xbf16, #tpu.memory_space<hbm>> -> memref<80000x64xbf16, #tpu.memory_space<hbm>>
      tpu.enqueue_indirect_dma source(%dma_start3A_153 : memref<80000x64xbf16, #tpu.memory_space<hbm>>) target(%dma_start3A_147 : memref<125x64xbf16, #tpu.memory_space<vmem>>) offsets(%dma_start3A_150 : memref<125xi32, #tpu.memory_space<vmem>>) semaphore(%arg22 : memref<!tpu.dma_semaphore, #tpu.memory_space<semaphore_mem>>)
      %mul3A_154 = arith.constant 10 : i32
      %mul3A_155 = arith.muli %mul3A_154, %scan3A_19 : i32
      %add3A_156 = arith.constant 9 : i32
      %add3A_157 = arith.addi %mul3A_155, %add3A_156 : i32
      %dma_start3A_158 = arith.constant 9 : i32
      %dma_start3A_159 = arith.constant 0 : i32
      %dma_start3A_160 = arith.constant 0 : i32
      %dma_start3A_161 = tpu.memref_slice %arg12[%dma_start3A_158, %dma_start3A_159, %dma_start3A_160] : memref<10x125x64xbf16, #tpu.memory_space<vmem>> -> memref<1x125x64xbf16, #tpu.memory_space<vmem>>
      %dma_start3A_162 = tpu.memref_squeeze %dma_start3A_161 : memref<1x125x64xbf16, #tpu.memory_space<vmem>> -> memref<125x64xbf16, #tpu.memory_space<vmem>>
      %dma_start3A_163 = arith.constant 0 : i32
      %dma_start3A_164 = tpu.memref_slice %arg10[%add3A_157, %dma_start3A_163] : memref<80x125xi32, #tpu.memory_space<vmem>> -> memref<1x125xi32, #tpu.memory_space<vmem>>
      %dma_start3A_165 = tpu.memref_squeeze %dma_start3A_164 : memref<1x125xi32, #tpu.memory_space<vmem>> -> memref<125xi32, #tpu.memory_space<vmem>>
      %dma_start3A_166 = arith.constant 0 : i32
      %dma_start3A_167 = arith.constant 0 : i32
      %dma_start3A_168 = tpu.memref_slice %arg4[%dma_start3A_166, %dma_start3A_167] : memref<80000x64xbf16, #tpu.memory_space<hbm>> -> memref<80000x64xbf16, #tpu.memory_space<hbm>>
      tpu.enqueue_indirect_dma source(%dma_start3A_168 : memref<80000x64xbf16, #tpu.memory_space<hbm>>) target(%dma_start3A_162 : memref<125x64xbf16, #tpu.memory_space<vmem>>) offsets(%dma_start3A_165 : memref<125xi32, #tpu.memory_space<vmem>>) semaphore(%arg23 : memref<!tpu.dma_semaphore, #tpu.memory_space<semaphore_mem>>)
      %dma_wait3A = arith.constant 0 : i32
      %dma_wait3A_169 = arith.constant 0 : i32
      %dma_wait3A_170 = arith.constant 0 : i32
      %dma_wait3A_171 = tpu.memref_slice %arg12[%dma_wait3A, %dma_wait3A_169, %dma_wait3A_170] : memref<10x125x64xbf16, #tpu.memory_space<vmem>> -> memref<1x125x64xbf16, #tpu.memory_space<vmem>>
      %dma_wait3A_172 = tpu.memref_squeeze %dma_wait3A_171 : memref<1x125x64xbf16, #tpu.memory_space<vmem>> -> memref<125x64xbf16, #tpu.memory_space<vmem>>
      %dma_wait3A_173 = arith.constant 0 : i32
      %dma_wait3A_174 = tpu.memref_slice %arg10[%add3A_23, %dma_wait3A_173] : memref<80x125xi32, #tpu.memory_space<vmem>> -> memref<1x125xi32, #tpu.memory_space<vmem>>
      %dma_wait3A_175 = tpu.memref_squeeze %dma_wait3A_174 : memref<1x125xi32, #tpu.memory_space<vmem>> -> memref<125xi32, #tpu.memory_space<vmem>>
      %dma_wait3A_176 = arith.constant 0 : i32
      %dma_wait3A_177 = arith.constant 0 : i32
      %dma_wait3A_178 = tpu.memref_slice %arg4[%dma_wait3A_176, %dma_wait3A_177] : memref<80000x64xbf16, #tpu.memory_space<hbm>> -> memref<80000x64xbf16, #tpu.memory_space<hbm>>
      tpu.wait_indirect_dma semaphore(%arg14 : memref<!tpu.dma_semaphore, #tpu.memory_space<semaphore_mem>>) src(%dma_wait3A_178 : memref<80000x64xbf16, #tpu.memory_space<hbm>>) dst(%dma_wait3A_172 : memref<125x64xbf16, #tpu.memory_space<vmem>>)
      %mul3A_179 = arith.constant 10 : i32
      %mul3A_180 = arith.muli %mul3A_179, %scan3A_19 : i32
      %add3A_181 = arith.constant 0 : i32
      %add3A_182 = arith.addi %mul3A_180, %add3A_181 : i32
      %dma_start3A_183 = arith.constant 0 : i32
      %dma_start3A_184 = arith.constant 0 : i32
      %dma_start3A_185 = arith.constant 0 : i32
      %dma_start3A_186 = tpu.memref_slice %arg12[%dma_start3A_183, %dma_start3A_184, %dma_start3A_185] : memref<10x125x64xbf16, #tpu.memory_space<vmem>> -> memref<1x125x64xbf16, #tpu.memory_space<vmem>>
      %dma_start3A_187 = tpu.memref_squeeze %dma_start3A_186 : memref<1x125x64xbf16, #tpu.memory_space<vmem>> -> memref<125x64xbf16, #tpu.memory_space<vmem>>
      %dma_start3A_188 = arith.constant 0 : i32
      %dma_start3A_189 = tpu.memref_slice %arg11[%add3A_182, %dma_start3A_188] : memref<80x125xi32, #tpu.memory_space<vmem>> -> memref<1x125xi32, #tpu.memory_space<vmem>>
      %dma_start3A_190 = tpu.memref_squeeze %dma_start3A_189 : memref<1x125xi32, #tpu.memory_space<vmem>> -> memref<125xi32, #tpu.memory_space<vmem>>
      %dma_start3A_191 = arith.constant 0 : i32
      %dma_start3A_192 = arith.constant 0 : i32
      %dma_start3A_193 = tpu.memref_slice %arg13[%dma_start3A_191, %dma_start3A_192] : memref<10240x64xbf16, #tpu.memory_space<vmem_shared>> -> memref<10240x64xbf16, #tpu.memory_space<vmem_shared>>
      tpu.enqueue_indirect_dma source(%dma_start3A_187 : memref<125x64xbf16, #tpu.memory_space<vmem>>) target(%dma_start3A_193 : memref<10240x64xbf16, #tpu.memory_space<vmem_shared>>) offsets(%dma_start3A_190 : memref<125xi32, #tpu.memory_space<vmem>>) semaphore(%arg24 : memref<!tpu.dma_semaphore, #tpu.memory_space<semaphore_mem>>) {add = true}
      %mul3A_194 = arith.constant 10 : i32
      %mul3A_195 = arith.muli %mul3A_194, %scan3A_19 : i32
      %add3A_196 = arith.constant 0 : i32
      %add3A_197 = arith.addi %mul3A_195, %add3A_196 : i32
      %dma_start3A_198 = arith.constant 0 : i32
      %dma_start3A_199 = tpu.memref_slice %arg11[%add3A_197, %dma_start3A_198] : memref<80x125xi32, #tpu.memory_space<vmem>> -> memref<1x125xi32, #tpu.memory_space<vmem>>
      %dma_start3A_200 = tpu.memref_squeeze %dma_start3A_199 : memref<1x125xi32, #tpu.memory_space<vmem>> -> memref<125xi32, #tpu.memory_space<vmem>>
      %dma_start3A_201 = arith.constant 0 : i32
      %dma_start3A_202 = arith.constant 0 : i32
      %dma_start3A_203 = tpu.memref_slice %arg27[%dma_start3A_201, %dma_start3A_202] : memref<10240x8xf32, #tpu.memory_space<vmem_shared>> -> memref<10240x8xf32, #tpu.memory_space<vmem_shared>>
      tpu.enqueue_indirect_dma source(%arg26 : memref<125x8xf32, #tpu.memory_space<vmem>>) target(%dma_start3A_203 : memref<10240x8xf32, #tpu.memory_space<vmem_shared>>) offsets(%dma_start3A_200 : memref<125xi32, #tpu.memory_space<vmem>>) semaphore(%arg25 : memref<!tpu.dma_semaphore, #tpu.memory_space<semaphore_mem>>) {add = true}
      %dma_wait3A_204 = arith.constant 1 : i32
      %dma_wait3A_205 = arith.constant 0 : i32
      %dma_wait3A_206 = arith.constant 0 : i32
      %dma_wait3A_207 = tpu.memref_slice %arg12[%dma_wait3A_204, %dma_wait3A_205, %dma_wait3A_206] : memref<10x125x64xbf16, #tpu.memory_space<vmem>> -> memref<1x125x64xbf16, #tpu.memory_space<vmem>>
      %dma_wait3A_208 = tpu.memref_squeeze %dma_wait3A_207 : memref<1x125x64xbf16, #tpu.memory_space<vmem>> -> memref<125x64xbf16, #tpu.memory_space<vmem>>
      %dma_wait3A_209 = arith.constant 0 : i32
      %dma_wait3A_210 = tpu.memref_slice %arg10[%add3A_37, %dma_wait3A_209] : memref<80x125xi32, #tpu.memory_space<vmem>> -> memref<1x125xi32, #tpu.memory_space<vmem>>
      %dma_wait3A_211 = tpu.memref_squeeze %dma_wait3A_210 : memref<1x125xi32, #tpu.memory_space<vmem>> -> memref<125xi32, #tpu.memory_space<vmem>>
      %dma_wait3A_212 = arith.constant 0 : i32
      %dma_wait3A_213 = arith.constant 0 : i32
      %dma_wait3A_214 = tpu.memref_slice %arg4[%dma_wait3A_212, %dma_wait3A_213] : memref<80000x64xbf16, #tpu.memory_space<hbm>> -> memref<80000x64xbf16, #tpu.memory_space<hbm>>
      tpu.wait_indirect_dma semaphore(%arg15 : memref<!tpu.dma_semaphore, #tpu.memory_space<semaphore_mem>>) src(%dma_wait3A_214 : memref<80000x64xbf16, #tpu.memory_space<hbm>>) dst(%dma_wait3A_208 : memref<125x64xbf16, #tpu.memory_space<vmem>>)
      %mul3A_215 = arith.constant 10 : i32
      %mul3A_216 = arith.muli %mul3A_215, %scan3A_19 : i32
      %add3A_217 = arith.constant 1 : i32
      %add3A_218 = arith.addi %mul3A_216, %add3A_217 : i32
      %dma_start3A_219 = arith.constant 1 : i32
      %dma_start3A_220 = arith.constant 0 : i32
      %dma_start3A_221 = arith.constant 0 : i32
      %dma_start3A_222 = tpu.memref_slice %arg12[%dma_start3A_219, %dma_start3A_220, %dma_start3A_221] : memref<10x125x64xbf16, #tpu.memory_space<vmem>> -> memref<1x125x64xbf16, #tpu.memory_space<vmem>>
      %dma_start3A_223 = tpu.memref_squeeze %dma_start3A_222 : memref<1x125x64xbf16, #tpu.memory_space<vmem>> -> memref<125x64xbf16, #tpu.memory_space<vmem>>
      %dma_start3A_224 = arith.constant 0 : i32
      %dma_start3A_225 = tpu.memref_slice %arg11[%add3A_218, %dma_start3A_224] : memref<80x125xi32, #tpu.memory_space<vmem>> -> memref<1x125xi32, #tpu.memory_space<vmem>>
      %dma_start3A_226 = tpu.memref_squeeze %dma_start3A_225 : memref<1x125xi32, #tpu.memory_space<vmem>> -> memref<125xi32, #tpu.memory_space<vmem>>
      %dma_start3A_227 = arith.constant 0 : i32
      %dma_start3A_228 = arith.constant 0 : i32
      %dma_start3A_229 = tpu.memref_slice %arg13[%dma_start3A_227, %dma_start3A_228] : memref<10240x64xbf16, #tpu.memory_space<vmem_shared>> -> memref<10240x64xbf16, #tpu.memory_space<vmem_shared>>
      tpu.enqueue_indirect_dma source(%dma_start3A_223 : memref<125x64xbf16, #tpu.memory_space<vmem>>) target(%dma_start3A_229 : memref<10240x64xbf16, #tpu.memory_space<vmem_shared>>) offsets(%dma_start3A_226 : memref<125xi32, #tpu.memory_space<vmem>>) semaphore(%arg24 : memref<!tpu.dma_semaphore, #tpu.memory_space<semaphore_mem>>) {add = true}
      %mul3A_230 = arith.constant 10 : i32
      %mul3A_231 = arith.muli %mul3A_230, %scan3A_19 : i32
      %add3A_232 = arith.constant 1 : i32
      %add3A_233 = arith.addi %mul3A_231, %add3A_232 : i32
      %dma_start3A_234 = arith.constant 0 : i32
      %dma_start3A_235 = tpu.memref_slice %arg11[%add3A_233, %dma_start3A_234] : memref<80x125xi32, #tpu.memory_space<vmem>> -> memref<1x125xi32, #tpu.memory_space<vmem>>
      %dma_start3A_236 = tpu.memref_squeeze %dma_start3A_235 : memref<1x125xi32, #tpu.memory_space<vmem>> -> memref<125xi32, #tpu.memory_space<vmem>>
      %dma_start3A_237 = arith.constant 0 : i32
      %dma_start3A_238 = arith.constant 0 : i32
      %dma_start3A_239 = tpu.memref_slice %arg27[%dma_start3A_237, %dma_start3A_238] : memref<10240x8xf32, #tpu.memory_space<vmem_shared>> -> memref<10240x8xf32, #tpu.memory_space<vmem_shared>>
      tpu.enqueue_indirect_dma source(%arg26 : memref<125x8xf32, #tpu.memory_space<vmem>>) target(%dma_start3A_239 : memref<10240x8xf32, #tpu.memory_space<vmem_shared>>) offsets(%dma_start3A_236 : memref<125xi32, #tpu.memory_space<vmem>>) semaphore(%arg25 : memref<!tpu.dma_semaphore, #tpu.memory_space<semaphore_mem>>) {add = true}
      %dma_wait3A_240 = arith.constant 2 : i32
      %dma_wait3A_241 = arith.constant 0 : i32
      %dma_wait3A_242 = arith.constant 0 : i32
      %dma_wait3A_243 = tpu.memref_slice %arg12[%dma_wait3A_240, %dma_wait3A_241, %dma_wait3A_242] : memref<10x125x64xbf16, #tpu.memory_space<vmem>> -> memref<1x125x64xbf16, #tpu.memory_space<vmem>>
      %dma_wait3A_244 = tpu.memref_squeeze %dma_wait3A_243 : memref<1x125x64xbf16, #tpu.memory_space<vmem>> -> memref<125x64xbf16, #tpu.memory_space<vmem>>
      %dma_wait3A_245 = arith.constant 0 : i32
      %dma_wait3A_246 = tpu.memref_slice %arg10[%add3A_52, %dma_wait3A_245] : memref<80x125xi32, #tpu.memory_space<vmem>> -> memref<1x125xi32, #tpu.memory_space<vmem>>
      %dma_wait3A_247 = tpu.memref_squeeze %dma_wait3A_246 : memref<1x125xi32, #tpu.memory_space<vmem>> -> memref<125xi32, #tpu.memory_space<vmem>>
      %dma_wait3A_248 = arith.constant 0 : i32
      %dma_wait3A_249 = arith.constant 0 : i32
      %dma_wait3A_250 = tpu.memref_slice %arg4[%dma_wait3A_248, %dma_wait3A_249] : memref<80000x64xbf16, #tpu.memory_space<hbm>> -> memref<80000x64xbf16, #tpu.memory_space<hbm>>
      tpu.wait_indirect_dma semaphore(%arg16 : memref<!tpu.dma_semaphore, #tpu.memory_space<semaphore_mem>>) src(%dma_wait3A_250 : memref<80000x64xbf16, #tpu.memory_space<hbm>>) dst(%dma_wait3A_244 : memref<125x64xbf16, #tpu.memory_space<vmem>>)
      %mul3A_251 = arith.constant 10 : i32
      %mul3A_252 = arith.muli %mul3A_251, %scan3A_19 : i32
      %add3A_253 = arith.constant 2 : i32
      %add3A_254 = arith.addi %mul3A_252, %add3A_253 : i32
      %dma_start3A_255 = arith.constant 2 : i32
      %dma_start3A_256 = arith.constant 0 : i32
      %dma_start3A_257 = arith.constant 0 : i32
      %dma_start3A_258 = tpu.memref_slice %arg12[%dma_start3A_255, %dma_start3A_256, %dma_start3A_257] : memref<10x125x64xbf16, #tpu.memory_space<vmem>> -> memref<1x125x64xbf16, #tpu.memory_space<vmem>>
      %dma_start3A_259 = tpu.memref_squeeze %dma_start3A_258 : memref<1x125x64xbf16, #tpu.memory_space<vmem>> -> memref<125x64xbf16, #tpu.memory_space<vmem>>
      %dma_start3A_260 = arith.constant 0 : i32
      %dma_start3A_261 = tpu.memref_slice %arg11[%add3A_254, %dma_start3A_260] : memref<80x125xi32, #tpu.memory_space<vmem>> -> memref<1x125xi32, #tpu.memory_space<vmem>>
      %dma_start3A_262 = tpu.memref_squeeze %dma_start3A_261 : memref<1x125xi32, #tpu.memory_space<vmem>> -> memref<125xi32, #tpu.memory_space<vmem>>
      %dma_start3A_263 = arith.constant 0 : i32
      %dma_start3A_264 = arith.constant 0 : i32
      %dma_start3A_265 = tpu.memref_slice %arg13[%dma_start3A_263, %dma_start3A_264] : memref<10240x64xbf16, #tpu.memory_space<vmem_shared>> -> memref<10240x64xbf16, #tpu.memory_space<vmem_shared>>
      tpu.enqueue_indirect_dma source(%dma_start3A_259 : memref<125x64xbf16, #tpu.memory_space<vmem>>) target(%dma_start3A_265 : memref<10240x64xbf16, #tpu.memory_space<vmem_shared>>) offsets(%dma_start3A_262 : memref<125xi32, #tpu.memory_space<vmem>>) semaphore(%arg24 : memref<!tpu.dma_semaphore, #tpu.memory_space<semaphore_mem>>) {add = true}
      %mul3A_266 = arith.constant 10 : i32
      %mul3A_267 = arith.muli %mul3A_266, %scan3A_19 : i32
      %add3A_268 = arith.constant 2 : i32
      %add3A_269 = arith.addi %mul3A_267, %add3A_268 : i32
      %dma_start3A_270 = arith.constant 0 : i32
      %dma_start3A_271 = tpu.memref_slice %arg11[%add3A_269, %dma_start3A_270] : memref<80x125xi32, #tpu.memory_space<vmem>> -> memref<1x125xi32, #tpu.memory_space<vmem>>
      %dma_start3A_272 = tpu.memref_squeeze %dma_start3A_271 : memref<1x125xi32, #tpu.memory_space<vmem>> -> memref<125xi32, #tpu.memory_space<vmem>>
      %dma_start3A_273 = arith.constant 0 : i32
      %dma_start3A_274 = arith.constant 0 : i32
      %dma_start3A_275 = tpu.memref_slice %arg27[%dma_start3A_273, %dma_start3A_274] : memref<10240x8xf32, #tpu.memory_space<vmem_shared>> -> memref<10240x8xf32, #tpu.memory_space<vmem_shared>>
      tpu.enqueue_indirect_dma source(%arg26 : memref<125x8xf32, #tpu.memory_space<vmem>>) target(%dma_start3A_275 : memref<10240x8xf32, #tpu.memory_space<vmem_shared>>) offsets(%dma_start3A_272 : memref<125xi32, #tpu.memory_space<vmem>>) semaphore(%arg25 : memref<!tpu.dma_semaphore, #tpu.memory_space<semaphore_mem>>) {add = true}
      %dma_wait3A_276 = arith.constant 3 : i32
      %dma_wait3A_277 = arith.constant 0 : i32
      %dma_wait3A_278 = arith.constant 0 : i32
      %dma_wait3A_279 = tpu.memref_slice %arg12[%dma_wait3A_276, %dma_wait3A_277, %dma_wait3A_278] : memref<10x125x64xbf16, #tpu.memory_space<vmem>> -> memref<1x125x64xbf16, #tpu.memory_space<vmem>>
      %dma_wait3A_280 = tpu.memref_squeeze %dma_wait3A_279 : memref<1x125x64xbf16, #tpu.memory_space<vmem>> -> memref<125x64xbf16, #tpu.memory_space<vmem>>
      %dma_wait3A_281 = arith.constant 0 : i32
      %dma_wait3A_282 = tpu.memref_slice %arg10[%add3A_67, %dma_wait3A_281] : memref<80x125xi32, #tpu.memory_space<vmem>> -> memref<1x125xi32, #tpu.memory_space<vmem>>
      %dma_wait3A_283 = tpu.memref_squeeze %dma_wait3A_282 : memref<1x125xi32, #tpu.memory_space<vmem>> -> memref<125xi32, #tpu.memory_space<vmem>>
      %dma_wait3A_284 = arith.constant 0 : i32
      %dma_wait3A_285 = arith.constant 0 : i32
      %dma_wait3A_286 = tpu.memref_slice %arg4[%dma_wait3A_284, %dma_wait3A_285] : memref<80000x64xbf16, #tpu.memory_space<hbm>> -> memref<80000x64xbf16, #tpu.memory_space<hbm>>
      tpu.wait_indirect_dma semaphore(%arg17 : memref<!tpu.dma_semaphore, #tpu.memory_space<semaphore_mem>>) src(%dma_wait3A_286 : memref<80000x64xbf16, #tpu.memory_space<hbm>>) dst(%dma_wait3A_280 : memref<125x64xbf16, #tpu.memory_space<vmem>>)
      %mul3A_287 = arith.constant 10 : i32
      %mul3A_288 = arith.muli %mul3A_287, %scan3A_19 : i32
      %add3A_289 = arith.constant 3 : i32
      %add3A_290 = arith.addi %mul3A_288, %add3A_289 : i32
      %dma_start3A_291 = arith.constant 3 : i32
      %dma_start3A_292 = arith.constant 0 : i32
      %dma_start3A_293 = arith.constant 0 : i32
      %dma_start3A_294 = tpu.memref_slice %arg12[%dma_start3A_291, %dma_start3A_292, %dma_start3A_293] : memref<10x125x64xbf16, #tpu.memory_space<vmem>> -> memref<1x125x64xbf16, #tpu.memory_space<vmem>>
      %dma_start3A_295 = tpu.memref_squeeze %dma_start3A_294 : memref<1x125x64xbf16, #tpu.memory_space<vmem>> -> memref<125x64xbf16, #tpu.memory_space<vmem>>
      %dma_start3A_296 = arith.constant 0 : i32
      %dma_start3A_297 = tpu.memref_slice %arg11[%add3A_290, %dma_start3A_296] : memref<80x125xi32, #tpu.memory_space<vmem>> -> memref<1x125xi32, #tpu.memory_space<vmem>>
      %dma_start3A_298 = tpu.memref_squeeze %dma_start3A_297 : memref<1x125xi32, #tpu.memory_space<vmem>> -> memref<125xi32, #tpu.memory_space<vmem>>
      %dma_start3A_299 = arith.constant 0 : i32
      %dma_start3A_300 = arith.constant 0 : i32
      %dma_start3A_301 = tpu.memref_slice %arg13[%dma_start3A_299, %dma_start3A_300] : memref<10240x64xbf16, #tpu.memory_space<vmem_shared>> -> memref<10240x64xbf16, #tpu.memory_space<vmem_shared>>
      tpu.enqueue_indirect_dma source(%dma_start3A_295 : memref<125x64xbf16, #tpu.memory_space<vmem>>) target(%dma_start3A_301 : memref<10240x64xbf16, #tpu.memory_space<vmem_shared>>) offsets(%dma_start3A_298 : memref<125xi32, #tpu.memory_space<vmem>>) semaphore(%arg24 : memref<!tpu.dma_semaphore, #tpu.memory_space<semaphore_mem>>) {add = true}
      %mul3A_302 = arith.constant 10 : i32
      %mul3A_303 = arith.muli %mul3A_302, %scan3A_19 : i32
      %add3A_304 = arith.constant 3 : i32
      %add3A_305 = arith.addi %mul3A_303, %add3A_304 : i32
      %dma_start3A_306 = arith.constant 0 : i32
      %dma_start3A_307 = tpu.memref_slice %arg11[%add3A_305, %dma_start3A_306] : memref<80x125xi32, #tpu.memory_space<vmem>> -> memref<1x125xi32, #tpu.memory_space<vmem>>
      %dma_start3A_308 = tpu.memref_squeeze %dma_start3A_307 : memref<1x125xi32, #tpu.memory_space<vmem>> -> memref<125xi32, #tpu.memory_space<vmem>>
      %dma_start3A_309 = arith.constant 0 : i32
      %dma_start3A_310 = arith.constant 0 : i32
      %dma_start3A_311 = tpu.memref_slice %arg27[%dma_start3A_309, %dma_start3A_310] : memref<10240x8xf32, #tpu.memory_space<vmem_shared>> -> memref<10240x8xf32, #tpu.memory_space<vmem_shared>>
      tpu.enqueue_indirect_dma source(%arg26 : memref<125x8xf32, #tpu.memory_space<vmem>>) target(%dma_start3A_311 : memref<10240x8xf32, #tpu.memory_space<vmem_shared>>) offsets(%dma_start3A_308 : memref<125xi32, #tpu.memory_space<vmem>>) semaphore(%arg25 : memref<!tpu.dma_semaphore, #tpu.memory_space<semaphore_mem>>) {add = true}
      %dma_wait3A_312 = arith.constant 4 : i32
      %dma_wait3A_313 = arith.constant 0 : i32
      %dma_wait3A_314 = arith.constant 0 : i32
      %dma_wait3A_315 = tpu.memref_slice %arg12[%dma_wait3A_312, %dma_wait3A_313, %dma_wait3A_314] : memref<10x125x64xbf16, #tpu.memory_space<vmem>> -> memref<1x125x64xbf16, #tpu.memory_space<vmem>>
      %dma_wait3A_316 = tpu.memref_squeeze %dma_wait3A_315 : memref<1x125x64xbf16, #tpu.memory_space<vmem>> -> memref<125x64xbf16, #tpu.memory_space<vmem>>
      %dma_wait3A_317 = arith.constant 0 : i32
      %dma_wait3A_318 = tpu.memref_slice %arg10[%add3A_82, %dma_wait3A_317] : memref<80x125xi32, #tpu.memory_space<vmem>> -> memref<1x125xi32, #tpu.memory_space<vmem>>
      %dma_wait3A_319 = tpu.memref_squeeze %dma_wait3A_318 : memref<1x125xi32, #tpu.memory_space<vmem>> -> memref<125xi32, #tpu.memory_space<vmem>>
      %dma_wait3A_320 = arith.constant 0 : i32
      %dma_wait3A_321 = arith.constant 0 : i32
      %dma_wait3A_322 = tpu.memref_slice %arg4[%dma_wait3A_320, %dma_wait3A_321] : memref<80000x64xbf16, #tpu.memory_space<hbm>> -> memref<80000x64xbf16, #tpu.memory_space<hbm>>
      tpu.wait_indirect_dma semaphore(%arg18 : memref<!tpu.dma_semaphore, #tpu.memory_space<semaphore_mem>>) src(%dma_wait3A_322 : memref<80000x64xbf16, #tpu.memory_space<hbm>>) dst(%dma_wait3A_316 : memref<125x64xbf16, #tpu.memory_space<vmem>>)
      %mul3A_323 = arith.constant 10 : i32
      %mul3A_324 = arith.muli %mul3A_323, %scan3A_19 : i32
      %add3A_325 = arith.constant 4 : i32
      %add3A_326 = arith.addi %mul3A_324, %add3A_325 : i32
      %dma_start3A_327 = arith.constant 4 : i32
      %dma_start3A_328 = arith.constant 0 : i32
      %dma_start3A_329 = arith.constant 0 : i32
      %dma_start3A_330 = tpu.memref_slice %arg12[%dma_start3A_327, %dma_start3A_328, %dma_start3A_329] : memref<10x125x64xbf16, #tpu.memory_space<vmem>> -> memref<1x125x64xbf16, #tpu.memory_space<vmem>>
      %dma_start3A_331 = tpu.memref_squeeze %dma_start3A_330 : memref<1x125x64xbf16, #tpu.memory_space<vmem>> -> memref<125x64xbf16, #tpu.memory_space<vmem>>
      %dma_start3A_332 = arith.constant 0 : i32
      %dma_start3A_333 = tpu.memref_slice %arg11[%add3A_326, %dma_start3A_332] : memref<80x125xi32, #tpu.memory_space<vmem>> -> memref<1x125xi32, #tpu.memory_space<vmem>>
      %dma_start3A_334 = tpu.memref_squeeze %dma_start3A_333 : memref<1x125xi32, #tpu.memory_space<vmem>> -> memref<125xi32, #tpu.memory_space<vmem>>
      %dma_start3A_335 = arith.constant 0 : i32
      %dma_start3A_336 = arith.constant 0 : i32
      %dma_start3A_337 = tpu.memref_slice %arg13[%dma_start3A_335, %dma_start3A_336] : memref<10240x64xbf16, #tpu.memory_space<vmem_shared>> -> memref<10240x64xbf16, #tpu.memory_space<vmem_shared>>
      tpu.enqueue_indirect_dma source(%dma_start3A_331 : memref<125x64xbf16, #tpu.memory_space<vmem>>) target(%dma_start3A_337 : memref<10240x64xbf16, #tpu.memory_space<vmem_shared>>) offsets(%dma_start3A_334 : memref<125xi32, #tpu.memory_space<vmem>>) semaphore(%arg24 : memref<!tpu.dma_semaphore, #tpu.memory_space<semaphore_mem>>) {add = true}
      %mul3A_338 = arith.constant 10 : i32
      %mul3A_339 = arith.muli %mul3A_338, %scan3A_19 : i32
      %add3A_340 = arith.constant 4 : i32
      %add3A_341 = arith.addi %mul3A_339, %add3A_340 : i32
      %dma_start3A_342 = arith.constant 0 : i32
      %dma_start3A_343 = tpu.memref_slice %arg11[%add3A_341, %dma_start3A_342] : memref<80x125xi32, #tpu.memory_space<vmem>> -> memref<1x125xi32, #tpu.memory_space<vmem>>
      %dma_start3A_344 = tpu.memref_squeeze %dma_start3A_343 : memref<1x125xi32, #tpu.memory_space<vmem>> -> memref<125xi32, #tpu.memory_space<vmem>>
      %dma_start3A_345 = arith.constant 0 : i32
      %dma_start3A_346 = arith.constant 0 : i32
      %dma_start3A_347 = tpu.memref_slice %arg27[%dma_start3A_345, %dma_start3A_346] : memref<10240x8xf32, #tpu.memory_space<vmem_shared>> -> memref<10240x8xf32, #tpu.memory_space<vmem_shared>>
      tpu.enqueue_indirect_dma source(%arg26 : memref<125x8xf32, #tpu.memory_space<vmem>>) target(%dma_start3A_347 : memref<10240x8xf32, #tpu.memory_space<vmem_shared>>) offsets(%dma_start3A_344 : memref<125xi32, #tpu.memory_space<vmem>>) semaphore(%arg25 : memref<!tpu.dma_semaphore, #tpu.memory_space<semaphore_mem>>) {add = true}
      %dma_wait3A_348 = arith.constant 5 : i32
      %dma_wait3A_349 = arith.constant 0 : i32
      %dma_wait3A_350 = arith.constant 0 : i32
      %dma_wait3A_351 = tpu.memref_slice %arg12[%dma_wait3A_348, %dma_wait3A_349, %dma_wait3A_350] : memref<10x125x64xbf16, #tpu.memory_space<vmem>> -> memref<1x125x64xbf16, #tpu.memory_space<vmem>>
      %dma_wait3A_352 = tpu.memref_squeeze %dma_wait3A_351 : memref<1x125x64xbf16, #tpu.memory_space<vmem>> -> memref<125x64xbf16, #tpu.memory_space<vmem>>
      %dma_wait3A_353 = arith.constant 0 : i32
      %dma_wait3A_354 = tpu.memref_slice %arg10[%add3A_97, %dma_wait3A_353] : memref<80x125xi32, #tpu.memory_space<vmem>> -> memref<1x125xi32, #tpu.memory_space<vmem>>
      %dma_wait3A_355 = tpu.memref_squeeze %dma_wait3A_354 : memref<1x125xi32, #tpu.memory_space<vmem>> -> memref<125xi32, #tpu.memory_space<vmem>>
      %dma_wait3A_356 = arith.constant 0 : i32
      %dma_wait3A_357 = arith.constant 0 : i32
      %dma_wait3A_358 = tpu.memref_slice %arg4[%dma_wait3A_356, %dma_wait3A_357] : memref<80000x64xbf16, #tpu.memory_space<hbm>> -> memref<80000x64xbf16, #tpu.memory_space<hbm>>
      tpu.wait_indirect_dma semaphore(%arg19 : memref<!tpu.dma_semaphore, #tpu.memory_space<semaphore_mem>>) src(%dma_wait3A_358 : memref<80000x64xbf16, #tpu.memory_space<hbm>>) dst(%dma_wait3A_352 : memref<125x64xbf16, #tpu.memory_space<vmem>>)
      %mul3A_359 = arith.constant 10 : i32
      %mul3A_360 = arith.muli %mul3A_359, %scan3A_19 : i32
      %add3A_361 = arith.constant 5 : i32
      %add3A_362 = arith.addi %mul3A_360, %add3A_361 : i32
      %dma_start3A_363 = arith.constant 5 : i32
      %dma_start3A_364 = arith.constant 0 : i32
      %dma_start3A_365 = arith.constant 0 : i32
      %dma_start3A_366 = tpu.memref_slice %arg12[%dma_start3A_363, %dma_start3A_364, %dma_start3A_365] : memref<10x125x64xbf16, #tpu.memory_space<vmem>> -> memref<1x125x64xbf16, #tpu.memory_space<vmem>>
      %dma_start3A_367 = tpu.memref_squeeze %dma_start3A_366 : memref<1x125x64xbf16, #tpu.memory_space<vmem>> -> memref<125x64xbf16, #tpu.memory_space<vmem>>
      %dma_start3A_368 = arith.constant 0 : i32
      %dma_start3A_369 = tpu.memref_slice %arg11[%add3A_362, %dma_start3A_368] : memref<80x125xi32, #tpu.memory_space<vmem>> -> memref<1x125xi32, #tpu.memory_space<vmem>>
      %dma_start3A_370 = tpu.memref_squeeze %dma_start3A_369 : memref<1x125xi32, #tpu.memory_space<vmem>> -> memref<125xi32, #tpu.memory_space<vmem>>
      %dma_start3A_371 = arith.constant 0 : i32
      %dma_start3A_372 = arith.constant 0 : i32
      %dma_start3A_373 = tpu.memref_slice %arg13[%dma_start3A_371, %dma_start3A_372] : memref<10240x64xbf16, #tpu.memory_space<vmem_shared>> -> memref<10240x64xbf16, #tpu.memory_space<vmem_shared>>
      tpu.enqueue_indirect_dma source(%dma_start3A_367 : memref<125x64xbf16, #tpu.memory_space<vmem>>) target(%dma_start3A_373 : memref<10240x64xbf16, #tpu.memory_space<vmem_shared>>) offsets(%dma_start3A_370 : memref<125xi32, #tpu.memory_space<vmem>>) semaphore(%arg24 : memref<!tpu.dma_semaphore, #tpu.memory_space<semaphore_mem>>) {add = true}
      %mul3A_374 = arith.constant 10 : i32
      %mul3A_375 = arith.muli %mul3A_374, %scan3A_19 : i32
      %add3A_376 = arith.constant 5 : i32
      %add3A_377 = arith.addi %mul3A_375, %add3A_376 : i32
      %dma_start3A_378 = arith.constant 0 : i32
      %dma_start3A_379 = tpu.memref_slice %arg11[%add3A_377, %dma_start3A_378] : memref<80x125xi32, #tpu.memory_space<vmem>> -> memref<1x125xi32, #tpu.memory_space<vmem>>
      %dma_start3A_380 = tpu.memref_squeeze %dma_start3A_379 : memref<1x125xi32, #tpu.memory_space<vmem>> -> memref<125xi32, #tpu.memory_space<vmem>>
      %dma_start3A_381 = arith.constant 0 : i32
      %dma_start3A_382 = arith.constant 0 : i32
      %dma_start3A_383 = tpu.memref_slice %arg27[%dma_start3A_381, %dma_start3A_382] : memref<10240x8xf32, #tpu.memory_space<vmem_shared>> -> memref<10240x8xf32, #tpu.memory_space<vmem_shared>>
      tpu.enqueue_indirect_dma source(%arg26 : memref<125x8xf32, #tpu.memory_space<vmem>>) target(%dma_start3A_383 : memref<10240x8xf32, #tpu.memory_space<vmem_shared>>) offsets(%dma_start3A_380 : memref<125xi32, #tpu.memory_space<vmem>>) semaphore(%arg25 : memref<!tpu.dma_semaphore, #tpu.memory_space<semaphore_mem>>) {add = true}
      %dma_wait3A_384 = arith.constant 6 : i32
      %dma_wait3A_385 = arith.constant 0 : i32
      %dma_wait3A_386 = arith.constant 0 : i32
      %dma_wait3A_387 = tpu.memref_slice %arg12[%dma_wait3A_384, %dma_wait3A_385, %dma_wait3A_386] : memref<10x125x64xbf16, #tpu.memory_space<vmem>> -> memref<1x125x64xbf16, #tpu.memory_space<vmem>>
      %dma_wait3A_388 = tpu.memref_squeeze %dma_wait3A_387 : memref<1x125x64xbf16, #tpu.memory_space<vmem>> -> memref<125x64xbf16, #tpu.memory_space<vmem>>
      %dma_wait3A_389 = arith.constant 0 : i32
      %dma_wait3A_390 = tpu.memref_slice %arg10[%add3A_112, %dma_wait3A_389] : memref<80x125xi32, #tpu.memory_space<vmem>> -> memref<1x125xi32, #tpu.memory_space<vmem>>
      %dma_wait3A_391 = tpu.memref_squeeze %dma_wait3A_390 : memref<1x125xi32, #tpu.memory_space<vmem>> -> memref<125xi32, #tpu.memory_space<vmem>>
      %dma_wait3A_392 = arith.constant 0 : i32
      %dma_wait3A_393 = arith.constant 0 : i32
      %dma_wait3A_394 = tpu.memref_slice %arg4[%dma_wait3A_392, %dma_wait3A_393] : memref<80000x64xbf16, #tpu.memory_space<hbm>> -> memref<80000x64xbf16, #tpu.memory_space<hbm>>
      tpu.wait_indirect_dma semaphore(%arg20 : memref<!tpu.dma_semaphore, #tpu.memory_space<semaphore_mem>>) src(%dma_wait3A_394 : memref<80000x64xbf16, #tpu.memory_space<hbm>>) dst(%dma_wait3A_388 : memref<125x64xbf16, #tpu.memory_space<vmem>>)
      %mul3A_395 = arith.constant 10 : i32
      %mul3A_396 = arith.muli %mul3A_395, %scan3A_19 : i32
      %add3A_397 = arith.constant 6 : i32
      %add3A_398 = arith.addi %mul3A_396, %add3A_397 : i32
      %dma_start3A_399 = arith.constant 6 : i32
      %dma_start3A_400 = arith.constant 0 : i32
      %dma_start3A_401 = arith.constant 0 : i32
      %dma_start3A_402 = tpu.memref_slice %arg12[%dma_start3A_399, %dma_start3A_400, %dma_start3A_401] : memref<10x125x64xbf16, #tpu.memory_space<vmem>> -> memref<1x125x64xbf16, #tpu.memory_space<vmem>>
      %dma_start3A_403 = tpu.memref_squeeze %dma_start3A_402 : memref<1x125x64xbf16, #tpu.memory_space<vmem>> -> memref<125x64xbf16, #tpu.memory_space<vmem>>
      %dma_start3A_404 = arith.constant 0 : i32
      %dma_start3A_405 = tpu.memref_slice %arg11[%add3A_398, %dma_start3A_404] : memref<80x125xi32, #tpu.memory_space<vmem>> -> memref<1x125xi32, #tpu.memory_space<vmem>>
      %dma_start3A_406 = tpu.memref_squeeze %dma_start3A_405 : memref<1x125xi32, #tpu.memory_space<vmem>> -> memref<125xi32, #tpu.memory_space<vmem>>
      %dma_start3A_407 = arith.constant 0 : i32
      %dma_start3A_408 = arith.constant 0 : i32
      %dma_start3A_409 = tpu.memref_slice %arg13[%dma_start3A_407, %dma_start3A_408] : memref<10240x64xbf16, #tpu.memory_space<vmem_shared>> -> memref<10240x64xbf16, #tpu.memory_space<vmem_shared>>
      tpu.enqueue_indirect_dma source(%dma_start3A_403 : memref<125x64xbf16, #tpu.memory_space<vmem>>) target(%dma_start3A_409 : memref<10240x64xbf16, #tpu.memory_space<vmem_shared>>) offsets(%dma_start3A_406 : memref<125xi32, #tpu.memory_space<vmem>>) semaphore(%arg24 : memref<!tpu.dma_semaphore, #tpu.memory_space<semaphore_mem>>) {add = true}
      %mul3A_410 = arith.constant 10 : i32
      %mul3A_411 = arith.muli %mul3A_410, %scan3A_19 : i32
      %add3A_412 = arith.constant 6 : i32
      %add3A_413 = arith.addi %mul3A_411, %add3A_412 : i32
      %dma_start3A_414 = arith.constant 0 : i32
      %dma_start3A_415 = tpu.memref_slice %arg11[%add3A_413, %dma_start3A_414] : memref<80x125xi32, #tpu.memory_space<vmem>> -> memref<1x125xi32, #tpu.memory_space<vmem>>
      %dma_start3A_416 = tpu.memref_squeeze %dma_start3A_415 : memref<1x125xi32, #tpu.memory_space<vmem>> -> memref<125xi32, #tpu.memory_space<vmem>>
      %dma_start3A_417 = arith.constant 0 : i32
      %dma_start3A_418 = arith.constant 0 : i32
      %dma_start3A_419 = tpu.memref_slice %arg27[%dma_start3A_417, %dma_start3A_418] : memref<10240x8xf32, #tpu.memory_space<vmem_shared>> -> memref<10240x8xf32, #tpu.memory_space<vmem_shared>>
      tpu.enqueue_indirect_dma source(%arg26 : memref<125x8xf32, #tpu.memory_space<vmem>>) target(%dma_start3A_419 : memref<10240x8xf32, #tpu.memory_space<vmem_shared>>) offsets(%dma_start3A_416 : memref<125xi32, #tpu.memory_space<vmem>>) semaphore(%arg25 : memref<!tpu.dma_semaphore, #tpu.memory_space<semaphore_mem>>) {add = true}
      %dma_wait3A_420 = arith.constant 7 : i32
      %dma_wait3A_421 = arith.constant 0 : i32
      %dma_wait3A_422 = arith.constant 0 : i32
      %dma_wait3A_423 = tpu.memref_slice %arg12[%dma_wait3A_420, %dma_wait3A_421, %dma_wait3A_422] : memref<10x125x64xbf16, #tpu.memory_space<vmem>> -> memref<1x125x64xbf16, #tpu.memory_space<vmem>>
      %dma_wait3A_424 = tpu.memref_squeeze %dma_wait3A_423 : memref<1x125x64xbf16, #tpu.memory_space<vmem>> -> memref<125x64xbf16, #tpu.memory_space<vmem>>
      %dma_wait3A_425 = arith.constant 0 : i32
      %dma_wait3A_426 = tpu.memref_slice %arg10[%add3A_127, %dma_wait3A_425] : memref<80x125xi32, #tpu.memory_space<vmem>> -> memref<1x125xi32, #tpu.memory_space<vmem>>
      %dma_wait3A_427 = tpu.memref_squeeze %dma_wait3A_426 : memref<1x125xi32, #tpu.memory_space<vmem>> -> memref<125xi32, #tpu.memory_space<vmem>>
      %dma_wait3A_428 = arith.constant 0 : i32
      %dma_wait3A_429 = arith.constant 0 : i32
      %dma_wait3A_430 = tpu.memref_slice %arg4[%dma_wait3A_428, %dma_wait3A_429] : memref<80000x64xbf16, #tpu.memory_space<hbm>> -> memref<80000x64xbf16, #tpu.memory_space<hbm>>
      tpu.wait_indirect_dma semaphore(%arg21 : memref<!tpu.dma_semaphore, #tpu.memory_space<semaphore_mem>>) src(%dma_wait3A_430 : memref<80000x64xbf16, #tpu.memory_space<hbm>>) dst(%dma_wait3A_424 : memref<125x64xbf16, #tpu.memory_space<vmem>>)
      %mul3A_431 = arith.constant 10 : i32
      %mul3A_432 = arith.muli %mul3A_431, %scan3A_19 : i32
      %add3A_433 = arith.constant 7 : i32
      %add3A_434 = arith.addi %mul3A_432, %add3A_433 : i32
      %dma_start3A_435 = arith.constant 7 : i32
      %dma_start3A_436 = arith.constant 0 : i32
      %dma_start3A_437 = arith.constant 0 : i32
      %dma_start3A_438 = tpu.memref_slice %arg12[%dma_start3A_435, %dma_start3A_436, %dma_start3A_437] : memref<10x125x64xbf16, #tpu.memory_space<vmem>> -> memref<1x125x64xbf16, #tpu.memory_space<vmem>>
      %dma_start3A_439 = tpu.memref_squeeze %dma_start3A_438 : memref<1x125x64xbf16, #tpu.memory_space<vmem>> -> memref<125x64xbf16, #tpu.memory_space<vmem>>
      %dma_start3A_440 = arith.constant 0 : i32
      %dma_start3A_441 = tpu.memref_slice %arg11[%add3A_434, %dma_start3A_440] : memref<80x125xi32, #tpu.memory_space<vmem>> -> memref<1x125xi32, #tpu.memory_space<vmem>>
      %dma_start3A_442 = tpu.memref_squeeze %dma_start3A_441 : memref<1x125xi32, #tpu.memory_space<vmem>> -> memref<125xi32, #tpu.memory_space<vmem>>
      %dma_start3A_443 = arith.constant 0 : i32
      %dma_start3A_444 = arith.constant 0 : i32
      %dma_start3A_445 = tpu.memref_slice %arg13[%dma_start3A_443, %dma_start3A_444] : memref<10240x64xbf16, #tpu.memory_space<vmem_shared>> -> memref<10240x64xbf16, #tpu.memory_space<vmem_shared>>
      tpu.enqueue_indirect_dma source(%dma_start3A_439 : memref<125x64xbf16, #tpu.memory_space<vmem>>) target(%dma_start3A_445 : memref<10240x64xbf16, #tpu.memory_space<vmem_shared>>) offsets(%dma_start3A_442 : memref<125xi32, #tpu.memory_space<vmem>>) semaphore(%arg24 : memref<!tpu.dma_semaphore, #tpu.memory_space<semaphore_mem>>) {add = true}
      %mul3A_446 = arith.constant 10 : i32
      %mul3A_447 = arith.muli %mul3A_446, %scan3A_19 : i32
      %add3A_448 = arith.constant 7 : i32
      %add3A_449 = arith.addi %mul3A_447, %add3A_448 : i32
      %dma_start3A_450 = arith.constant 0 : i32
      %dma_start3A_451 = tpu.memref_slice %arg11[%add3A_449, %dma_start3A_450] : memref<80x125xi32, #tpu.memory_space<vmem>> -> memref<1x125xi32, #tpu.memory_space<vmem>>
      %dma_start3A_452 = tpu.memref_squeeze %dma_start3A_451 : memref<1x125xi32, #tpu.memory_space<vmem>> -> memref<125xi32, #tpu.memory_space<vmem>>
      %dma_start3A_453 = arith.constant 0 : i32
      %dma_start3A_454 = arith.constant 0 : i32
      %dma_start3A_455 = tpu.memref_slice %arg27[%dma_start3A_453, %dma_start3A_454] : memref<10240x8xf32, #tpu.memory_space<vmem_shared>> -> memref<10240x8xf32, #tpu.memory_space<vmem_shared>>
      tpu.enqueue_indirect_dma source(%arg26 : memref<125x8xf32, #tpu.memory_space<vmem>>) target(%dma_start3A_455 : memref<10240x8xf32, #tpu.memory_space<vmem_shared>>) offsets(%dma_start3A_452 : memref<125xi32, #tpu.memory_space<vmem>>) semaphore(%arg25 : memref<!tpu.dma_semaphore, #tpu.memory_space<semaphore_mem>>) {add = true}
      %dma_wait3A_456 = arith.constant 8 : i32
      %dma_wait3A_457 = arith.constant 0 : i32
      %dma_wait3A_458 = arith.constant 0 : i32
      %dma_wait3A_459 = tpu.memref_slice %arg12[%dma_wait3A_456, %dma_wait3A_457, %dma_wait3A_458] : memref<10x125x64xbf16, #tpu.memory_space<vmem>> -> memref<1x125x64xbf16, #tpu.memory_space<vmem>>
      %dma_wait3A_460 = tpu.memref_squeeze %dma_wait3A_459 : memref<1x125x64xbf16, #tpu.memory_space<vmem>> -> memref<125x64xbf16, #tpu.memory_space<vmem>>
      %dma_wait3A_461 = arith.constant 0 : i32
      %dma_wait3A_462 = tpu.memref_slice %arg10[%add3A_142, %dma_wait3A_461] : memref<80x125xi32, #tpu.memory_space<vmem>> -> memref<1x125xi32, #tpu.memory_space<vmem>>
      %dma_wait3A_463 = tpu.memref_squeeze %dma_wait3A_462 : memref<1x125xi32, #tpu.memory_space<vmem>> -> memref<125xi32, #tpu.memory_space<vmem>>
      %dma_wait3A_464 = arith.constant 0 : i32
      %dma_wait3A_465 = arith.constant 0 : i32
      %dma_wait3A_466 = tpu.memref_slice %arg4[%dma_wait3A_464, %dma_wait3A_465] : memref<80000x64xbf16, #tpu.memory_space<hbm>> -> memref<80000x64xbf16, #tpu.memory_space<hbm>>
      tpu.wait_indirect_dma semaphore(%arg22 : memref<!tpu.dma_semaphore, #tpu.memory_space<semaphore_mem>>) src(%dma_wait3A_466 : memref<80000x64xbf16, #tpu.memory_space<hbm>>) dst(%dma_wait3A_460 : memref<125x64xbf16, #tpu.memory_space<vmem>>)
      %mul3A_467 = arith.constant 10 : i32
      %mul3A_468 = arith.muli %mul3A_467, %scan3A_19 : i32
      %add3A_469 = arith.constant 8 : i32
      %add3A_470 = arith.addi %mul3A_468, %add3A_469 : i32
      %dma_start3A_471 = arith.constant 8 : i32
      %dma_start3A_472 = arith.constant 0 : i32
      %dma_start3A_473 = arith.constant 0 : i32
      %dma_start3A_474 = tpu.memref_slice %arg12[%dma_start3A_471, %dma_start3A_472, %dma_start3A_473] : memref<10x125x64xbf16, #tpu.memory_space<vmem>> -> memref<1x125x64xbf16, #tpu.memory_space<vmem>>
      %dma_start3A_475 = tpu.memref_squeeze %dma_start3A_474 : memref<1x125x64xbf16, #tpu.memory_space<vmem>> -> memref<125x64xbf16, #tpu.memory_space<vmem>>
      %dma_start3A_476 = arith.constant 0 : i32
      %dma_start3A_477 = tpu.memref_slice %arg11[%add3A_470, %dma_start3A_476] : memref<80x125xi32, #tpu.memory_space<vmem>> -> memref<1x125xi32, #tpu.memory_space<vmem>>
      %dma_start3A_478 = tpu.memref_squeeze %dma_start3A_477 : memref<1x125xi32, #tpu.memory_space<vmem>> -> memref<125xi32, #tpu.memory_space<vmem>>
      %dma_start3A_479 = arith.constant 0 : i32
      %dma_start3A_480 = arith.constant 0 : i32
      %dma_start3A_481 = tpu.memref_slice %arg13[%dma_start3A_479, %dma_start3A_480] : memref<10240x64xbf16, #tpu.memory_space<vmem_shared>> -> memref<10240x64xbf16, #tpu.memory_space<vmem_shared>>
      tpu.enqueue_indirect_dma source(%dma_start3A_475 : memref<125x64xbf16, #tpu.memory_space<vmem>>) target(%dma_start3A_481 : memref<10240x64xbf16, #tpu.memory_space<vmem_shared>>) offsets(%dma_start3A_478 : memref<125xi32, #tpu.memory_space<vmem>>) semaphore(%arg24 : memref<!tpu.dma_semaphore, #tpu.memory_space<semaphore_mem>>) {add = true}
      %mul3A_482 = arith.constant 10 : i32
      %mul3A_483 = arith.muli %mul3A_482, %scan3A_19 : i32
      %add3A_484 = arith.constant 8 : i32
      %add3A_485 = arith.addi %mul3A_483, %add3A_484 : i32
      %dma_start3A_486 = arith.constant 0 : i32
      %dma_start3A_487 = tpu.memref_slice %arg11[%add3A_485, %dma_start3A_486] : memref<80x125xi32, #tpu.memory_space<vmem>> -> memref<1x125xi32, #tpu.memory_space<vmem>>
      %dma_start3A_488 = tpu.memref_squeeze %dma_start3A_487 : memref<1x125xi32, #tpu.memory_space<vmem>> -> memref<125xi32, #tpu.memory_space<vmem>>
      %dma_start3A_489 = arith.constant 0 : i32
      %dma_start3A_490 = arith.constant 0 : i32
      %dma_start3A_491 = tpu.memref_slice %arg27[%dma_start3A_489, %dma_start3A_490] : memref<10240x8xf32, #tpu.memory_space<vmem_shared>> -> memref<10240x8xf32, #tpu.memory_space<vmem_shared>>
      tpu.enqueue_indirect_dma source(%arg26 : memref<125x8xf32, #tpu.memory_space<vmem>>) target(%dma_start3A_491 : memref<10240x8xf32, #tpu.memory_space<vmem_shared>>) offsets(%dma_start3A_488 : memref<125xi32, #tpu.memory_space<vmem>>) semaphore(%arg25 : memref<!tpu.dma_semaphore, #tpu.memory_space<semaphore_mem>>) {add = true}
      %dma_wait3A_492 = arith.constant 9 : i32
      %dma_wait3A_493 = arith.constant 0 : i32
      %dma_wait3A_494 = arith.constant 0 : i32
      %dma_wait3A_495 = tpu.memref_slice %arg12[%dma_wait3A_492, %dma_wait3A_493, %dma_wait3A_494] : memref<10x125x64xbf16, #tpu.memory_space<vmem>> -> memref<1x125x64xbf16, #tpu.memory_space<vmem>>
      %dma_wait3A_496 = tpu.memref_squeeze %dma_wait3A_495 : memref<1x125x64xbf16, #tpu.memory_space<vmem>> -> memref<125x64xbf16, #tpu.memory_space<vmem>>
      %dma_wait3A_497 = arith.constant 0 : i32
      %dma_wait3A_498 = tpu.memref_slice %arg10[%add3A_157, %dma_wait3A_497] : memref<80x125xi32, #tpu.memory_space<vmem>> -> memref<1x125xi32, #tpu.memory_space<vmem>>
      %dma_wait3A_499 = tpu.memref_squeeze %dma_wait3A_498 : memref<1x125xi32, #tpu.memory_space<vmem>> -> memref<125xi32, #tpu.memory_space<vmem>>
      %dma_wait3A_500 = arith.constant 0 : i32
      %dma_wait3A_501 = arith.constant 0 : i32
      %dma_wait3A_502 = tpu.memref_slice %arg4[%dma_wait3A_500, %dma_wait3A_501] : memref<80000x64xbf16, #tpu.memory_space<hbm>> -> memref<80000x64xbf16, #tpu.memory_space<hbm>>
      tpu.wait_indirect_dma semaphore(%arg23 : memref<!tpu.dma_semaphore, #tpu.memory_space<semaphore_mem>>) src(%dma_wait3A_502 : memref<80000x64xbf16, #tpu.memory_space<hbm>>) dst(%dma_wait3A_496 : memref<125x64xbf16, #tpu.memory_space<vmem>>)
      %mul3A_503 = arith.constant 10 : i32
      %mul3A_504 = arith.muli %mul3A_503, %scan3A_19 : i32
      %add3A_505 = arith.constant 9 : i32
      %add3A_506 = arith.addi %mul3A_504, %add3A_505 : i32
      %dma_start3A_507 = arith.constant 9 : i32
      %dma_start3A_508 = arith.constant 0 : i32
      %dma_start3A_509 = arith.constant 0 : i32
      %dma_start3A_510 = tpu.memref_slice %arg12[%dma_start3A_507, %dma_start3A_508, %dma_start3A_509] : memref<10x125x64xbf16, #tpu.memory_space<vmem>> -> memref<1x125x64xbf16, #tpu.memory_space<vmem>>
      %dma_start3A_511 = tpu.memref_squeeze %dma_start3A_510 : memref<1x125x64xbf16, #tpu.memory_space<vmem>> -> memref<125x64xbf16, #tpu.memory_space<vmem>>
      %dma_start3A_512 = arith.constant 0 : i32
      %dma_start3A_513 = tpu.memref_slice %arg11[%add3A_506, %dma_start3A_512] : memref<80x125xi32, #tpu.memory_space<vmem>> -> memref<1x125xi32, #tpu.memory_space<vmem>>
      %dma_start3A_514 = tpu.memref_squeeze %dma_start3A_513 : memref<1x125xi32, #tpu.memory_space<vmem>> -> memref<125xi32, #tpu.memory_space<vmem>>
      %dma_start3A_515 = arith.constant 0 : i32
      %dma_start3A_516 = arith.constant 0 : i32
      %dma_start3A_517 = tpu.memref_slice %arg13[%dma_start3A_515, %dma_start3A_516] : memref<10240x64xbf16, #tpu.memory_space<vmem_shared>> -> memref<10240x64xbf16, #tpu.memory_space<vmem_shared>>
      tpu.enqueue_indirect_dma source(%dma_start3A_511 : memref<125x64xbf16, #tpu.memory_space<vmem>>) target(%dma_start3A_517 : memref<10240x64xbf16, #tpu.memory_space<vmem_shared>>) offsets(%dma_start3A_514 : memref<125xi32, #tpu.memory_space<vmem>>) semaphore(%arg24 : memref<!tpu.dma_semaphore, #tpu.memory_space<semaphore_mem>>) {add = true}
      %mul3A_518 = arith.constant 10 : i32
      %mul3A_519 = arith.muli %mul3A_518, %scan3A_19 : i32
      %add3A_520 = arith.constant 9 : i32
      %add3A_521 = arith.addi %mul3A_519, %add3A_520 : i32
      %dma_start3A_522 = arith.constant 0 : i32
      %dma_start3A_523 = tpu.memref_slice %arg11[%add3A_521, %dma_start3A_522] : memref<80x125xi32, #tpu.memory_space<vmem>> -> memref<1x125xi32, #tpu.memory_space<vmem>>
      %dma_start3A_524 = tpu.memref_squeeze %dma_start3A_523 : memref<1x125xi32, #tpu.memory_space<vmem>> -> memref<125xi32, #tpu.memory_space<vmem>>
      %dma_start3A_525 = arith.constant 0 : i32
      %dma_start3A_526 = arith.constant 0 : i32
      %dma_start3A_527 = tpu.memref_slice %arg27[%dma_start3A_525, %dma_start3A_526] : memref<10240x8xf32, #tpu.memory_space<vmem_shared>> -> memref<10240x8xf32, #tpu.memory_space<vmem_shared>>
      tpu.enqueue_indirect_dma source(%arg26 : memref<125x8xf32, #tpu.memory_space<vmem>>) target(%dma_start3A_527 : memref<10240x8xf32, #tpu.memory_space<vmem_shared>>) offsets(%dma_start3A_524 : memref<125xi32, #tpu.memory_space<vmem>>) semaphore(%arg25 : memref<!tpu.dma_semaphore, #tpu.memory_space<semaphore_mem>>) {add = true}
      %dma_wait3A_528 = arith.constant 0 : i32
      %dma_wait3A_529 = arith.constant 0 : i32
      %dma_wait3A_530 = arith.constant 0 : i32
      %dma_wait3A_531 = tpu.memref_slice %arg12[%dma_wait3A_528, %dma_wait3A_529, %dma_wait3A_530] : memref<10x125x64xbf16, #tpu.memory_space<vmem>> -> memref<1x125x64xbf16, #tpu.memory_space<vmem>>
      %dma_wait3A_532 = tpu.memref_squeeze %dma_wait3A_531 : memref<1x125x64xbf16, #tpu.memory_space<vmem>> -> memref<125x64xbf16, #tpu.memory_space<vmem>>
      %dma_wait3A_533 = arith.constant 0 : i32
      %dma_wait3A_534 = tpu.memref_slice %arg11[%add3A_182, %dma_wait3A_533] : memref<80x125xi32, #tpu.memory_space<vmem>> -> memref<1x125xi32, #tpu.memory_space<vmem>>
      %dma_wait3A_535 = tpu.memref_squeeze %dma_wait3A_534 : memref<1x125xi32, #tpu.memory_space<vmem>> -> memref<125xi32, #tpu.memory_space<vmem>>
      %dma_wait3A_536 = arith.constant 0 : i32
      %dma_wait3A_537 = arith.constant 0 : i32
      %dma_wait3A_538 = tpu.memref_slice %arg13[%dma_wait3A_536, %dma_wait3A_537] : memref<10240x64xbf16, #tpu.memory_space<vmem_shared>> -> memref<10240x64xbf16, #tpu.memory_space<vmem_shared>>
      tpu.wait_indirect_dma semaphore(%arg24 : memref<!tpu.dma_semaphore, #tpu.memory_space<semaphore_mem>>) src(%dma_wait3A_532 : memref<125x64xbf16, #tpu.memory_space<vmem>>) dst(%dma_wait3A_538 : memref<10240x64xbf16, #tpu.memory_space<vmem_shared>>)
      %dma_wait3A_539 = arith.constant 0 : i32
      %dma_wait3A_540 = tpu.memref_slice %arg11[%add3A_197, %dma_wait3A_539] : memref<80x125xi32, #tpu.memory_space<vmem>> -> memref<1x125xi32, #tpu.memory_space<vmem>>
      %dma_wait3A_541 = tpu.memref_squeeze %dma_wait3A_540 : memref<1x125xi32, #tpu.memory_space<vmem>> -> memref<125xi32, #tpu.memory_space<vmem>>
      %dma_wait3A_542 = arith.constant 0 : i32
      %dma_wait3A_543 = arith.constant 0 : i32
      %dma_wait3A_544 = tpu.memref_slice %arg27[%dma_wait3A_542, %dma_wait3A_543] : memref<10240x8xf32, #tpu.memory_space<vmem_shared>> -> memref<10240x8xf32, #tpu.memory_space<vmem_shared>>
      tpu.wait_indirect_dma semaphore(%arg25 : memref<!tpu.dma_semaphore, #tpu.memory_space<semaphore_mem>>) src(%arg26 : memref<125x8xf32, #tpu.memory_space<vmem>>) dst(%dma_wait3A_544 : memref<10240x8xf32, #tpu.memory_space<vmem_shared>>)
      %dma_wait3A_545 = arith.constant 1 : i32
      %dma_wait3A_546 = arith.constant 0 : i32
      %dma_wait3A_547 = arith.constant 0 : i32
      %dma_wait3A_548 = tpu.memref_slice %arg12[%dma_wait3A_545, %dma_wait3A_546, %dma_wait3A_547] : memref<10x125x64xbf16, #tpu.memory_space<vmem>> -> memref<1x125x64xbf16, #tpu.memory_space<vmem>>
      %dma_wait3A_549 = tpu.memref_squeeze %dma_wait3A_548 : memref<1x125x64xbf16, #tpu.memory_space<vmem>> -> memref<125x64xbf16, #tpu.memory_space<vmem>>
      %dma_wait3A_550 = arith.constant 0 : i32
      %dma_wait3A_551 = tpu.memref_slice %arg11[%add3A_218, %dma_wait3A_550] : memref<80x125xi32, #tpu.memory_space<vmem>> -> memref<1x125xi32, #tpu.memory_space<vmem>>
      %dma_wait3A_552 = tpu.memref_squeeze %dma_wait3A_551 : memref<1x125xi32, #tpu.memory_space<vmem>> -> memref<125xi32, #tpu.memory_space<vmem>>
      %dma_wait3A_553 = arith.constant 0 : i32
      %dma_wait3A_554 = arith.constant 0 : i32
      %dma_wait3A_555 = tpu.memref_slice %arg13[%dma_wait3A_553, %dma_wait3A_554] : memref<10240x64xbf16, #tpu.memory_space<vmem_shared>> -> memref<10240x64xbf16, #tpu.memory_space<vmem_shared>>
      tpu.wait_indirect_dma semaphore(%arg24 : memref<!tpu.dma_semaphore, #tpu.memory_space<semaphore_mem>>) src(%dma_wait3A_549 : memref<125x64xbf16, #tpu.memory_space<vmem>>) dst(%dma_wait3A_555 : memref<10240x64xbf16, #tpu.memory_space<vmem_shared>>)
      %dma_wait3A_556 = arith.constant 0 : i32
      %dma_wait3A_557 = tpu.memref_slice %arg11[%add3A_233, %dma_wait3A_556] : memref<80x125xi32, #tpu.memory_space<vmem>> -> memref<1x125xi32, #tpu.memory_space<vmem>>
      %dma_wait3A_558 = tpu.memref_squeeze %dma_wait3A_557 : memref<1x125xi32, #tpu.memory_space<vmem>> -> memref<125xi32, #tpu.memory_space<vmem>>
      %dma_wait3A_559 = arith.constant 0 : i32
      %dma_wait3A_560 = arith.constant 0 : i32
      %dma_wait3A_561 = tpu.memref_slice %arg27[%dma_wait3A_559, %dma_wait3A_560] : memref<10240x8xf32, #tpu.memory_space<vmem_shared>> -> memref<10240x8xf32, #tpu.memory_space<vmem_shared>>
      tpu.wait_indirect_dma semaphore(%arg25 : memref<!tpu.dma_semaphore, #tpu.memory_space<semaphore_mem>>) src(%arg26 : memref<125x8xf32, #tpu.memory_space<vmem>>) dst(%dma_wait3A_561 : memref<10240x8xf32, #tpu.memory_space<vmem_shared>>)
      %dma_wait3A_562 = arith.constant 2 : i32
      %dma_wait3A_563 = arith.constant 0 : i32
      %dma_wait3A_564 = arith.constant 0 : i32
      %dma_wait3A_565 = tpu.memref_slice %arg12[%dma_wait3A_562, %dma_wait3A_563, %dma_wait3A_564] : memref<10x125x64xbf16, #tpu.memory_space<vmem>> -> memref<1x125x64xbf16, #tpu.memory_space<vmem>>
      %dma_wait3A_566 = tpu.memref_squeeze %dma_wait3A_565 : memref<1x125x64xbf16, #tpu.memory_space<vmem>> -> memref<125x64xbf16, #tpu.memory_space<vmem>>
      %dma_wait3A_567 = arith.constant 0 : i32
      %dma_wait3A_568 = tpu.memref_slice %arg11[%add3A_254, %dma_wait3A_567] : memref<80x125xi32, #tpu.memory_space<vmem>> -> memref<1x125xi32, #tpu.memory_space<vmem>>
      %dma_wait3A_569 = tpu.memref_squeeze %dma_wait3A_568 : memref<1x125xi32, #tpu.memory_space<vmem>> -> memref<125xi32, #tpu.memory_space<vmem>>
      %dma_wait3A_570 = arith.constant 0 : i32
      %dma_wait3A_571 = arith.constant 0 : i32
      %dma_wait3A_572 = tpu.memref_slice %arg13[%dma_wait3A_570, %dma_wait3A_571] : memref<10240x64xbf16, #tpu.memory_space<vmem_shared>> -> memref<10240x64xbf16, #tpu.memory_space<vmem_shared>>
      tpu.wait_indirect_dma semaphore(%arg24 : memref<!tpu.dma_semaphore, #tpu.memory_space<semaphore_mem>>) src(%dma_wait3A_566 : memref<125x64xbf16, #tpu.memory_space<vmem>>) dst(%dma_wait3A_572 : memref<10240x64xbf16, #tpu.memory_space<vmem_shared>>)
      %dma_wait3A_573 = arith.constant 0 : i32
      %dma_wait3A_574 = tpu.memref_slice %arg11[%add3A_269, %dma_wait3A_573] : memref<80x125xi32, #tpu.memory_space<vmem>> -> memref<1x125xi32, #tpu.memory_space<vmem>>
      %dma_wait3A_575 = tpu.memref_squeeze %dma_wait3A_574 : memref<1x125xi32, #tpu.memory_space<vmem>> -> memref<125xi32, #tpu.memory_space<vmem>>
      %dma_wait3A_576 = arith.constant 0 : i32
      %dma_wait3A_577 = arith.constant 0 : i32
      %dma_wait3A_578 = tpu.memref_slice %arg27[%dma_wait3A_576, %dma_wait3A_577] : memref<10240x8xf32, #tpu.memory_space<vmem_shared>> -> memref<10240x8xf32, #tpu.memory_space<vmem_shared>>
      tpu.wait_indirect_dma semaphore(%arg25 : memref<!tpu.dma_semaphore, #tpu.memory_space<semaphore_mem>>) src(%arg26 : memref<125x8xf32, #tpu.memory_space<vmem>>) dst(%dma_wait3A_578 : memref<10240x8xf32, #tpu.memory_space<vmem_shared>>)
      %dma_wait3A_579 = arith.constant 3 : i32
      %dma_wait3A_580 = arith.constant 0 : i32
      %dma_wait3A_581 = arith.constant 0 : i32
      %dma_wait3A_582 = tpu.memref_slice %arg12[%dma_wait3A_579, %dma_wait3A_580, %dma_wait3A_581] : memref<10x125x64xbf16, #tpu.memory_space<vmem>> -> memref<1x125x64xbf16, #tpu.memory_space<vmem>>
      %dma_wait3A_583 = tpu.memref_squeeze %dma_wait3A_582 : memref<1x125x64xbf16, #tpu.memory_space<vmem>> -> memref<125x64xbf16, #tpu.memory_space<vmem>>
      %dma_wait3A_584 = arith.constant 0 : i32
      %dma_wait3A_585 = tpu.memref_slice %arg11[%add3A_290, %dma_wait3A_584] : memref<80x125xi32, #tpu.memory_space<vmem>> -> memref<1x125xi32, #tpu.memory_space<vmem>>
      %dma_wait3A_586 = tpu.memref_squeeze %dma_wait3A_585 : memref<1x125xi32, #tpu.memory_space<vmem>> -> memref<125xi32, #tpu.memory_space<vmem>>
      %dma_wait3A_587 = arith.constant 0 : i32
      %dma_wait3A_588 = arith.constant 0 : i32
      %dma_wait3A_589 = tpu.memref_slice %arg13[%dma_wait3A_587, %dma_wait3A_588] : memref<10240x64xbf16, #tpu.memory_space<vmem_shared>> -> memref<10240x64xbf16, #tpu.memory_space<vmem_shared>>
      tpu.wait_indirect_dma semaphore(%arg24 : memref<!tpu.dma_semaphore, #tpu.memory_space<semaphore_mem>>) src(%dma_wait3A_583 : memref<125x64xbf16, #tpu.memory_space<vmem>>) dst(%dma_wait3A_589 : memref<10240x64xbf16, #tpu.memory_space<vmem_shared>>)
      %dma_wait3A_590 = arith.constant 0 : i32
      %dma_wait3A_591 = tpu.memref_slice %arg11[%add3A_305, %dma_wait3A_590] : memref<80x125xi32, #tpu.memory_space<vmem>> -> memref<1x125xi32, #tpu.memory_space<vmem>>
      %dma_wait3A_592 = tpu.memref_squeeze %dma_wait3A_591 : memref<1x125xi32, #tpu.memory_space<vmem>> -> memref<125xi32, #tpu.memory_space<vmem>>
      %dma_wait3A_593 = arith.constant 0 : i32
      %dma_wait3A_594 = arith.constant 0 : i32
      %dma_wait3A_595 = tpu.memref_slice %arg27[%dma_wait3A_593, %dma_wait3A_594] : memref<10240x8xf32, #tpu.memory_space<vmem_shared>> -> memref<10240x8xf32, #tpu.memory_space<vmem_shared>>
      tpu.wait_indirect_dma semaphore(%arg25 : memref<!tpu.dma_semaphore, #tpu.memory_space<semaphore_mem>>) src(%arg26 : memref<125x8xf32, #tpu.memory_space<vmem>>) dst(%dma_wait3A_595 : memref<10240x8xf32, #tpu.memory_space<vmem_shared>>)
      %dma_wait3A_596 = arith.constant 4 : i32
      %dma_wait3A_597 = arith.constant 0 : i32
      %dma_wait3A_598 = arith.constant 0 : i32
      %dma_wait3A_599 = tpu.memref_slice %arg12[%dma_wait3A_596, %dma_wait3A_597, %dma_wait3A_598] : memref<10x125x64xbf16, #tpu.memory_space<vmem>> -> memref<1x125x64xbf16, #tpu.memory_space<vmem>>
      %dma_wait3A_600 = tpu.memref_squeeze %dma_wait3A_599 : memref<1x125x64xbf16, #tpu.memory_space<vmem>> -> memref<125x64xbf16, #tpu.memory_space<vmem>>
      %dma_wait3A_601 = arith.constant 0 : i32
      %dma_wait3A_602 = tpu.memref_slice %arg11[%add3A_326, %dma_wait3A_601] : memref<80x125xi32, #tpu.memory_space<vmem>> -> memref<1x125xi32, #tpu.memory_space<vmem>>
      %dma_wait3A_603 = tpu.memref_squeeze %dma_wait3A_602 : memref<1x125xi32, #tpu.memory_space<vmem>> -> memref<125xi32, #tpu.memory_space<vmem>>
      %dma_wait3A_604 = arith.constant 0 : i32
      %dma_wait3A_605 = arith.constant 0 : i32
      %dma_wait3A_606 = tpu.memref_slice %arg13[%dma_wait3A_604, %dma_wait3A_605] : memref<10240x64xbf16, #tpu.memory_space<vmem_shared>> -> memref<10240x64xbf16, #tpu.memory_space<vmem_shared>>
      tpu.wait_indirect_dma semaphore(%arg24 : memref<!tpu.dma_semaphore, #tpu.memory_space<semaphore_mem>>) src(%dma_wait3A_600 : memref<125x64xbf16, #tpu.memory_space<vmem>>) dst(%dma_wait3A_606 : memref<10240x64xbf16, #tpu.memory_space<vmem_shared>>)
      %dma_wait3A_607 = arith.constant 0 : i32
      %dma_wait3A_608 = tpu.memref_slice %arg11[%add3A_341, %dma_wait3A_607] : memref<80x125xi32, #tpu.memory_space<vmem>> -> memref<1x125xi32, #tpu.memory_space<vmem>>
      %dma_wait3A_609 = tpu.memref_squeeze %dma_wait3A_608 : memref<1x125xi32, #tpu.memory_space<vmem>> -> memref<125xi32, #tpu.memory_space<vmem>>
      %dma_wait3A_610 = arith.constant 0 : i32
      %dma_wait3A_611 = arith.constant 0 : i32
      %dma_wait3A_612 = tpu.memref_slice %arg27[%dma_wait3A_610, %dma_wait3A_611] : memref<10240x8xf32, #tpu.memory_space<vmem_shared>> -> memref<10240x8xf32, #tpu.memory_space<vmem_shared>>
      tpu.wait_indirect_dma semaphore(%arg25 : memref<!tpu.dma_semaphore, #tpu.memory_space<semaphore_mem>>) src(%arg26 : memref<125x8xf32, #tpu.memory_space<vmem>>) dst(%dma_wait3A_612 : memref<10240x8xf32, #tpu.memory_space<vmem_shared>>)
      %dma_wait3A_613 = arith.constant 5 : i32
      %dma_wait3A_614 = arith.constant 0 : i32
      %dma_wait3A_615 = arith.constant 0 : i32
      %dma_wait3A_616 = tpu.memref_slice %arg12[%dma_wait3A_613, %dma_wait3A_614, %dma_wait3A_615] : memref<10x125x64xbf16, #tpu.memory_space<vmem>> -> memref<1x125x64xbf16, #tpu.memory_space<vmem>>
      %dma_wait3A_617 = tpu.memref_squeeze %dma_wait3A_616 : memref<1x125x64xbf16, #tpu.memory_space<vmem>> -> memref<125x64xbf16, #tpu.memory_space<vmem>>
      %dma_wait3A_618 = arith.constant 0 : i32
      %dma_wait3A_619 = tpu.memref_slice %arg11[%add3A_362, %dma_wait3A_618] : memref<80x125xi32, #tpu.memory_space<vmem>> -> memref<1x125xi32, #tpu.memory_space<vmem>>
      %dma_wait3A_620 = tpu.memref_squeeze %dma_wait3A_619 : memref<1x125xi32, #tpu.memory_space<vmem>> -> memref<125xi32, #tpu.memory_space<vmem>>
      %dma_wait3A_621 = arith.constant 0 : i32
      %dma_wait3A_622 = arith.constant 0 : i32
      %dma_wait3A_623 = tpu.memref_slice %arg13[%dma_wait3A_621, %dma_wait3A_622] : memref<10240x64xbf16, #tpu.memory_space<vmem_shared>> -> memref<10240x64xbf16, #tpu.memory_space<vmem_shared>>
      tpu.wait_indirect_dma semaphore(%arg24 : memref<!tpu.dma_semaphore, #tpu.memory_space<semaphore_mem>>) src(%dma_wait3A_617 : memref<125x64xbf16, #tpu.memory_space<vmem>>) dst(%dma_wait3A_623 : memref<10240x64xbf16, #tpu.memory_space<vmem_shared>>)
      %dma_wait3A_624 = arith.constant 0 : i32
      %dma_wait3A_625 = tpu.memref_slice %arg11[%add3A_377, %dma_wait3A_624] : memref<80x125xi32, #tpu.memory_space<vmem>> -> memref<1x125xi32, #tpu.memory_space<vmem>>
      %dma_wait3A_626 = tpu.memref_squeeze %dma_wait3A_625 : memref<1x125xi32, #tpu.memory_space<vmem>> -> memref<125xi32, #tpu.memory_space<vmem>>
      %dma_wait3A_627 = arith.constant 0 : i32
      %dma_wait3A_628 = arith.constant 0 : i32
      %dma_wait3A_629 = tpu.memref_slice %arg27[%dma_wait3A_627, %dma_wait3A_628] : memref<10240x8xf32, #tpu.memory_space<vmem_shared>> -> memref<10240x8xf32, #tpu.memory_space<vmem_shared>>
      tpu.wait_indirect_dma semaphore(%arg25 : memref<!tpu.dma_semaphore, #tpu.memory_space<semaphore_mem>>) src(%arg26 : memref<125x8xf32, #tpu.memory_space<vmem>>) dst(%dma_wait3A_629 : memref<10240x8xf32, #tpu.memory_space<vmem_shared>>)
      %dma_wait3A_630 = arith.constant 6 : i32
      %dma_wait3A_631 = arith.constant 0 : i32
      %dma_wait3A_632 = arith.constant 0 : i32
      %dma_wait3A_633 = tpu.memref_slice %arg12[%dma_wait3A_630, %dma_wait3A_631, %dma_wait3A_632] : memref<10x125x64xbf16, #tpu.memory_space<vmem>> -> memref<1x125x64xbf16, #tpu.memory_space<vmem>>
      %dma_wait3A_634 = tpu.memref_squeeze %dma_wait3A_633 : memref<1x125x64xbf16, #tpu.memory_space<vmem>> -> memref<125x64xbf16, #tpu.memory_space<vmem>>
      %dma_wait3A_635 = arith.constant 0 : i32
      %dma_wait3A_636 = tpu.memref_slice %arg11[%add3A_398, %dma_wait3A_635] : memref<80x125xi32, #tpu.memory_space<vmem>> -> memref<1x125xi32, #tpu.memory_space<vmem>>
      %dma_wait3A_637 = tpu.memref_squeeze %dma_wait3A_636 : memref<1x125xi32, #tpu.memory_space<vmem>> -> memref<125xi32, #tpu.memory_space<vmem>>
      %dma_wait3A_638 = arith.constant 0 : i32
      %dma_wait3A_639 = arith.constant 0 : i32
      %dma_wait3A_640 = tpu.memref_slice %arg13[%dma_wait3A_638, %dma_wait3A_639] : memref<10240x64xbf16, #tpu.memory_space<vmem_shared>> -> memref<10240x64xbf16, #tpu.memory_space<vmem_shared>>
      tpu.wait_indirect_dma semaphore(%arg24 : memref<!tpu.dma_semaphore, #tpu.memory_space<semaphore_mem>>) src(%dma_wait3A_634 : memref<125x64xbf16, #tpu.memory_space<vmem>>) dst(%dma_wait3A_640 : memref<10240x64xbf16, #tpu.memory_space<vmem_shared>>)
      %dma_wait3A_641 = arith.constant 0 : i32
      %dma_wait3A_642 = tpu.memref_slice %arg11[%add3A_413, %dma_wait3A_641] : memref<80x125xi32, #tpu.memory_space<vmem>> -> memref<1x125xi32, #tpu.memory_space<vmem>>
      %dma_wait3A_643 = tpu.memref_squeeze %dma_wait3A_642 : memref<1x125xi32, #tpu.memory_space<vmem>> -> memref<125xi32, #tpu.memory_space<vmem>>
      %dma_wait3A_644 = arith.constant 0 : i32
      %dma_wait3A_645 = arith.constant 0 : i32
      %dma_wait3A_646 = tpu.memref_slice %arg27[%dma_wait3A_644, %dma_wait3A_645] : memref<10240x8xf32, #tpu.memory_space<vmem_shared>> -> memref<10240x8xf32, #tpu.memory_space<vmem_shared>>
      tpu.wait_indirect_dma semaphore(%arg25 : memref<!tpu.dma_semaphore, #tpu.memory_space<semaphore_mem>>) src(%arg26 : memref<125x8xf32, #tpu.memory_space<vmem>>) dst(%dma_wait3A_646 : memref<10240x8xf32, #tpu.memory_space<vmem_shared>>)
      %dma_wait3A_647 = arith.constant 7 : i32
      %dma_wait3A_648 = arith.constant 0 : i32
      %dma_wait3A_649 = arith.constant 0 : i32
      %dma_wait3A_650 = tpu.memref_slice %arg12[%dma_wait3A_647, %dma_wait3A_648, %dma_wait3A_649] : memref<10x125x64xbf16, #tpu.memory_space<vmem>> -> memref<1x125x64xbf16, #tpu.memory_space<vmem>>
      %dma_wait3A_651 = tpu.memref_squeeze %dma_wait3A_650 : memref<1x125x64xbf16, #tpu.memory_space<vmem>> -> memref<125x64xbf16, #tpu.memory_space<vmem>>
      %dma_wait3A_652 = arith.constant 0 : i32
      %dma_wait3A_653 = tpu.memref_slice %arg11[%add3A_434, %dma_wait3A_652] : memref<80x125xi32, #tpu.memory_space<vmem>> -> memref<1x125xi32, #tpu.memory_space<vmem>>
      %dma_wait3A_654 = tpu.memref_squeeze %dma_wait3A_653 : memref<1x125xi32, #tpu.memory_space<vmem>> -> memref<125xi32, #tpu.memory_space<vmem>>
      %dma_wait3A_655 = arith.constant 0 : i32
      %dma_wait3A_656 = arith.constant 0 : i32
      %dma_wait3A_657 = tpu.memref_slice %arg13[%dma_wait3A_655, %dma_wait3A_656] : memref<10240x64xbf16, #tpu.memory_space<vmem_shared>> -> memref<10240x64xbf16, #tpu.memory_space<vmem_shared>>
      tpu.wait_indirect_dma semaphore(%arg24 : memref<!tpu.dma_semaphore, #tpu.memory_space<semaphore_mem>>) src(%dma_wait3A_651 : memref<125x64xbf16, #tpu.memory_space<vmem>>) dst(%dma_wait3A_657 : memref<10240x64xbf16, #tpu.memory_space<vmem_shared>>)
      %dma_wait3A_658 = arith.constant 0 : i32
      %dma_wait3A_659 = tpu.memref_slice %arg11[%add3A_449, %dma_wait3A_658] : memref<80x125xi32, #tpu.memory_space<vmem>> -> memref<1x125xi32, #tpu.memory_space<vmem>>
      %dma_wait3A_660 = tpu.memref_squeeze %dma_wait3A_659 : memref<1x125xi32, #tpu.memory_space<vmem>> -> memref<125xi32, #tpu.memory_space<vmem>>
      %dma_wait3A_661 = arith.constant 0 : i32
      %dma_wait3A_662 = arith.constant 0 : i32
      %dma_wait3A_663 = tpu.memref_slice %arg27[%dma_wait3A_661, %dma_wait3A_662] : memref<10240x8xf32, #tpu.memory_space<vmem_shared>> -> memref<10240x8xf32, #tpu.memory_space<vmem_shared>>
      tpu.wait_indirect_dma semaphore(%arg25 : memref<!tpu.dma_semaphore, #tpu.memory_space<semaphore_mem>>) src(%arg26 : memref<125x8xf32, #tpu.memory_space<vmem>>) dst(%dma_wait3A_663 : memref<10240x8xf32, #tpu.memory_space<vmem_shared>>)
      %dma_wait3A_664 = arith.constant 8 : i32
      %dma_wait3A_665 = arith.constant 0 : i32
      %dma_wait3A_666 = arith.constant 0 : i32
      %dma_wait3A_667 = tpu.memref_slice %arg12[%dma_wait3A_664, %dma_wait3A_665, %dma_wait3A_666] : memref<10x125x64xbf16, #tpu.memory_space<vmem>> -> memref<1x125x64xbf16, #tpu.memory_space<vmem>>
      %dma_wait3A_668 = tpu.memref_squeeze %dma_wait3A_667 : memref<1x125x64xbf16, #tpu.memory_space<vmem>> -> memref<125x64xbf16, #tpu.memory_space<vmem>>
      %dma_wait3A_669 = arith.constant 0 : i32
      %dma_wait3A_670 = tpu.memref_slice %arg11[%add3A_470, %dma_wait3A_669] : memref<80x125xi32, #tpu.memory_space<vmem>> -> memref<1x125xi32, #tpu.memory_space<vmem>>
      %dma_wait3A_671 = tpu.memref_squeeze %dma_wait3A_670 : memref<1x125xi32, #tpu.memory_space<vmem>> -> memref<125xi32, #tpu.memory_space<vmem>>
      %dma_wait3A_672 = arith.constant 0 : i32
      %dma_wait3A_673 = arith.constant 0 : i32
      %dma_wait3A_674 = tpu.memref_slice %arg13[%dma_wait3A_672, %dma_wait3A_673] : memref<10240x64xbf16, #tpu.memory_space<vmem_shared>> -> memref<10240x64xbf16, #tpu.memory_space<vmem_shared>>
      tpu.wait_indirect_dma semaphore(%arg24 : memref<!tpu.dma_semaphore, #tpu.memory_space<semaphore_mem>>) src(%dma_wait3A_668 : memref<125x64xbf16, #tpu.memory_space<vmem>>) dst(%dma_wait3A_674 : memref<10240x64xbf16, #tpu.memory_space<vmem_shared>>)
      %dma_wait3A_675 = arith.constant 0 : i32
      %dma_wait3A_676 = tpu.memref_slice %arg11[%add3A_485, %dma_wait3A_675] : memref<80x125xi32, #tpu.memory_space<vmem>> -> memref<1x125xi32, #tpu.memory_space<vmem>>
      %dma_wait3A_677 = tpu.memref_squeeze %dma_wait3A_676 : memref<1x125xi32, #tpu.memory_space<vmem>> -> memref<125xi32, #tpu.memory_space<vmem>>
      %dma_wait3A_678 = arith.constant 0 : i32
      %dma_wait3A_679 = arith.constant 0 : i32
      %dma_wait3A_680 = tpu.memref_slice %arg27[%dma_wait3A_678, %dma_wait3A_679] : memref<10240x8xf32, #tpu.memory_space<vmem_shared>> -> memref<10240x8xf32, #tpu.memory_space<vmem_shared>>
      tpu.wait_indirect_dma semaphore(%arg25 : memref<!tpu.dma_semaphore, #tpu.memory_space<semaphore_mem>>) src(%arg26 : memref<125x8xf32, #tpu.memory_space<vmem>>) dst(%dma_wait3A_680 : memref<10240x8xf32, #tpu.memory_space<vmem_shared>>)
      %dma_wait3A_681 = arith.constant 9 : i32
      %dma_wait3A_682 = arith.constant 0 : i32
      %dma_wait3A_683 = arith.constant 0 : i32
      %dma_wait3A_684 = tpu.memref_slice %arg12[%dma_wait3A_681, %dma_wait3A_682, %dma_wait3A_683] : memref<10x125x64xbf16, #tpu.memory_space<vmem>> -> memref<1x125x64xbf16, #tpu.memory_space<vmem>>
      %dma_wait3A_685 = tpu.memref_squeeze %dma_wait3A_684 : memref<1x125x64xbf16, #tpu.memory_space<vmem>> -> memref<125x64xbf16, #tpu.memory_space<vmem>>
      %dma_wait3A_686 = arith.constant 0 : i32
      %dma_wait3A_687 = tpu.memref_slice %arg11[%add3A_506, %dma_wait3A_686] : memref<80x125xi32, #tpu.memory_space<vmem>> -> memref<1x125xi32, #tpu.memory_space<vmem>>
      %dma_wait3A_688 = tpu.memref_squeeze %dma_wait3A_687 : memref<1x125xi32, #tpu.memory_space<vmem>> -> memref<125xi32, #tpu.memory_space<vmem>>
      %dma_wait3A_689 = arith.constant 0 : i32
      %dma_wait3A_690 = arith.constant 0 : i32
      %dma_wait3A_691 = tpu.memref_slice %arg13[%dma_wait3A_689, %dma_wait3A_690] : memref<10240x64xbf16, #tpu.memory_space<vmem_shared>> -> memref<10240x64xbf16, #tpu.memory_space<vmem_shared>>
      tpu.wait_indirect_dma semaphore(%arg24 : memref<!tpu.dma_semaphore, #tpu.memory_space<semaphore_mem>>) src(%dma_wait3A_685 : memref<125x64xbf16, #tpu.memory_space<vmem>>) dst(%dma_wait3A_691 : memref<10240x64xbf16, #tpu.memory_space<vmem_shared>>)
      %dma_wait3A_692 = arith.constant 0 : i32
      %dma_wait3A_693 = tpu.memref_slice %arg11[%add3A_521, %dma_wait3A_692] : memref<80x125xi32, #tpu.memory_space<vmem>> -> memref<1x125xi32, #tpu.memory_space<vmem>>
      %dma_wait3A_694 = tpu.memref_squeeze %dma_wait3A_693 : memref<1x125xi32, #tpu.memory_space<vmem>> -> memref<125xi32, #tpu.memory_space<vmem>>
      %dma_wait3A_695 = arith.constant 0 : i32
      %dma_wait3A_696 = arith.constant 0 : i32
      %dma_wait3A_697 = tpu.memref_slice %arg27[%dma_wait3A_695, %dma_wait3A_696] : memref<10240x8xf32, #tpu.memory_space<vmem_shared>> -> memref<10240x8xf32, #tpu.memory_space<vmem_shared>>
      tpu.wait_indirect_dma semaphore(%arg25 : memref<!tpu.dma_semaphore, #tpu.memory_space<semaphore_mem>>) src(%arg26 : memref<125x8xf32, #tpu.memory_space<vmem>>) dst(%dma_wait3A_697 : memref<10240x8xf32, #tpu.memory_space<vmem_shared>>)
    }
    %scan3A_9 = arith.constant 8 : i32
    %barrier3A_10 = arith.constant 0 : index
    tpu.barrier barrier_id(%barrier3A_10)
    %mul3A_11 = arith.constant 640 : i32
    %mul3A_12 = arith.muli %arg1, %mul3A_11 : i32
    %mul3A_13 = arith.constant 640 : i32
    %mul3A_14 = arith.muli %arg1, %mul3A_13 : i32
    "tpu.region"() ({
      %run_scoped3A = tpu.sem_alloc : memref<!tpu.dma_semaphore, #tpu.memory_space<semaphore_mem>>
      %dma_start3A = arith.constant 0 : i32
      %dma_start3A_19 = arith.constant 0 : i32
      %dma_start3A_20 = tpu.memref_slice %arg8[%arg0, %dma_start3A, %dma_start3A_19] : memref<2x10240x64xbf16, #tpu.memory_space<hbm>> -> memref<1x10240x64xbf16, #tpu.memory_space<hbm>>
      %dma_start3A_21 = tpu.memref_squeeze %dma_start3A_20 : memref<1x10240x64xbf16, #tpu.memory_space<hbm>> -> memref<10240x64xbf16, #tpu.memory_space<hbm>>
      %dma_start3A_22 = arith.constant 0 : i32
      %dma_start3A_23 = tpu.memref_slice %dma_start3A_21[%mul3A_14, %dma_start3A_22] : memref<10240x64xbf16, #tpu.memory_space<hbm>> -> memref<640x64xbf16, #tpu.memory_space<hbm>>
      %dma_start3A_24 = arith.constant 0 : i32
      %dma_start3A_25 = tpu.memref_slice %arg13[%mul3A_12, %dma_start3A_24] : memref<10240x64xbf16, #tpu.memory_space<vmem_shared>> -> memref<640x64xbf16, #tpu.memory_space<vmem_shared>>
      tpu.enqueue_dma source(%dma_start3A_25 : memref<640x64xbf16, #tpu.memory_space<vmem_shared>>) target(%dma_start3A_23 : memref<640x64xbf16, #tpu.memory_space<hbm>>) target_semaphore(%run_scoped3A : memref<!tpu.dma_semaphore, #tpu.memory_space<semaphore_mem>>)
      %dma_wait3A = arith.constant 0 : i32
      %dma_wait3A_26 = arith.constant 0 : i32
      %dma_wait3A_27 = tpu.memref_slice %arg8[%arg0, %dma_wait3A, %dma_wait3A_26] : memref<2x10240x64xbf16, #tpu.memory_space<hbm>> -> memref<1x10240x64xbf16, #tpu.memory_space<hbm>>
      %dma_wait3A_28 = tpu.memref_squeeze %dma_wait3A_27 : memref<1x10240x64xbf16, #tpu.memory_space<hbm>> -> memref<10240x64xbf16, #tpu.memory_space<hbm>>
      %dma_wait3A_29 = arith.constant 0 : i32
      %dma_wait3A_30 = tpu.memref_slice %dma_wait3A_28[%mul3A_14, %dma_wait3A_29] : memref<10240x64xbf16, #tpu.memory_space<hbm>> -> memref<640x64xbf16, #tpu.memory_space<hbm>>
      %dma_wait3A_31 = arith.constant 0 : i32
      %dma_wait3A_32 = tpu.memref_slice %arg13[%mul3A_12, %dma_wait3A_31] : memref<10240x64xbf16, #tpu.memory_space<vmem_shared>> -> memref<640x64xbf16, #tpu.memory_space<vmem_shared>>
      tpu.wait_dma2 semaphore(%run_scoped3A : memref<!tpu.dma_semaphore, #tpu.memory_space<semaphore_mem>>) src(%dma_wait3A_32 : memref<640x64xbf16, #tpu.memory_space<vmem_shared>>) dst(%dma_wait3A_30 : memref<640x64xbf16, #tpu.memory_space<hbm>>)
      tpu.yield
    }) : () -> ()
    %mul3A_15 = arith.constant 640 : i32
    %mul3A_16 = arith.muli %arg1, %mul3A_15 : i32
    %mul3A_17 = arith.constant 640 : i32
    %mul3A_18 = arith.muli %arg1, %mul3A_17 : i32
    "tpu.region"() ({
      %run_scoped3A = tpu.sem_alloc : memref<!tpu.dma_semaphore, #tpu.memory_space<semaphore_mem>>
      %dma_start3A = arith.constant 0 : i32
      %dma_start3A_19 = arith.constant 0 : i32
      %dma_start3A_20 = tpu.memref_slice %arg9[%arg0, %dma_start3A, %dma_start3A_19] : memref<2x10240x8xf32, #tpu.memory_space<hbm>> -> memref<1x10240x8xf32, #tpu.memory_space<hbm>>
      %dma_start3A_21 = tpu.memref_squeeze %dma_start3A_20 : memref<1x10240x8xf32, #tpu.memory_space<hbm>> -> memref<10240x8xf32, #tpu.memory_space<hbm>>
      %dma_start3A_22 = arith.constant 0 : i32
      %dma_start3A_23 = tpu.memref_slice %dma_start3A_21[%mul3A_18, %dma_start3A_22] : memref<10240x8xf32, #tpu.memory_space<hbm>> -> memref<640x8xf32, #tpu.memory_space<hbm>>
      %dma_start3A_24 = arith.constant 0 : i32
      %dma_start3A_25 = tpu.memref_slice %arg27[%mul3A_16, %dma_start3A_24] : memref<10240x8xf32, #tpu.memory_space<vmem_shared>> -> memref<640x8xf32, #tpu.memory_space<vmem_shared>>
      tpu.enqueue_dma source(%dma_start3A_25 : memref<640x8xf32, #tpu.memory_space<vmem_shared>>) target(%dma_start3A_23 : memref<640x8xf32, #tpu.memory_space<hbm>>) target_semaphore(%run_scoped3A : memref<!tpu.dma_semaphore, #tpu.memory_space<semaphore_mem>>)
      %dma_wait3A = arith.constant 0 : i32
      %dma_wait3A_26 = arith.constant 0 : i32
      %dma_wait3A_27 = tpu.memref_slice %arg9[%arg0, %dma_wait3A, %dma_wait3A_26] : memref<2x10240x8xf32, #tpu.memory_space<hbm>> -> memref<1x10240x8xf32, #tpu.memory_space<hbm>>
      %dma_wait3A_28 = tpu.memref_squeeze %dma_wait3A_27 : memref<1x10240x8xf32, #tpu.memory_space<hbm>> -> memref<10240x8xf32, #tpu.memory_space<hbm>>
      %dma_wait3A_29 = arith.constant 0 : i32
      %dma_wait3A_30 = tpu.memref_slice %dma_wait3A_28[%mul3A_18, %dma_wait3A_29] : memref<10240x8xf32, #tpu.memory_space<hbm>> -> memref<640x8xf32, #tpu.memory_space<hbm>>
      %dma_wait3A_31 = arith.constant 0 : i32
      %dma_wait3A_32 = tpu.memref_slice %arg27[%mul3A_16, %dma_wait3A_31] : memref<10240x8xf32, #tpu.memory_space<vmem_shared>> -> memref<640x8xf32, #tpu.memory_space<vmem_shared>>
      tpu.wait_dma2 semaphore(%run_scoped3A : memref<!tpu.dma_semaphore, #tpu.memory_space<semaphore_mem>>) src(%dma_wait3A_32 : memref<640x8xf32, #tpu.memory_space<vmem_shared>>) dst(%dma_wait3A_30 : memref<640x8xf32, #tpu.memory_space<hbm>>)
      tpu.yield
    }) : () -> ()
    return
  }
}

#map = affine_map<(d0, d1) -> (0, 0, 0)>
#map1 = affine_map<(d0, d1) -> (0, 0)>
module attributes {stable_mosaic.version = 14 : i64} {
  func.func @body(%arg0: i32, %arg1: i32, %arg2: memref<32x80x125xi32, #tpu.memory_space<hbm>>, %arg3: memref<32x80x125xi32, #tpu.memory_space<hbm>>, %arg4: memref<80000x32xbf16, #tpu.memory_space<hbm>>, %arg5: memref<640x32xbf16, #tpu.memory_space<hbm>>, %arg6: memref<2x10240x32xbf16, #tpu.memory_space<hbm>>, %arg7: memref<80x125xi32, #tpu.memory_space<vmem>>, %arg8: memref<80x125xi32, #tpu.memory_space<vmem>>, %arg9: memref<10x125x32xbf16, #tpu.memory_space<vmem>>, %arg10: memref<10240x32xbf16, #tpu.memory_space<vmem_shared>>, %arg11: memref<!tpu.dma_semaphore, #tpu.memory_space<semaphore_mem>>, %arg12: memref<!tpu.dma_semaphore, #tpu.memory_space<semaphore_mem>>, %arg13: memref<!tpu.dma_semaphore, #tpu.memory_space<semaphore_mem>>, %arg14: memref<!tpu.dma_semaphore, #tpu.memory_space<semaphore_mem>>, %arg15: memref<!tpu.dma_semaphore, #tpu.memory_space<semaphore_mem>>, %arg16: memref<!tpu.dma_semaphore, #tpu.memory_space<semaphore_mem>>, %arg17: memref<!tpu.dma_semaphore, #tpu.memory_space<semaphore_mem>>, %arg18: memref<!tpu.dma_semaphore, #tpu.memory_space<semaphore_mem>>, %arg19: memref<!tpu.dma_semaphore, #tpu.memory_space<semaphore_mem>>, %arg20: memref<!tpu.dma_semaphore, #tpu.memory_space<semaphore_mem>>, %arg21: memref<!tpu.dma_semaphore, #tpu.memory_space<semaphore_mem>>, %arg22: memref<!tpu.dma_semaphore, #tpu.memory_space<semaphore_mem>>) attributes {dimension_semantics = [#tpu.dimension_semantics<core_parallel>, #tpu.dimension_semantics<subcore_parallel>], iteration_bounds = array<i64: 2, 16>, scalar_prefetch = 0 : i64, scratch_operands = 16 : i64, tpu.core_type = #tpu.core_type<sc_vector_subcore>, window_params = [{transform_indices = #map}, {transform_indices = #map}, {transform_indices = #map1}, {transform_indices = #map1}, {transform_indices = #map}]} {
    %mul3A = arith.constant 16 : i32
    %mul3A_0 = arith.muli %arg0, %mul3A : i32
    %add3A = arith.addi %mul3A_0, %arg1 : i32
    %mul3A_1 = arith.constant 640 : i32
    %mul3A_2 = arith.muli %arg1, %mul3A_1 : i32
    "tpu.region"() ({
      %run_scoped3A = tpu.sem_alloc : memref<!tpu.dma_semaphore, #tpu.memory_space<semaphore_mem>>
      %dma_start3A = arith.constant 0 : i32
      %dma_start3A_13 = tpu.memref_slice %arg10[%mul3A_2, %dma_start3A] : memref<10240x32xbf16, #tpu.memory_space<vmem_shared>> -> memref<640x32xbf16, #tpu.memory_space<vmem_shared>>
      tpu.enqueue_dma source(%arg5 : memref<640x32xbf16, #tpu.memory_space<hbm>>) target(%dma_start3A_13 : memref<640x32xbf16, #tpu.memory_space<vmem_shared>>) target_semaphore(%run_scoped3A : memref<!tpu.dma_semaphore, #tpu.memory_space<semaphore_mem>>)
      %dma_wait3A = arith.constant 0 : i32
      %dma_wait3A_14 = tpu.memref_slice %arg10[%mul3A_2, %dma_wait3A] : memref<10240x32xbf16, #tpu.memory_space<vmem_shared>> -> memref<640x32xbf16, #tpu.memory_space<vmem_shared>>
      tpu.wait_dma2 semaphore(%run_scoped3A : memref<!tpu.dma_semaphore, #tpu.memory_space<semaphore_mem>>) src(%arg5 : memref<640x32xbf16, #tpu.memory_space<hbm>>) dst(%dma_wait3A_14 : memref<640x32xbf16, #tpu.memory_space<vmem_shared>>)
      tpu.yield
    }) : () -> ()
    "tpu.region"() ({
      %run_scoped3A = tpu.sem_alloc : memref<!tpu.dma_semaphore, #tpu.memory_space<semaphore_mem>>
      %dma_start3A = arith.constant 0 : i32
      %dma_start3A_13 = arith.constant 0 : i32
      %dma_start3A_14 = tpu.memref_slice %arg2[%add3A, %dma_start3A, %dma_start3A_13] : memref<32x80x125xi32, #tpu.memory_space<hbm>> -> memref<1x80x125xi32, #tpu.memory_space<hbm>>
      %dma_start3A_15 = tpu.memref_squeeze %dma_start3A_14 : memref<1x80x125xi32, #tpu.memory_space<hbm>> -> memref<80x125xi32, #tpu.memory_space<hbm>>
      %dma_start3A_16 = arith.constant 0 : i32
      %dma_start3A_17 = arith.constant 0 : i32
      %dma_start3A_18 = tpu.memref_slice %arg2[%add3A, %dma_start3A_16, %dma_start3A_17] : memref<32x80x125xi32, #tpu.memory_space<hbm>> -> memref<1x80x125xi32, #tpu.memory_space<hbm>>
      %dma_start3A_19 = tpu.memref_squeeze %dma_start3A_18 : memref<1x80x125xi32, #tpu.memory_space<hbm>> -> memref<80x125xi32, #tpu.memory_space<hbm>>
      tpu.enqueue_dma source(%dma_start3A_19 : memref<80x125xi32, #tpu.memory_space<hbm>>) target(%arg7 : memref<80x125xi32, #tpu.memory_space<vmem>>) target_semaphore(%run_scoped3A : memref<!tpu.dma_semaphore, #tpu.memory_space<semaphore_mem>>)
      %dma_wait3A = arith.constant 0 : i32
      %dma_wait3A_20 = arith.constant 0 : i32
      %dma_wait3A_21 = tpu.memref_slice %arg2[%add3A, %dma_wait3A, %dma_wait3A_20] : memref<32x80x125xi32, #tpu.memory_space<hbm>> -> memref<1x80x125xi32, #tpu.memory_space<hbm>>
      %dma_wait3A_22 = tpu.memref_squeeze %dma_wait3A_21 : memref<1x80x125xi32, #tpu.memory_space<hbm>> -> memref<80x125xi32, #tpu.memory_space<hbm>>
      %dma_wait3A_23 = arith.constant 0 : i32
      %dma_wait3A_24 = arith.constant 0 : i32
      %dma_wait3A_25 = tpu.memref_slice %arg2[%add3A, %dma_wait3A_23, %dma_wait3A_24] : memref<32x80x125xi32, #tpu.memory_space<hbm>> -> memref<1x80x125xi32, #tpu.memory_space<hbm>>
      %dma_wait3A_26 = tpu.memref_squeeze %dma_wait3A_25 : memref<1x80x125xi32, #tpu.memory_space<hbm>> -> memref<80x125xi32, #tpu.memory_space<hbm>>
      tpu.wait_dma2 semaphore(%run_scoped3A : memref<!tpu.dma_semaphore, #tpu.memory_space<semaphore_mem>>) src(%dma_wait3A_26 : memref<80x125xi32, #tpu.memory_space<hbm>>) dst(%arg7 : memref<80x125xi32, #tpu.memory_space<vmem>>)
      tpu.yield
    }) : () -> ()
    "tpu.region"() ({
      %run_scoped3A = tpu.sem_alloc : memref<!tpu.dma_semaphore, #tpu.memory_space<semaphore_mem>>
      %dma_start3A = arith.constant 0 : i32
      %dma_start3A_13 = arith.constant 0 : i32
      %dma_start3A_14 = tpu.memref_slice %arg3[%add3A, %dma_start3A, %dma_start3A_13] : memref<32x80x125xi32, #tpu.memory_space<hbm>> -> memref<1x80x125xi32, #tpu.memory_space<hbm>>
      %dma_start3A_15 = tpu.memref_squeeze %dma_start3A_14 : memref<1x80x125xi32, #tpu.memory_space<hbm>> -> memref<80x125xi32, #tpu.memory_space<hbm>>
      %dma_start3A_16 = arith.constant 0 : i32
      %dma_start3A_17 = arith.constant 0 : i32
      %dma_start3A_18 = tpu.memref_slice %arg3[%add3A, %dma_start3A_16, %dma_start3A_17] : memref<32x80x125xi32, #tpu.memory_space<hbm>> -> memref<1x80x125xi32, #tpu.memory_space<hbm>>
      %dma_start3A_19 = tpu.memref_squeeze %dma_start3A_18 : memref<1x80x125xi32, #tpu.memory_space<hbm>> -> memref<80x125xi32, #tpu.memory_space<hbm>>
      tpu.enqueue_dma source(%dma_start3A_19 : memref<80x125xi32, #tpu.memory_space<hbm>>) target(%arg8 : memref<80x125xi32, #tpu.memory_space<vmem>>) target_semaphore(%run_scoped3A : memref<!tpu.dma_semaphore, #tpu.memory_space<semaphore_mem>>)
      %dma_wait3A = arith.constant 0 : i32
      %dma_wait3A_20 = arith.constant 0 : i32
      %dma_wait3A_21 = tpu.memref_slice %arg3[%add3A, %dma_wait3A, %dma_wait3A_20] : memref<32x80x125xi32, #tpu.memory_space<hbm>> -> memref<1x80x125xi32, #tpu.memory_space<hbm>>
      %dma_wait3A_22 = tpu.memref_squeeze %dma_wait3A_21 : memref<1x80x125xi32, #tpu.memory_space<hbm>> -> memref<80x125xi32, #tpu.memory_space<hbm>>
      %dma_wait3A_23 = arith.constant 0 : i32
      %dma_wait3A_24 = arith.constant 0 : i32
      %dma_wait3A_25 = tpu.memref_slice %arg3[%add3A, %dma_wait3A_23, %dma_wait3A_24] : memref<32x80x125xi32, #tpu.memory_space<hbm>> -> memref<1x80x125xi32, #tpu.memory_space<hbm>>
      %dma_wait3A_26 = tpu.memref_squeeze %dma_wait3A_25 : memref<1x80x125xi32, #tpu.memory_space<hbm>> -> memref<80x125xi32, #tpu.memory_space<hbm>>
      tpu.wait_dma2 semaphore(%run_scoped3A : memref<!tpu.dma_semaphore, #tpu.memory_space<semaphore_mem>>) src(%dma_wait3A_26 : memref<80x125xi32, #tpu.memory_space<hbm>>) dst(%arg8 : memref<80x125xi32, #tpu.memory_space<vmem>>)
      tpu.yield
    }) : () -> ()
    %barrier3A = arith.constant 0 : index
    tpu.barrier barrier_id(%barrier3A)
    %scan3A = arith.constant 0 : i32
    %scan3A_3 = arith.constant 0 : i32
    %scan3A_4 = arith.constant 8 : i32
    %scan3A_5 = arith.addi %scan3A_3, %scan3A_4 : i32
    %scan3A_6 = arith.constant 1 : i32
    scf.for %scan3A_13 = %scan3A_3 to %scan3A_5 step %scan3A_6  : i32 {
      %mul3A_14 = arith.constant 10 : i32
      %mul3A_15 = arith.muli %mul3A_14, %scan3A_13 : i32
      %add3A_16 = arith.constant 0 : i32
      %add3A_17 = arith.addi %mul3A_15, %add3A_16 : i32
      %dma_start3A = arith.constant 0 : i32
      %dma_start3A_18 = arith.constant 0 : i32
      %dma_start3A_19 = arith.constant 0 : i32
      %dma_start3A_20 = tpu.memref_slice %arg9[%dma_start3A, %dma_start3A_18, %dma_start3A_19] : memref<10x125x32xbf16, #tpu.memory_space<vmem>> -> memref<1x125x32xbf16, #tpu.memory_space<vmem>>
      %dma_start3A_21 = tpu.memref_squeeze %dma_start3A_20 : memref<1x125x32xbf16, #tpu.memory_space<vmem>> -> memref<125x32xbf16, #tpu.memory_space<vmem>>
      %dma_start3A_22 = arith.constant 0 : i32
      %dma_start3A_23 = tpu.memref_slice %arg7[%add3A_17, %dma_start3A_22] : memref<80x125xi32, #tpu.memory_space<vmem>> -> memref<1x125xi32, #tpu.memory_space<vmem>>
      %dma_start3A_24 = tpu.memref_squeeze %dma_start3A_23 : memref<1x125xi32, #tpu.memory_space<vmem>> -> memref<125xi32, #tpu.memory_space<vmem>>
      %dma_start3A_25 = arith.constant 0 : i32
      %dma_start3A_26 = arith.constant 0 : i32
      %dma_start3A_27 = tpu.memref_slice %arg4[%dma_start3A_25, %dma_start3A_26] : memref<80000x32xbf16, #tpu.memory_space<hbm>> -> memref<80000x32xbf16, #tpu.memory_space<hbm>>
      tpu.enqueue_indirect_dma source(%dma_start3A_27 : memref<80000x32xbf16, #tpu.memory_space<hbm>>) target(%dma_start3A_21 : memref<125x32xbf16, #tpu.memory_space<vmem>>) offsets(%dma_start3A_24 : memref<125xi32, #tpu.memory_space<vmem>>) semaphore(%arg11 : memref<!tpu.dma_semaphore, #tpu.memory_space<semaphore_mem>>)
      %mul3A_28 = arith.constant 10 : i32
      %mul3A_29 = arith.muli %mul3A_28, %scan3A_13 : i32
      %add3A_30 = arith.constant 1 : i32
      %add3A_31 = arith.addi %mul3A_29, %add3A_30 : i32
      %dma_start3A_32 = arith.constant 1 : i32
      %dma_start3A_33 = arith.constant 0 : i32
      %dma_start3A_34 = arith.constant 0 : i32
      %dma_start3A_35 = tpu.memref_slice %arg9[%dma_start3A_32, %dma_start3A_33, %dma_start3A_34] : memref<10x125x32xbf16, #tpu.memory_space<vmem>> -> memref<1x125x32xbf16, #tpu.memory_space<vmem>>
      %dma_start3A_36 = tpu.memref_squeeze %dma_start3A_35 : memref<1x125x32xbf16, #tpu.memory_space<vmem>> -> memref<125x32xbf16, #tpu.memory_space<vmem>>
      %dma_start3A_37 = arith.constant 0 : i32
      %dma_start3A_38 = tpu.memref_slice %arg7[%add3A_31, %dma_start3A_37] : memref<80x125xi32, #tpu.memory_space<vmem>> -> memref<1x125xi32, #tpu.memory_space<vmem>>
      %dma_start3A_39 = tpu.memref_squeeze %dma_start3A_38 : memref<1x125xi32, #tpu.memory_space<vmem>> -> memref<125xi32, #tpu.memory_space<vmem>>
      %dma_start3A_40 = arith.constant 0 : i32
      %dma_start3A_41 = arith.constant 0 : i32
      %dma_start3A_42 = tpu.memref_slice %arg4[%dma_start3A_40, %dma_start3A_41] : memref<80000x32xbf16, #tpu.memory_space<hbm>> -> memref<80000x32xbf16, #tpu.memory_space<hbm>>
      tpu.enqueue_indirect_dma source(%dma_start3A_42 : memref<80000x32xbf16, #tpu.memory_space<hbm>>) target(%dma_start3A_36 : memref<125x32xbf16, #tpu.memory_space<vmem>>) offsets(%dma_start3A_39 : memref<125xi32, #tpu.memory_space<vmem>>) semaphore(%arg12 : memref<!tpu.dma_semaphore, #tpu.memory_space<semaphore_mem>>)
      %mul3A_43 = arith.constant 10 : i32
      %mul3A_44 = arith.muli %mul3A_43, %scan3A_13 : i32
      %add3A_45 = arith.constant 2 : i32
      %add3A_46 = arith.addi %mul3A_44, %add3A_45 : i32
      %dma_start3A_47 = arith.constant 2 : i32
      %dma_start3A_48 = arith.constant 0 : i32
      %dma_start3A_49 = arith.constant 0 : i32
      %dma_start3A_50 = tpu.memref_slice %arg9[%dma_start3A_47, %dma_start3A_48, %dma_start3A_49] : memref<10x125x32xbf16, #tpu.memory_space<vmem>> -> memref<1x125x32xbf16, #tpu.memory_space<vmem>>
      %dma_start3A_51 = tpu.memref_squeeze %dma_start3A_50 : memref<1x125x32xbf16, #tpu.memory_space<vmem>> -> memref<125x32xbf16, #tpu.memory_space<vmem>>
      %dma_start3A_52 = arith.constant 0 : i32
      %dma_start3A_53 = tpu.memref_slice %arg7[%add3A_46, %dma_start3A_52] : memref<80x125xi32, #tpu.memory_space<vmem>> -> memref<1x125xi32, #tpu.memory_space<vmem>>
      %dma_start3A_54 = tpu.memref_squeeze %dma_start3A_53 : memref<1x125xi32, #tpu.memory_space<vmem>> -> memref<125xi32, #tpu.memory_space<vmem>>
      %dma_start3A_55 = arith.constant 0 : i32
      %dma_start3A_56 = arith.constant 0 : i32
      %dma_start3A_57 = tpu.memref_slice %arg4[%dma_start3A_55, %dma_start3A_56] : memref<80000x32xbf16, #tpu.memory_space<hbm>> -> memref<80000x32xbf16, #tpu.memory_space<hbm>>
      tpu.enqueue_indirect_dma source(%dma_start3A_57 : memref<80000x32xbf16, #tpu.memory_space<hbm>>) target(%dma_start3A_51 : memref<125x32xbf16, #tpu.memory_space<vmem>>) offsets(%dma_start3A_54 : memref<125xi32, #tpu.memory_space<vmem>>) semaphore(%arg13 : memref<!tpu.dma_semaphore, #tpu.memory_space<semaphore_mem>>)
      %mul3A_58 = arith.constant 10 : i32
      %mul3A_59 = arith.muli %mul3A_58, %scan3A_13 : i32
      %add3A_60 = arith.constant 3 : i32
      %add3A_61 = arith.addi %mul3A_59, %add3A_60 : i32
      %dma_start3A_62 = arith.constant 3 : i32
      %dma_start3A_63 = arith.constant 0 : i32
      %dma_start3A_64 = arith.constant 0 : i32
      %dma_start3A_65 = tpu.memref_slice %arg9[%dma_start3A_62, %dma_start3A_63, %dma_start3A_64] : memref<10x125x32xbf16, #tpu.memory_space<vmem>> -> memref<1x125x32xbf16, #tpu.memory_space<vmem>>
      %dma_start3A_66 = tpu.memref_squeeze %dma_start3A_65 : memref<1x125x32xbf16, #tpu.memory_space<vmem>> -> memref<125x32xbf16, #tpu.memory_space<vmem>>
      %dma_start3A_67 = arith.constant 0 : i32
      %dma_start3A_68 = tpu.memref_slice %arg7[%add3A_61, %dma_start3A_67] : memref<80x125xi32, #tpu.memory_space<vmem>> -> memref<1x125xi32, #tpu.memory_space<vmem>>
      %dma_start3A_69 = tpu.memref_squeeze %dma_start3A_68 : memref<1x125xi32, #tpu.memory_space<vmem>> -> memref<125xi32, #tpu.memory_space<vmem>>
      %dma_start3A_70 = arith.constant 0 : i32
      %dma_start3A_71 = arith.constant 0 : i32
      %dma_start3A_72 = tpu.memref_slice %arg4[%dma_start3A_70, %dma_start3A_71] : memref<80000x32xbf16, #tpu.memory_space<hbm>> -> memref<80000x32xbf16, #tpu.memory_space<hbm>>
      tpu.enqueue_indirect_dma source(%dma_start3A_72 : memref<80000x32xbf16, #tpu.memory_space<hbm>>) target(%dma_start3A_66 : memref<125x32xbf16, #tpu.memory_space<vmem>>) offsets(%dma_start3A_69 : memref<125xi32, #tpu.memory_space<vmem>>) semaphore(%arg14 : memref<!tpu.dma_semaphore, #tpu.memory_space<semaphore_mem>>)
      %mul3A_73 = arith.constant 10 : i32
      %mul3A_74 = arith.muli %mul3A_73, %scan3A_13 : i32
      %add3A_75 = arith.constant 4 : i32
      %add3A_76 = arith.addi %mul3A_74, %add3A_75 : i32
      %dma_start3A_77 = arith.constant 4 : i32
      %dma_start3A_78 = arith.constant 0 : i32
      %dma_start3A_79 = arith.constant 0 : i32
      %dma_start3A_80 = tpu.memref_slice %arg9[%dma_start3A_77, %dma_start3A_78, %dma_start3A_79] : memref<10x125x32xbf16, #tpu.memory_space<vmem>> -> memref<1x125x32xbf16, #tpu.memory_space<vmem>>
      %dma_start3A_81 = tpu.memref_squeeze %dma_start3A_80 : memref<1x125x32xbf16, #tpu.memory_space<vmem>> -> memref<125x32xbf16, #tpu.memory_space<vmem>>
      %dma_start3A_82 = arith.constant 0 : i32
      %dma_start3A_83 = tpu.memref_slice %arg7[%add3A_76, %dma_start3A_82] : memref<80x125xi32, #tpu.memory_space<vmem>> -> memref<1x125xi32, #tpu.memory_space<vmem>>
      %dma_start3A_84 = tpu.memref_squeeze %dma_start3A_83 : memref<1x125xi32, #tpu.memory_space<vmem>> -> memref<125xi32, #tpu.memory_space<vmem>>
      %dma_start3A_85 = arith.constant 0 : i32
      %dma_start3A_86 = arith.constant 0 : i32
      %dma_start3A_87 = tpu.memref_slice %arg4[%dma_start3A_85, %dma_start3A_86] : memref<80000x32xbf16, #tpu.memory_space<hbm>> -> memref<80000x32xbf16, #tpu.memory_space<hbm>>
      tpu.enqueue_indirect_dma source(%dma_start3A_87 : memref<80000x32xbf16, #tpu.memory_space<hbm>>) target(%dma_start3A_81 : memref<125x32xbf16, #tpu.memory_space<vmem>>) offsets(%dma_start3A_84 : memref<125xi32, #tpu.memory_space<vmem>>) semaphore(%arg15 : memref<!tpu.dma_semaphore, #tpu.memory_space<semaphore_mem>>)
      %mul3A_88 = arith.constant 10 : i32
      %mul3A_89 = arith.muli %mul3A_88, %scan3A_13 : i32
      %add3A_90 = arith.constant 5 : i32
      %add3A_91 = arith.addi %mul3A_89, %add3A_90 : i32
      %dma_start3A_92 = arith.constant 5 : i32
      %dma_start3A_93 = arith.constant 0 : i32
      %dma_start3A_94 = arith.constant 0 : i32
      %dma_start3A_95 = tpu.memref_slice %arg9[%dma_start3A_92, %dma_start3A_93, %dma_start3A_94] : memref<10x125x32xbf16, #tpu.memory_space<vmem>> -> memref<1x125x32xbf16, #tpu.memory_space<vmem>>
      %dma_start3A_96 = tpu.memref_squeeze %dma_start3A_95 : memref<1x125x32xbf16, #tpu.memory_space<vmem>> -> memref<125x32xbf16, #tpu.memory_space<vmem>>
      %dma_start3A_97 = arith.constant 0 : i32
      %dma_start3A_98 = tpu.memref_slice %arg7[%add3A_91, %dma_start3A_97] : memref<80x125xi32, #tpu.memory_space<vmem>> -> memref<1x125xi32, #tpu.memory_space<vmem>>
      %dma_start3A_99 = tpu.memref_squeeze %dma_start3A_98 : memref<1x125xi32, #tpu.memory_space<vmem>> -> memref<125xi32, #tpu.memory_space<vmem>>
      %dma_start3A_100 = arith.constant 0 : i32
      %dma_start3A_101 = arith.constant 0 : i32
      %dma_start3A_102 = tpu.memref_slice %arg4[%dma_start3A_100, %dma_start3A_101] : memref<80000x32xbf16, #tpu.memory_space<hbm>> -> memref<80000x32xbf16, #tpu.memory_space<hbm>>
      tpu.enqueue_indirect_dma source(%dma_start3A_102 : memref<80000x32xbf16, #tpu.memory_space<hbm>>) target(%dma_start3A_96 : memref<125x32xbf16, #tpu.memory_space<vmem>>) offsets(%dma_start3A_99 : memref<125xi32, #tpu.memory_space<vmem>>) semaphore(%arg16 : memref<!tpu.dma_semaphore, #tpu.memory_space<semaphore_mem>>)
      %mul3A_103 = arith.constant 10 : i32
      %mul3A_104 = arith.muli %mul3A_103, %scan3A_13 : i32
      %add3A_105 = arith.constant 6 : i32
      %add3A_106 = arith.addi %mul3A_104, %add3A_105 : i32
      %dma_start3A_107 = arith.constant 6 : i32
      %dma_start3A_108 = arith.constant 0 : i32
      %dma_start3A_109 = arith.constant 0 : i32
      %dma_start3A_110 = tpu.memref_slice %arg9[%dma_start3A_107, %dma_start3A_108, %dma_start3A_109] : memref<10x125x32xbf16, #tpu.memory_space<vmem>> -> memref<1x125x32xbf16, #tpu.memory_space<vmem>>
      %dma_start3A_111 = tpu.memref_squeeze %dma_start3A_110 : memref<1x125x32xbf16, #tpu.memory_space<vmem>> -> memref<125x32xbf16, #tpu.memory_space<vmem>>
      %dma_start3A_112 = arith.constant 0 : i32
      %dma_start3A_113 = tpu.memref_slice %arg7[%add3A_106, %dma_start3A_112] : memref<80x125xi32, #tpu.memory_space<vmem>> -> memref<1x125xi32, #tpu.memory_space<vmem>>
      %dma_start3A_114 = tpu.memref_squeeze %dma_start3A_113 : memref<1x125xi32, #tpu.memory_space<vmem>> -> memref<125xi32, #tpu.memory_space<vmem>>
      %dma_start3A_115 = arith.constant 0 : i32
      %dma_start3A_116 = arith.constant 0 : i32
      %dma_start3A_117 = tpu.memref_slice %arg4[%dma_start3A_115, %dma_start3A_116] : memref<80000x32xbf16, #tpu.memory_space<hbm>> -> memref<80000x32xbf16, #tpu.memory_space<hbm>>
      tpu.enqueue_indirect_dma source(%dma_start3A_117 : memref<80000x32xbf16, #tpu.memory_space<hbm>>) target(%dma_start3A_111 : memref<125x32xbf16, #tpu.memory_space<vmem>>) offsets(%dma_start3A_114 : memref<125xi32, #tpu.memory_space<vmem>>) semaphore(%arg17 : memref<!tpu.dma_semaphore, #tpu.memory_space<semaphore_mem>>)
      %mul3A_118 = arith.constant 10 : i32
      %mul3A_119 = arith.muli %mul3A_118, %scan3A_13 : i32
      %add3A_120 = arith.constant 7 : i32
      %add3A_121 = arith.addi %mul3A_119, %add3A_120 : i32
      %dma_start3A_122 = arith.constant 7 : i32
      %dma_start3A_123 = arith.constant 0 : i32
      %dma_start3A_124 = arith.constant 0 : i32
      %dma_start3A_125 = tpu.memref_slice %arg9[%dma_start3A_122, %dma_start3A_123, %dma_start3A_124] : memref<10x125x32xbf16, #tpu.memory_space<vmem>> -> memref<1x125x32xbf16, #tpu.memory_space<vmem>>
      %dma_start3A_126 = tpu.memref_squeeze %dma_start3A_125 : memref<1x125x32xbf16, #tpu.memory_space<vmem>> -> memref<125x32xbf16, #tpu.memory_space<vmem>>
      %dma_start3A_127 = arith.constant 0 : i32
      %dma_start3A_128 = tpu.memref_slice %arg7[%add3A_121, %dma_start3A_127] : memref<80x125xi32, #tpu.memory_space<vmem>> -> memref<1x125xi32, #tpu.memory_space<vmem>>
      %dma_start3A_129 = tpu.memref_squeeze %dma_start3A_128 : memref<1x125xi32, #tpu.memory_space<vmem>> -> memref<125xi32, #tpu.memory_space<vmem>>
      %dma_start3A_130 = arith.constant 0 : i32
      %dma_start3A_131 = arith.constant 0 : i32
      %dma_start3A_132 = tpu.memref_slice %arg4[%dma_start3A_130, %dma_start3A_131] : memref<80000x32xbf16, #tpu.memory_space<hbm>> -> memref<80000x32xbf16, #tpu.memory_space<hbm>>
      tpu.enqueue_indirect_dma source(%dma_start3A_132 : memref<80000x32xbf16, #tpu.memory_space<hbm>>) target(%dma_start3A_126 : memref<125x32xbf16, #tpu.memory_space<vmem>>) offsets(%dma_start3A_129 : memref<125xi32, #tpu.memory_space<vmem>>) semaphore(%arg18 : memref<!tpu.dma_semaphore, #tpu.memory_space<semaphore_mem>>)
      %mul3A_133 = arith.constant 10 : i32
      %mul3A_134 = arith.muli %mul3A_133, %scan3A_13 : i32
      %add3A_135 = arith.constant 8 : i32
      %add3A_136 = arith.addi %mul3A_134, %add3A_135 : i32
      %dma_start3A_137 = arith.constant 8 : i32
      %dma_start3A_138 = arith.constant 0 : i32
      %dma_start3A_139 = arith.constant 0 : i32
      %dma_start3A_140 = tpu.memref_slice %arg9[%dma_start3A_137, %dma_start3A_138, %dma_start3A_139] : memref<10x125x32xbf16, #tpu.memory_space<vmem>> -> memref<1x125x32xbf16, #tpu.memory_space<vmem>>
      %dma_start3A_141 = tpu.memref_squeeze %dma_start3A_140 : memref<1x125x32xbf16, #tpu.memory_space<vmem>> -> memref<125x32xbf16, #tpu.memory_space<vmem>>
      %dma_start3A_142 = arith.constant 0 : i32
      %dma_start3A_143 = tpu.memref_slice %arg7[%add3A_136, %dma_start3A_142] : memref<80x125xi32, #tpu.memory_space<vmem>> -> memref<1x125xi32, #tpu.memory_space<vmem>>
      %dma_start3A_144 = tpu.memref_squeeze %dma_start3A_143 : memref<1x125xi32, #tpu.memory_space<vmem>> -> memref<125xi32, #tpu.memory_space<vmem>>
      %dma_start3A_145 = arith.constant 0 : i32
      %dma_start3A_146 = arith.constant 0 : i32
      %dma_start3A_147 = tpu.memref_slice %arg4[%dma_start3A_145, %dma_start3A_146] : memref<80000x32xbf16, #tpu.memory_space<hbm>> -> memref<80000x32xbf16, #tpu.memory_space<hbm>>
      tpu.enqueue_indirect_dma source(%dma_start3A_147 : memref<80000x32xbf16, #tpu.memory_space<hbm>>) target(%dma_start3A_141 : memref<125x32xbf16, #tpu.memory_space<vmem>>) offsets(%dma_start3A_144 : memref<125xi32, #tpu.memory_space<vmem>>) semaphore(%arg19 : memref<!tpu.dma_semaphore, #tpu.memory_space<semaphore_mem>>)
      %mul3A_148 = arith.constant 10 : i32
      %mul3A_149 = arith.muli %mul3A_148, %scan3A_13 : i32
      %add3A_150 = arith.constant 9 : i32
      %add3A_151 = arith.addi %mul3A_149, %add3A_150 : i32
      %dma_start3A_152 = arith.constant 9 : i32
      %dma_start3A_153 = arith.constant 0 : i32
      %dma_start3A_154 = arith.constant 0 : i32
      %dma_start3A_155 = tpu.memref_slice %arg9[%dma_start3A_152, %dma_start3A_153, %dma_start3A_154] : memref<10x125x32xbf16, #tpu.memory_space<vmem>> -> memref<1x125x32xbf16, #tpu.memory_space<vmem>>
      %dma_start3A_156 = tpu.memref_squeeze %dma_start3A_155 : memref<1x125x32xbf16, #tpu.memory_space<vmem>> -> memref<125x32xbf16, #tpu.memory_space<vmem>>
      %dma_start3A_157 = arith.constant 0 : i32
      %dma_start3A_158 = tpu.memref_slice %arg7[%add3A_151, %dma_start3A_157] : memref<80x125xi32, #tpu.memory_space<vmem>> -> memref<1x125xi32, #tpu.memory_space<vmem>>
      %dma_start3A_159 = tpu.memref_squeeze %dma_start3A_158 : memref<1x125xi32, #tpu.memory_space<vmem>> -> memref<125xi32, #tpu.memory_space<vmem>>
      %dma_start3A_160 = arith.constant 0 : i32
      %dma_start3A_161 = arith.constant 0 : i32
      %dma_start3A_162 = tpu.memref_slice %arg4[%dma_start3A_160, %dma_start3A_161] : memref<80000x32xbf16, #tpu.memory_space<hbm>> -> memref<80000x32xbf16, #tpu.memory_space<hbm>>
      tpu.enqueue_indirect_dma source(%dma_start3A_162 : memref<80000x32xbf16, #tpu.memory_space<hbm>>) target(%dma_start3A_156 : memref<125x32xbf16, #tpu.memory_space<vmem>>) offsets(%dma_start3A_159 : memref<125xi32, #tpu.memory_space<vmem>>) semaphore(%arg20 : memref<!tpu.dma_semaphore, #tpu.memory_space<semaphore_mem>>)
      %dma_wait3A = arith.constant 0 : i32
      %dma_wait3A_163 = arith.constant 0 : i32
      %dma_wait3A_164 = arith.constant 0 : i32
      %dma_wait3A_165 = tpu.memref_slice %arg9[%dma_wait3A, %dma_wait3A_163, %dma_wait3A_164] : memref<10x125x32xbf16, #tpu.memory_space<vmem>> -> memref<1x125x32xbf16, #tpu.memory_space<vmem>>
      %dma_wait3A_166 = tpu.memref_squeeze %dma_wait3A_165 : memref<1x125x32xbf16, #tpu.memory_space<vmem>> -> memref<125x32xbf16, #tpu.memory_space<vmem>>
      %dma_wait3A_167 = arith.constant 0 : i32
      %dma_wait3A_168 = tpu.memref_slice %arg7[%add3A_17, %dma_wait3A_167] : memref<80x125xi32, #tpu.memory_space<vmem>> -> memref<1x125xi32, #tpu.memory_space<vmem>>
      %dma_wait3A_169 = tpu.memref_squeeze %dma_wait3A_168 : memref<1x125xi32, #tpu.memory_space<vmem>> -> memref<125xi32, #tpu.memory_space<vmem>>
      %dma_wait3A_170 = arith.constant 0 : i32
      %dma_wait3A_171 = arith.constant 0 : i32
      %dma_wait3A_172 = tpu.memref_slice %arg4[%dma_wait3A_170, %dma_wait3A_171] : memref<80000x32xbf16, #tpu.memory_space<hbm>> -> memref<80000x32xbf16, #tpu.memory_space<hbm>>
      tpu.wait_indirect_dma semaphore(%arg11 : memref<!tpu.dma_semaphore, #tpu.memory_space<semaphore_mem>>) src(%dma_wait3A_172 : memref<80000x32xbf16, #tpu.memory_space<hbm>>) dst(%dma_wait3A_166 : memref<125x32xbf16, #tpu.memory_space<vmem>>)
      %mul3A_173 = arith.constant 10 : i32
      %mul3A_174 = arith.muli %mul3A_173, %scan3A_13 : i32
      %add3A_175 = arith.constant 0 : i32
      %add3A_176 = arith.addi %mul3A_174, %add3A_175 : i32
      %dma_start3A_177 = arith.constant 0 : i32
      %dma_start3A_178 = arith.constant 0 : i32
      %dma_start3A_179 = arith.constant 0 : i32
      %dma_start3A_180 = tpu.memref_slice %arg9[%dma_start3A_177, %dma_start3A_178, %dma_start3A_179] : memref<10x125x32xbf16, #tpu.memory_space<vmem>> -> memref<1x125x32xbf16, #tpu.memory_space<vmem>>
      %dma_start3A_181 = tpu.memref_squeeze %dma_start3A_180 : memref<1x125x32xbf16, #tpu.memory_space<vmem>> -> memref<125x32xbf16, #tpu.memory_space<vmem>>
      %dma_start3A_182 = arith.constant 0 : i32
      %dma_start3A_183 = tpu.memref_slice %arg8[%add3A_176, %dma_start3A_182] : memref<80x125xi32, #tpu.memory_space<vmem>> -> memref<1x125xi32, #tpu.memory_space<vmem>>
      %dma_start3A_184 = tpu.memref_squeeze %dma_start3A_183 : memref<1x125xi32, #tpu.memory_space<vmem>> -> memref<125xi32, #tpu.memory_space<vmem>>
      %dma_start3A_185 = arith.constant 0 : i32
      %dma_start3A_186 = arith.constant 0 : i32
      %dma_start3A_187 = tpu.memref_slice %arg10[%dma_start3A_185, %dma_start3A_186] : memref<10240x32xbf16, #tpu.memory_space<vmem_shared>> -> memref<10240x32xbf16, #tpu.memory_space<vmem_shared>>
      tpu.enqueue_indirect_dma source(%dma_start3A_181 : memref<125x32xbf16, #tpu.memory_space<vmem>>) target(%dma_start3A_187 : memref<10240x32xbf16, #tpu.memory_space<vmem_shared>>) offsets(%dma_start3A_184 : memref<125xi32, #tpu.memory_space<vmem>>) semaphore(%arg21 : memref<!tpu.dma_semaphore, #tpu.memory_space<semaphore_mem>>) {add = true}
      %dma_wait3A_188 = arith.constant 1 : i32
      %dma_wait3A_189 = arith.constant 0 : i32
      %dma_wait3A_190 = arith.constant 0 : i32
      %dma_wait3A_191 = tpu.memref_slice %arg9[%dma_wait3A_188, %dma_wait3A_189, %dma_wait3A_190] : memref<10x125x32xbf16, #tpu.memory_space<vmem>> -> memref<1x125x32xbf16, #tpu.memory_space<vmem>>
      %dma_wait3A_192 = tpu.memref_squeeze %dma_wait3A_191 : memref<1x125x32xbf16, #tpu.memory_space<vmem>> -> memref<125x32xbf16, #tpu.memory_space<vmem>>
      %dma_wait3A_193 = arith.constant 0 : i32
      %dma_wait3A_194 = tpu.memref_slice %arg7[%add3A_31, %dma_wait3A_193] : memref<80x125xi32, #tpu.memory_space<vmem>> -> memref<1x125xi32, #tpu.memory_space<vmem>>
      %dma_wait3A_195 = tpu.memref_squeeze %dma_wait3A_194 : memref<1x125xi32, #tpu.memory_space<vmem>> -> memref<125xi32, #tpu.memory_space<vmem>>
      %dma_wait3A_196 = arith.constant 0 : i32
      %dma_wait3A_197 = arith.constant 0 : i32
      %dma_wait3A_198 = tpu.memref_slice %arg4[%dma_wait3A_196, %dma_wait3A_197] : memref<80000x32xbf16, #tpu.memory_space<hbm>> -> memref<80000x32xbf16, #tpu.memory_space<hbm>>
      tpu.wait_indirect_dma semaphore(%arg12 : memref<!tpu.dma_semaphore, #tpu.memory_space<semaphore_mem>>) src(%dma_wait3A_198 : memref<80000x32xbf16, #tpu.memory_space<hbm>>) dst(%dma_wait3A_192 : memref<125x32xbf16, #tpu.memory_space<vmem>>)
      %mul3A_199 = arith.constant 10 : i32
      %mul3A_200 = arith.muli %mul3A_199, %scan3A_13 : i32
      %add3A_201 = arith.constant 1 : i32
      %add3A_202 = arith.addi %mul3A_200, %add3A_201 : i32
      %dma_start3A_203 = arith.constant 1 : i32
      %dma_start3A_204 = arith.constant 0 : i32
      %dma_start3A_205 = arith.constant 0 : i32
      %dma_start3A_206 = tpu.memref_slice %arg9[%dma_start3A_203, %dma_start3A_204, %dma_start3A_205] : memref<10x125x32xbf16, #tpu.memory_space<vmem>> -> memref<1x125x32xbf16, #tpu.memory_space<vmem>>
      %dma_start3A_207 = tpu.memref_squeeze %dma_start3A_206 : memref<1x125x32xbf16, #tpu.memory_space<vmem>> -> memref<125x32xbf16, #tpu.memory_space<vmem>>
      %dma_start3A_208 = arith.constant 0 : i32
      %dma_start3A_209 = tpu.memref_slice %arg8[%add3A_202, %dma_start3A_208] : memref<80x125xi32, #tpu.memory_space<vmem>> -> memref<1x125xi32, #tpu.memory_space<vmem>>
      %dma_start3A_210 = tpu.memref_squeeze %dma_start3A_209 : memref<1x125xi32, #tpu.memory_space<vmem>> -> memref<125xi32, #tpu.memory_space<vmem>>
      %dma_start3A_211 = arith.constant 0 : i32
      %dma_start3A_212 = arith.constant 0 : i32
      %dma_start3A_213 = tpu.memref_slice %arg10[%dma_start3A_211, %dma_start3A_212] : memref<10240x32xbf16, #tpu.memory_space<vmem_shared>> -> memref<10240x32xbf16, #tpu.memory_space<vmem_shared>>
      tpu.enqueue_indirect_dma source(%dma_start3A_207 : memref<125x32xbf16, #tpu.memory_space<vmem>>) target(%dma_start3A_213 : memref<10240x32xbf16, #tpu.memory_space<vmem_shared>>) offsets(%dma_start3A_210 : memref<125xi32, #tpu.memory_space<vmem>>) semaphore(%arg21 : memref<!tpu.dma_semaphore, #tpu.memory_space<semaphore_mem>>) {add = true}
      %dma_wait3A_214 = arith.constant 2 : i32
      %dma_wait3A_215 = arith.constant 0 : i32
      %dma_wait3A_216 = arith.constant 0 : i32
      %dma_wait3A_217 = tpu.memref_slice %arg9[%dma_wait3A_214, %dma_wait3A_215, %dma_wait3A_216] : memref<10x125x32xbf16, #tpu.memory_space<vmem>> -> memref<1x125x32xbf16, #tpu.memory_space<vmem>>
      %dma_wait3A_218 = tpu.memref_squeeze %dma_wait3A_217 : memref<1x125x32xbf16, #tpu.memory_space<vmem>> -> memref<125x32xbf16, #tpu.memory_space<vmem>>
      %dma_wait3A_219 = arith.constant 0 : i32
      %dma_wait3A_220 = tpu.memref_slice %arg7[%add3A_46, %dma_wait3A_219] : memref<80x125xi32, #tpu.memory_space<vmem>> -> memref<1x125xi32, #tpu.memory_space<vmem>>
      %dma_wait3A_221 = tpu.memref_squeeze %dma_wait3A_220 : memref<1x125xi32, #tpu.memory_space<vmem>> -> memref<125xi32, #tpu.memory_space<vmem>>
      %dma_wait3A_222 = arith.constant 0 : i32
      %dma_wait3A_223 = arith.constant 0 : i32
      %dma_wait3A_224 = tpu.memref_slice %arg4[%dma_wait3A_222, %dma_wait3A_223] : memref<80000x32xbf16, #tpu.memory_space<hbm>> -> memref<80000x32xbf16, #tpu.memory_space<hbm>>
      tpu.wait_indirect_dma semaphore(%arg13 : memref<!tpu.dma_semaphore, #tpu.memory_space<semaphore_mem>>) src(%dma_wait3A_224 : memref<80000x32xbf16, #tpu.memory_space<hbm>>) dst(%dma_wait3A_218 : memref<125x32xbf16, #tpu.memory_space<vmem>>)
      %mul3A_225 = arith.constant 10 : i32
      %mul3A_226 = arith.muli %mul3A_225, %scan3A_13 : i32
      %add3A_227 = arith.constant 2 : i32
      %add3A_228 = arith.addi %mul3A_226, %add3A_227 : i32
      %dma_start3A_229 = arith.constant 2 : i32
      %dma_start3A_230 = arith.constant 0 : i32
      %dma_start3A_231 = arith.constant 0 : i32
      %dma_start3A_232 = tpu.memref_slice %arg9[%dma_start3A_229, %dma_start3A_230, %dma_start3A_231] : memref<10x125x32xbf16, #tpu.memory_space<vmem>> -> memref<1x125x32xbf16, #tpu.memory_space<vmem>>
      %dma_start3A_233 = tpu.memref_squeeze %dma_start3A_232 : memref<1x125x32xbf16, #tpu.memory_space<vmem>> -> memref<125x32xbf16, #tpu.memory_space<vmem>>
      %dma_start3A_234 = arith.constant 0 : i32
      %dma_start3A_235 = tpu.memref_slice %arg8[%add3A_228, %dma_start3A_234] : memref<80x125xi32, #tpu.memory_space<vmem>> -> memref<1x125xi32, #tpu.memory_space<vmem>>
      %dma_start3A_236 = tpu.memref_squeeze %dma_start3A_235 : memref<1x125xi32, #tpu.memory_space<vmem>> -> memref<125xi32, #tpu.memory_space<vmem>>
      %dma_start3A_237 = arith.constant 0 : i32
      %dma_start3A_238 = arith.constant 0 : i32
      %dma_start3A_239 = tpu.memref_slice %arg10[%dma_start3A_237, %dma_start3A_238] : memref<10240x32xbf16, #tpu.memory_space<vmem_shared>> -> memref<10240x32xbf16, #tpu.memory_space<vmem_shared>>
      tpu.enqueue_indirect_dma source(%dma_start3A_233 : memref<125x32xbf16, #tpu.memory_space<vmem>>) target(%dma_start3A_239 : memref<10240x32xbf16, #tpu.memory_space<vmem_shared>>) offsets(%dma_start3A_236 : memref<125xi32, #tpu.memory_space<vmem>>) semaphore(%arg21 : memref<!tpu.dma_semaphore, #tpu.memory_space<semaphore_mem>>) {add = true}
      %dma_wait3A_240 = arith.constant 3 : i32
      %dma_wait3A_241 = arith.constant 0 : i32
      %dma_wait3A_242 = arith.constant 0 : i32
      %dma_wait3A_243 = tpu.memref_slice %arg9[%dma_wait3A_240, %dma_wait3A_241, %dma_wait3A_242] : memref<10x125x32xbf16, #tpu.memory_space<vmem>> -> memref<1x125x32xbf16, #tpu.memory_space<vmem>>
      %dma_wait3A_244 = tpu.memref_squeeze %dma_wait3A_243 : memref<1x125x32xbf16, #tpu.memory_space<vmem>> -> memref<125x32xbf16, #tpu.memory_space<vmem>>
      %dma_wait3A_245 = arith.constant 0 : i32
      %dma_wait3A_246 = tpu.memref_slice %arg7[%add3A_61, %dma_wait3A_245] : memref<80x125xi32, #tpu.memory_space<vmem>> -> memref<1x125xi32, #tpu.memory_space<vmem>>
      %dma_wait3A_247 = tpu.memref_squeeze %dma_wait3A_246 : memref<1x125xi32, #tpu.memory_space<vmem>> -> memref<125xi32, #tpu.memory_space<vmem>>
      %dma_wait3A_248 = arith.constant 0 : i32
      %dma_wait3A_249 = arith.constant 0 : i32
      %dma_wait3A_250 = tpu.memref_slice %arg4[%dma_wait3A_248, %dma_wait3A_249] : memref<80000x32xbf16, #tpu.memory_space<hbm>> -> memref<80000x32xbf16, #tpu.memory_space<hbm>>
      tpu.wait_indirect_dma semaphore(%arg14 : memref<!tpu.dma_semaphore, #tpu.memory_space<semaphore_mem>>) src(%dma_wait3A_250 : memref<80000x32xbf16, #tpu.memory_space<hbm>>) dst(%dma_wait3A_244 : memref<125x32xbf16, #tpu.memory_space<vmem>>)
      %mul3A_251 = arith.constant 10 : i32
      %mul3A_252 = arith.muli %mul3A_251, %scan3A_13 : i32
      %add3A_253 = arith.constant 3 : i32
      %add3A_254 = arith.addi %mul3A_252, %add3A_253 : i32
      %dma_start3A_255 = arith.constant 3 : i32
      %dma_start3A_256 = arith.constant 0 : i32
      %dma_start3A_257 = arith.constant 0 : i32
      %dma_start3A_258 = tpu.memref_slice %arg9[%dma_start3A_255, %dma_start3A_256, %dma_start3A_257] : memref<10x125x32xbf16, #tpu.memory_space<vmem>> -> memref<1x125x32xbf16, #tpu.memory_space<vmem>>
      %dma_start3A_259 = tpu.memref_squeeze %dma_start3A_258 : memref<1x125x32xbf16, #tpu.memory_space<vmem>> -> memref<125x32xbf16, #tpu.memory_space<vmem>>
      %dma_start3A_260 = arith.constant 0 : i32
      %dma_start3A_261 = tpu.memref_slice %arg8[%add3A_254, %dma_start3A_260] : memref<80x125xi32, #tpu.memory_space<vmem>> -> memref<1x125xi32, #tpu.memory_space<vmem>>
      %dma_start3A_262 = tpu.memref_squeeze %dma_start3A_261 : memref<1x125xi32, #tpu.memory_space<vmem>> -> memref<125xi32, #tpu.memory_space<vmem>>
      %dma_start3A_263 = arith.constant 0 : i32
      %dma_start3A_264 = arith.constant 0 : i32
      %dma_start3A_265 = tpu.memref_slice %arg10[%dma_start3A_263, %dma_start3A_264] : memref<10240x32xbf16, #tpu.memory_space<vmem_shared>> -> memref<10240x32xbf16, #tpu.memory_space<vmem_shared>>
      tpu.enqueue_indirect_dma source(%dma_start3A_259 : memref<125x32xbf16, #tpu.memory_space<vmem>>) target(%dma_start3A_265 : memref<10240x32xbf16, #tpu.memory_space<vmem_shared>>) offsets(%dma_start3A_262 : memref<125xi32, #tpu.memory_space<vmem>>) semaphore(%arg21 : memref<!tpu.dma_semaphore, #tpu.memory_space<semaphore_mem>>) {add = true}
      %dma_wait3A_266 = arith.constant 4 : i32
      %dma_wait3A_267 = arith.constant 0 : i32
      %dma_wait3A_268 = arith.constant 0 : i32
      %dma_wait3A_269 = tpu.memref_slice %arg9[%dma_wait3A_266, %dma_wait3A_267, %dma_wait3A_268] : memref<10x125x32xbf16, #tpu.memory_space<vmem>> -> memref<1x125x32xbf16, #tpu.memory_space<vmem>>
      %dma_wait3A_270 = tpu.memref_squeeze %dma_wait3A_269 : memref<1x125x32xbf16, #tpu.memory_space<vmem>> -> memref<125x32xbf16, #tpu.memory_space<vmem>>
      %dma_wait3A_271 = arith.constant 0 : i32
      %dma_wait3A_272 = tpu.memref_slice %arg7[%add3A_76, %dma_wait3A_271] : memref<80x125xi32, #tpu.memory_space<vmem>> -> memref<1x125xi32, #tpu.memory_space<vmem>>
      %dma_wait3A_273 = tpu.memref_squeeze %dma_wait3A_272 : memref<1x125xi32, #tpu.memory_space<vmem>> -> memref<125xi32, #tpu.memory_space<vmem>>
      %dma_wait3A_274 = arith.constant 0 : i32
      %dma_wait3A_275 = arith.constant 0 : i32
      %dma_wait3A_276 = tpu.memref_slice %arg4[%dma_wait3A_274, %dma_wait3A_275] : memref<80000x32xbf16, #tpu.memory_space<hbm>> -> memref<80000x32xbf16, #tpu.memory_space<hbm>>
      tpu.wait_indirect_dma semaphore(%arg15 : memref<!tpu.dma_semaphore, #tpu.memory_space<semaphore_mem>>) src(%dma_wait3A_276 : memref<80000x32xbf16, #tpu.memory_space<hbm>>) dst(%dma_wait3A_270 : memref<125x32xbf16, #tpu.memory_space<vmem>>)
      %mul3A_277 = arith.constant 10 : i32
      %mul3A_278 = arith.muli %mul3A_277, %scan3A_13 : i32
      %add3A_279 = arith.constant 4 : i32
      %add3A_280 = arith.addi %mul3A_278, %add3A_279 : i32
      %dma_start3A_281 = arith.constant 4 : i32
      %dma_start3A_282 = arith.constant 0 : i32
      %dma_start3A_283 = arith.constant 0 : i32
      %dma_start3A_284 = tpu.memref_slice %arg9[%dma_start3A_281, %dma_start3A_282, %dma_start3A_283] : memref<10x125x32xbf16, #tpu.memory_space<vmem>> -> memref<1x125x32xbf16, #tpu.memory_space<vmem>>
      %dma_start3A_285 = tpu.memref_squeeze %dma_start3A_284 : memref<1x125x32xbf16, #tpu.memory_space<vmem>> -> memref<125x32xbf16, #tpu.memory_space<vmem>>
      %dma_start3A_286 = arith.constant 0 : i32
      %dma_start3A_287 = tpu.memref_slice %arg8[%add3A_280, %dma_start3A_286] : memref<80x125xi32, #tpu.memory_space<vmem>> -> memref<1x125xi32, #tpu.memory_space<vmem>>
      %dma_start3A_288 = tpu.memref_squeeze %dma_start3A_287 : memref<1x125xi32, #tpu.memory_space<vmem>> -> memref<125xi32, #tpu.memory_space<vmem>>
      %dma_start3A_289 = arith.constant 0 : i32
      %dma_start3A_290 = arith.constant 0 : i32
      %dma_start3A_291 = tpu.memref_slice %arg10[%dma_start3A_289, %dma_start3A_290] : memref<10240x32xbf16, #tpu.memory_space<vmem_shared>> -> memref<10240x32xbf16, #tpu.memory_space<vmem_shared>>
      tpu.enqueue_indirect_dma source(%dma_start3A_285 : memref<125x32xbf16, #tpu.memory_space<vmem>>) target(%dma_start3A_291 : memref<10240x32xbf16, #tpu.memory_space<vmem_shared>>) offsets(%dma_start3A_288 : memref<125xi32, #tpu.memory_space<vmem>>) semaphore(%arg21 : memref<!tpu.dma_semaphore, #tpu.memory_space<semaphore_mem>>) {add = true}
      %dma_wait3A_292 = arith.constant 5 : i32
      %dma_wait3A_293 = arith.constant 0 : i32
      %dma_wait3A_294 = arith.constant 0 : i32
      %dma_wait3A_295 = tpu.memref_slice %arg9[%dma_wait3A_292, %dma_wait3A_293, %dma_wait3A_294] : memref<10x125x32xbf16, #tpu.memory_space<vmem>> -> memref<1x125x32xbf16, #tpu.memory_space<vmem>>
      %dma_wait3A_296 = tpu.memref_squeeze %dma_wait3A_295 : memref<1x125x32xbf16, #tpu.memory_space<vmem>> -> memref<125x32xbf16, #tpu.memory_space<vmem>>
      %dma_wait3A_297 = arith.constant 0 : i32
      %dma_wait3A_298 = tpu.memref_slice %arg7[%add3A_91, %dma_wait3A_297] : memref<80x125xi32, #tpu.memory_space<vmem>> -> memref<1x125xi32, #tpu.memory_space<vmem>>
      %dma_wait3A_299 = tpu.memref_squeeze %dma_wait3A_298 : memref<1x125xi32, #tpu.memory_space<vmem>> -> memref<125xi32, #tpu.memory_space<vmem>>
      %dma_wait3A_300 = arith.constant 0 : i32
      %dma_wait3A_301 = arith.constant 0 : i32
      %dma_wait3A_302 = tpu.memref_slice %arg4[%dma_wait3A_300, %dma_wait3A_301] : memref<80000x32xbf16, #tpu.memory_space<hbm>> -> memref<80000x32xbf16, #tpu.memory_space<hbm>>
      tpu.wait_indirect_dma semaphore(%arg16 : memref<!tpu.dma_semaphore, #tpu.memory_space<semaphore_mem>>) src(%dma_wait3A_302 : memref<80000x32xbf16, #tpu.memory_space<hbm>>) dst(%dma_wait3A_296 : memref<125x32xbf16, #tpu.memory_space<vmem>>)
      %mul3A_303 = arith.constant 10 : i32
      %mul3A_304 = arith.muli %mul3A_303, %scan3A_13 : i32
      %add3A_305 = arith.constant 5 : i32
      %add3A_306 = arith.addi %mul3A_304, %add3A_305 : i32
      %dma_start3A_307 = arith.constant 5 : i32
      %dma_start3A_308 = arith.constant 0 : i32
      %dma_start3A_309 = arith.constant 0 : i32
      %dma_start3A_310 = tpu.memref_slice %arg9[%dma_start3A_307, %dma_start3A_308, %dma_start3A_309] : memref<10x125x32xbf16, #tpu.memory_space<vmem>> -> memref<1x125x32xbf16, #tpu.memory_space<vmem>>
      %dma_start3A_311 = tpu.memref_squeeze %dma_start3A_310 : memref<1x125x32xbf16, #tpu.memory_space<vmem>> -> memref<125x32xbf16, #tpu.memory_space<vmem>>
      %dma_start3A_312 = arith.constant 0 : i32
      %dma_start3A_313 = tpu.memref_slice %arg8[%add3A_306, %dma_start3A_312] : memref<80x125xi32, #tpu.memory_space<vmem>> -> memref<1x125xi32, #tpu.memory_space<vmem>>
      %dma_start3A_314 = tpu.memref_squeeze %dma_start3A_313 : memref<1x125xi32, #tpu.memory_space<vmem>> -> memref<125xi32, #tpu.memory_space<vmem>>
      %dma_start3A_315 = arith.constant 0 : i32
      %dma_start3A_316 = arith.constant 0 : i32
      %dma_start3A_317 = tpu.memref_slice %arg10[%dma_start3A_315, %dma_start3A_316] : memref<10240x32xbf16, #tpu.memory_space<vmem_shared>> -> memref<10240x32xbf16, #tpu.memory_space<vmem_shared>>
      tpu.enqueue_indirect_dma source(%dma_start3A_311 : memref<125x32xbf16, #tpu.memory_space<vmem>>) target(%dma_start3A_317 : memref<10240x32xbf16, #tpu.memory_space<vmem_shared>>) offsets(%dma_start3A_314 : memref<125xi32, #tpu.memory_space<vmem>>) semaphore(%arg21 : memref<!tpu.dma_semaphore, #tpu.memory_space<semaphore_mem>>) {add = true}
      %dma_wait3A_318 = arith.constant 6 : i32
      %dma_wait3A_319 = arith.constant 0 : i32
      %dma_wait3A_320 = arith.constant 0 : i32
      %dma_wait3A_321 = tpu.memref_slice %arg9[%dma_wait3A_318, %dma_wait3A_319, %dma_wait3A_320] : memref<10x125x32xbf16, #tpu.memory_space<vmem>> -> memref<1x125x32xbf16, #tpu.memory_space<vmem>>
      %dma_wait3A_322 = tpu.memref_squeeze %dma_wait3A_321 : memref<1x125x32xbf16, #tpu.memory_space<vmem>> -> memref<125x32xbf16, #tpu.memory_space<vmem>>
      %dma_wait3A_323 = arith.constant 0 : i32
      %dma_wait3A_324 = tpu.memref_slice %arg7[%add3A_106, %dma_wait3A_323] : memref<80x125xi32, #tpu.memory_space<vmem>> -> memref<1x125xi32, #tpu.memory_space<vmem>>
      %dma_wait3A_325 = tpu.memref_squeeze %dma_wait3A_324 : memref<1x125xi32, #tpu.memory_space<vmem>> -> memref<125xi32, #tpu.memory_space<vmem>>
      %dma_wait3A_326 = arith.constant 0 : i32
      %dma_wait3A_327 = arith.constant 0 : i32
      %dma_wait3A_328 = tpu.memref_slice %arg4[%dma_wait3A_326, %dma_wait3A_327] : memref<80000x32xbf16, #tpu.memory_space<hbm>> -> memref<80000x32xbf16, #tpu.memory_space<hbm>>
      tpu.wait_indirect_dma semaphore(%arg17 : memref<!tpu.dma_semaphore, #tpu.memory_space<semaphore_mem>>) src(%dma_wait3A_328 : memref<80000x32xbf16, #tpu.memory_space<hbm>>) dst(%dma_wait3A_322 : memref<125x32xbf16, #tpu.memory_space<vmem>>)
      %mul3A_329 = arith.constant 10 : i32
      %mul3A_330 = arith.muli %mul3A_329, %scan3A_13 : i32
      %add3A_331 = arith.constant 6 : i32
      %add3A_332 = arith.addi %mul3A_330, %add3A_331 : i32
      %dma_start3A_333 = arith.constant 6 : i32
      %dma_start3A_334 = arith.constant 0 : i32
      %dma_start3A_335 = arith.constant 0 : i32
      %dma_start3A_336 = tpu.memref_slice %arg9[%dma_start3A_333, %dma_start3A_334, %dma_start3A_335] : memref<10x125x32xbf16, #tpu.memory_space<vmem>> -> memref<1x125x32xbf16, #tpu.memory_space<vmem>>
      %dma_start3A_337 = tpu.memref_squeeze %dma_start3A_336 : memref<1x125x32xbf16, #tpu.memory_space<vmem>> -> memref<125x32xbf16, #tpu.memory_space<vmem>>
      %dma_start3A_338 = arith.constant 0 : i32
      %dma_start3A_339 = tpu.memref_slice %arg8[%add3A_332, %dma_start3A_338] : memref<80x125xi32, #tpu.memory_space<vmem>> -> memref<1x125xi32, #tpu.memory_space<vmem>>
      %dma_start3A_340 = tpu.memref_squeeze %dma_start3A_339 : memref<1x125xi32, #tpu.memory_space<vmem>> -> memref<125xi32, #tpu.memory_space<vmem>>
      %dma_start3A_341 = arith.constant 0 : i32
      %dma_start3A_342 = arith.constant 0 : i32
      %dma_start3A_343 = tpu.memref_slice %arg10[%dma_start3A_341, %dma_start3A_342] : memref<10240x32xbf16, #tpu.memory_space<vmem_shared>> -> memref<10240x32xbf16, #tpu.memory_space<vmem_shared>>
      tpu.enqueue_indirect_dma source(%dma_start3A_337 : memref<125x32xbf16, #tpu.memory_space<vmem>>) target(%dma_start3A_343 : memref<10240x32xbf16, #tpu.memory_space<vmem_shared>>) offsets(%dma_start3A_340 : memref<125xi32, #tpu.memory_space<vmem>>) semaphore(%arg21 : memref<!tpu.dma_semaphore, #tpu.memory_space<semaphore_mem>>) {add = true}
      %dma_wait3A_344 = arith.constant 7 : i32
      %dma_wait3A_345 = arith.constant 0 : i32
      %dma_wait3A_346 = arith.constant 0 : i32
      %dma_wait3A_347 = tpu.memref_slice %arg9[%dma_wait3A_344, %dma_wait3A_345, %dma_wait3A_346] : memref<10x125x32xbf16, #tpu.memory_space<vmem>> -> memref<1x125x32xbf16, #tpu.memory_space<vmem>>
      %dma_wait3A_348 = tpu.memref_squeeze %dma_wait3A_347 : memref<1x125x32xbf16, #tpu.memory_space<vmem>> -> memref<125x32xbf16, #tpu.memory_space<vmem>>
      %dma_wait3A_349 = arith.constant 0 : i32
      %dma_wait3A_350 = tpu.memref_slice %arg7[%add3A_121, %dma_wait3A_349] : memref<80x125xi32, #tpu.memory_space<vmem>> -> memref<1x125xi32, #tpu.memory_space<vmem>>
      %dma_wait3A_351 = tpu.memref_squeeze %dma_wait3A_350 : memref<1x125xi32, #tpu.memory_space<vmem>> -> memref<125xi32, #tpu.memory_space<vmem>>
      %dma_wait3A_352 = arith.constant 0 : i32
      %dma_wait3A_353 = arith.constant 0 : i32
      %dma_wait3A_354 = tpu.memref_slice %arg4[%dma_wait3A_352, %dma_wait3A_353] : memref<80000x32xbf16, #tpu.memory_space<hbm>> -> memref<80000x32xbf16, #tpu.memory_space<hbm>>
      tpu.wait_indirect_dma semaphore(%arg18 : memref<!tpu.dma_semaphore, #tpu.memory_space<semaphore_mem>>) src(%dma_wait3A_354 : memref<80000x32xbf16, #tpu.memory_space<hbm>>) dst(%dma_wait3A_348 : memref<125x32xbf16, #tpu.memory_space<vmem>>)
      %mul3A_355 = arith.constant 10 : i32
      %mul3A_356 = arith.muli %mul3A_355, %scan3A_13 : i32
      %add3A_357 = arith.constant 7 : i32
      %add3A_358 = arith.addi %mul3A_356, %add3A_357 : i32
      %dma_start3A_359 = arith.constant 7 : i32
      %dma_start3A_360 = arith.constant 0 : i32
      %dma_start3A_361 = arith.constant 0 : i32
      %dma_start3A_362 = tpu.memref_slice %arg9[%dma_start3A_359, %dma_start3A_360, %dma_start3A_361] : memref<10x125x32xbf16, #tpu.memory_space<vmem>> -> memref<1x125x32xbf16, #tpu.memory_space<vmem>>
      %dma_start3A_363 = tpu.memref_squeeze %dma_start3A_362 : memref<1x125x32xbf16, #tpu.memory_space<vmem>> -> memref<125x32xbf16, #tpu.memory_space<vmem>>
      %dma_start3A_364 = arith.constant 0 : i32
      %dma_start3A_365 = tpu.memref_slice %arg8[%add3A_358, %dma_start3A_364] : memref<80x125xi32, #tpu.memory_space<vmem>> -> memref<1x125xi32, #tpu.memory_space<vmem>>
      %dma_start3A_366 = tpu.memref_squeeze %dma_start3A_365 : memref<1x125xi32, #tpu.memory_space<vmem>> -> memref<125xi32, #tpu.memory_space<vmem>>
      %dma_start3A_367 = arith.constant 0 : i32
      %dma_start3A_368 = arith.constant 0 : i32
      %dma_start3A_369 = tpu.memref_slice %arg10[%dma_start3A_367, %dma_start3A_368] : memref<10240x32xbf16, #tpu.memory_space<vmem_shared>> -> memref<10240x32xbf16, #tpu.memory_space<vmem_shared>>
      tpu.enqueue_indirect_dma source(%dma_start3A_363 : memref<125x32xbf16, #tpu.memory_space<vmem>>) target(%dma_start3A_369 : memref<10240x32xbf16, #tpu.memory_space<vmem_shared>>) offsets(%dma_start3A_366 : memref<125xi32, #tpu.memory_space<vmem>>) semaphore(%arg21 : memref<!tpu.dma_semaphore, #tpu.memory_space<semaphore_mem>>) {add = true}
      %dma_wait3A_370 = arith.constant 8 : i32
      %dma_wait3A_371 = arith.constant 0 : i32
      %dma_wait3A_372 = arith.constant 0 : i32
      %dma_wait3A_373 = tpu.memref_slice %arg9[%dma_wait3A_370, %dma_wait3A_371, %dma_wait3A_372] : memref<10x125x32xbf16, #tpu.memory_space<vmem>> -> memref<1x125x32xbf16, #tpu.memory_space<vmem>>
      %dma_wait3A_374 = tpu.memref_squeeze %dma_wait3A_373 : memref<1x125x32xbf16, #tpu.memory_space<vmem>> -> memref<125x32xbf16, #tpu.memory_space<vmem>>
      %dma_wait3A_375 = arith.constant 0 : i32
      %dma_wait3A_376 = tpu.memref_slice %arg7[%add3A_136, %dma_wait3A_375] : memref<80x125xi32, #tpu.memory_space<vmem>> -> memref<1x125xi32, #tpu.memory_space<vmem>>
      %dma_wait3A_377 = tpu.memref_squeeze %dma_wait3A_376 : memref<1x125xi32, #tpu.memory_space<vmem>> -> memref<125xi32, #tpu.memory_space<vmem>>
      %dma_wait3A_378 = arith.constant 0 : i32
      %dma_wait3A_379 = arith.constant 0 : i32
      %dma_wait3A_380 = tpu.memref_slice %arg4[%dma_wait3A_378, %dma_wait3A_379] : memref<80000x32xbf16, #tpu.memory_space<hbm>> -> memref<80000x32xbf16, #tpu.memory_space<hbm>>
      tpu.wait_indirect_dma semaphore(%arg19 : memref<!tpu.dma_semaphore, #tpu.memory_space<semaphore_mem>>) src(%dma_wait3A_380 : memref<80000x32xbf16, #tpu.memory_space<hbm>>) dst(%dma_wait3A_374 : memref<125x32xbf16, #tpu.memory_space<vmem>>)
      %mul3A_381 = arith.constant 10 : i32
      %mul3A_382 = arith.muli %mul3A_381, %scan3A_13 : i32
      %add3A_383 = arith.constant 8 : i32
      %add3A_384 = arith.addi %mul3A_382, %add3A_383 : i32
      %dma_start3A_385 = arith.constant 8 : i32
      %dma_start3A_386 = arith.constant 0 : i32
      %dma_start3A_387 = arith.constant 0 : i32
      %dma_start3A_388 = tpu.memref_slice %arg9[%dma_start3A_385, %dma_start3A_386, %dma_start3A_387] : memref<10x125x32xbf16, #tpu.memory_space<vmem>> -> memref<1x125x32xbf16, #tpu.memory_space<vmem>>
      %dma_start3A_389 = tpu.memref_squeeze %dma_start3A_388 : memref<1x125x32xbf16, #tpu.memory_space<vmem>> -> memref<125x32xbf16, #tpu.memory_space<vmem>>
      %dma_start3A_390 = arith.constant 0 : i32
      %dma_start3A_391 = tpu.memref_slice %arg8[%add3A_384, %dma_start3A_390] : memref<80x125xi32, #tpu.memory_space<vmem>> -> memref<1x125xi32, #tpu.memory_space<vmem>>
      %dma_start3A_392 = tpu.memref_squeeze %dma_start3A_391 : memref<1x125xi32, #tpu.memory_space<vmem>> -> memref<125xi32, #tpu.memory_space<vmem>>
      %dma_start3A_393 = arith.constant 0 : i32
      %dma_start3A_394 = arith.constant 0 : i32
      %dma_start3A_395 = tpu.memref_slice %arg10[%dma_start3A_393, %dma_start3A_394] : memref<10240x32xbf16, #tpu.memory_space<vmem_shared>> -> memref<10240x32xbf16, #tpu.memory_space<vmem_shared>>
      tpu.enqueue_indirect_dma source(%dma_start3A_389 : memref<125x32xbf16, #tpu.memory_space<vmem>>) target(%dma_start3A_395 : memref<10240x32xbf16, #tpu.memory_space<vmem_shared>>) offsets(%dma_start3A_392 : memref<125xi32, #tpu.memory_space<vmem>>) semaphore(%arg21 : memref<!tpu.dma_semaphore, #tpu.memory_space<semaphore_mem>>) {add = true}
      %dma_wait3A_396 = arith.constant 9 : i32
      %dma_wait3A_397 = arith.constant 0 : i32
      %dma_wait3A_398 = arith.constant 0 : i32
      %dma_wait3A_399 = tpu.memref_slice %arg9[%dma_wait3A_396, %dma_wait3A_397, %dma_wait3A_398] : memref<10x125x32xbf16, #tpu.memory_space<vmem>> -> memref<1x125x32xbf16, #tpu.memory_space<vmem>>
      %dma_wait3A_400 = tpu.memref_squeeze %dma_wait3A_399 : memref<1x125x32xbf16, #tpu.memory_space<vmem>> -> memref<125x32xbf16, #tpu.memory_space<vmem>>
      %dma_wait3A_401 = arith.constant 0 : i32
      %dma_wait3A_402 = tpu.memref_slice %arg7[%add3A_151, %dma_wait3A_401] : memref<80x125xi32, #tpu.memory_space<vmem>> -> memref<1x125xi32, #tpu.memory_space<vmem>>
      %dma_wait3A_403 = tpu.memref_squeeze %dma_wait3A_402 : memref<1x125xi32, #tpu.memory_space<vmem>> -> memref<125xi32, #tpu.memory_space<vmem>>
      %dma_wait3A_404 = arith.constant 0 : i32
      %dma_wait3A_405 = arith.constant 0 : i32
      %dma_wait3A_406 = tpu.memref_slice %arg4[%dma_wait3A_404, %dma_wait3A_405] : memref<80000x32xbf16, #tpu.memory_space<hbm>> -> memref<80000x32xbf16, #tpu.memory_space<hbm>>
      tpu.wait_indirect_dma semaphore(%arg20 : memref<!tpu.dma_semaphore, #tpu.memory_space<semaphore_mem>>) src(%dma_wait3A_406 : memref<80000x32xbf16, #tpu.memory_space<hbm>>) dst(%dma_wait3A_400 : memref<125x32xbf16, #tpu.memory_space<vmem>>)
      %mul3A_407 = arith.constant 10 : i32
      %mul3A_408 = arith.muli %mul3A_407, %scan3A_13 : i32
      %add3A_409 = arith.constant 9 : i32
      %add3A_410 = arith.addi %mul3A_408, %add3A_409 : i32
      %dma_start3A_411 = arith.constant 9 : i32
      %dma_start3A_412 = arith.constant 0 : i32
      %dma_start3A_413 = arith.constant 0 : i32
      %dma_start3A_414 = tpu.memref_slice %arg9[%dma_start3A_411, %dma_start3A_412, %dma_start3A_413] : memref<10x125x32xbf16, #tpu.memory_space<vmem>> -> memref<1x125x32xbf16, #tpu.memory_space<vmem>>
      %dma_start3A_415 = tpu.memref_squeeze %dma_start3A_414 : memref<1x125x32xbf16, #tpu.memory_space<vmem>> -> memref<125x32xbf16, #tpu.memory_space<vmem>>
      %dma_start3A_416 = arith.constant 0 : i32
      %dma_start3A_417 = tpu.memref_slice %arg8[%add3A_410, %dma_start3A_416] : memref<80x125xi32, #tpu.memory_space<vmem>> -> memref<1x125xi32, #tpu.memory_space<vmem>>
      %dma_start3A_418 = tpu.memref_squeeze %dma_start3A_417 : memref<1x125xi32, #tpu.memory_space<vmem>> -> memref<125xi32, #tpu.memory_space<vmem>>
      %dma_start3A_419 = arith.constant 0 : i32
      %dma_start3A_420 = arith.constant 0 : i32
      %dma_start3A_421 = tpu.memref_slice %arg10[%dma_start3A_419, %dma_start3A_420] : memref<10240x32xbf16, #tpu.memory_space<vmem_shared>> -> memref<10240x32xbf16, #tpu.memory_space<vmem_shared>>
      tpu.enqueue_indirect_dma source(%dma_start3A_415 : memref<125x32xbf16, #tpu.memory_space<vmem>>) target(%dma_start3A_421 : memref<10240x32xbf16, #tpu.memory_space<vmem_shared>>) offsets(%dma_start3A_418 : memref<125xi32, #tpu.memory_space<vmem>>) semaphore(%arg21 : memref<!tpu.dma_semaphore, #tpu.memory_space<semaphore_mem>>) {add = true}
      %dma_wait3A_422 = arith.constant 0 : i32
      %dma_wait3A_423 = arith.constant 0 : i32
      %dma_wait3A_424 = arith.constant 0 : i32
      %dma_wait3A_425 = tpu.memref_slice %arg9[%dma_wait3A_422, %dma_wait3A_423, %dma_wait3A_424] : memref<10x125x32xbf16, #tpu.memory_space<vmem>> -> memref<1x125x32xbf16, #tpu.memory_space<vmem>>
      %dma_wait3A_426 = tpu.memref_squeeze %dma_wait3A_425 : memref<1x125x32xbf16, #tpu.memory_space<vmem>> -> memref<125x32xbf16, #tpu.memory_space<vmem>>
      %dma_wait3A_427 = arith.constant 0 : i32
      %dma_wait3A_428 = tpu.memref_slice %arg8[%add3A_176, %dma_wait3A_427] : memref<80x125xi32, #tpu.memory_space<vmem>> -> memref<1x125xi32, #tpu.memory_space<vmem>>
      %dma_wait3A_429 = tpu.memref_squeeze %dma_wait3A_428 : memref<1x125xi32, #tpu.memory_space<vmem>> -> memref<125xi32, #tpu.memory_space<vmem>>
      %dma_wait3A_430 = arith.constant 0 : i32
      %dma_wait3A_431 = arith.constant 0 : i32
      %dma_wait3A_432 = tpu.memref_slice %arg10[%dma_wait3A_430, %dma_wait3A_431] : memref<10240x32xbf16, #tpu.memory_space<vmem_shared>> -> memref<10240x32xbf16, #tpu.memory_space<vmem_shared>>
      tpu.wait_indirect_dma semaphore(%arg21 : memref<!tpu.dma_semaphore, #tpu.memory_space<semaphore_mem>>) src(%dma_wait3A_426 : memref<125x32xbf16, #tpu.memory_space<vmem>>) dst(%dma_wait3A_432 : memref<10240x32xbf16, #tpu.memory_space<vmem_shared>>)
      %dma_wait3A_433 = arith.constant 1 : i32
      %dma_wait3A_434 = arith.constant 0 : i32
      %dma_wait3A_435 = arith.constant 0 : i32
      %dma_wait3A_436 = tpu.memref_slice %arg9[%dma_wait3A_433, %dma_wait3A_434, %dma_wait3A_435] : memref<10x125x32xbf16, #tpu.memory_space<vmem>> -> memref<1x125x32xbf16, #tpu.memory_space<vmem>>
      %dma_wait3A_437 = tpu.memref_squeeze %dma_wait3A_436 : memref<1x125x32xbf16, #tpu.memory_space<vmem>> -> memref<125x32xbf16, #tpu.memory_space<vmem>>
      %dma_wait3A_438 = arith.constant 0 : i32
      %dma_wait3A_439 = tpu.memref_slice %arg8[%add3A_202, %dma_wait3A_438] : memref<80x125xi32, #tpu.memory_space<vmem>> -> memref<1x125xi32, #tpu.memory_space<vmem>>
      %dma_wait3A_440 = tpu.memref_squeeze %dma_wait3A_439 : memref<1x125xi32, #tpu.memory_space<vmem>> -> memref<125xi32, #tpu.memory_space<vmem>>
      %dma_wait3A_441 = arith.constant 0 : i32
      %dma_wait3A_442 = arith.constant 0 : i32
      %dma_wait3A_443 = tpu.memref_slice %arg10[%dma_wait3A_441, %dma_wait3A_442] : memref<10240x32xbf16, #tpu.memory_space<vmem_shared>> -> memref<10240x32xbf16, #tpu.memory_space<vmem_shared>>
      tpu.wait_indirect_dma semaphore(%arg21 : memref<!tpu.dma_semaphore, #tpu.memory_space<semaphore_mem>>) src(%dma_wait3A_437 : memref<125x32xbf16, #tpu.memory_space<vmem>>) dst(%dma_wait3A_443 : memref<10240x32xbf16, #tpu.memory_space<vmem_shared>>)
      %dma_wait3A_444 = arith.constant 2 : i32
      %dma_wait3A_445 = arith.constant 0 : i32
      %dma_wait3A_446 = arith.constant 0 : i32
      %dma_wait3A_447 = tpu.memref_slice %arg9[%dma_wait3A_444, %dma_wait3A_445, %dma_wait3A_446] : memref<10x125x32xbf16, #tpu.memory_space<vmem>> -> memref<1x125x32xbf16, #tpu.memory_space<vmem>>
      %dma_wait3A_448 = tpu.memref_squeeze %dma_wait3A_447 : memref<1x125x32xbf16, #tpu.memory_space<vmem>> -> memref<125x32xbf16, #tpu.memory_space<vmem>>
      %dma_wait3A_449 = arith.constant 0 : i32
      %dma_wait3A_450 = tpu.memref_slice %arg8[%add3A_228, %dma_wait3A_449] : memref<80x125xi32, #tpu.memory_space<vmem>> -> memref<1x125xi32, #tpu.memory_space<vmem>>
      %dma_wait3A_451 = tpu.memref_squeeze %dma_wait3A_450 : memref<1x125xi32, #tpu.memory_space<vmem>> -> memref<125xi32, #tpu.memory_space<vmem>>
      %dma_wait3A_452 = arith.constant 0 : i32
      %dma_wait3A_453 = arith.constant 0 : i32
      %dma_wait3A_454 = tpu.memref_slice %arg10[%dma_wait3A_452, %dma_wait3A_453] : memref<10240x32xbf16, #tpu.memory_space<vmem_shared>> -> memref<10240x32xbf16, #tpu.memory_space<vmem_shared>>
      tpu.wait_indirect_dma semaphore(%arg21 : memref<!tpu.dma_semaphore, #tpu.memory_space<semaphore_mem>>) src(%dma_wait3A_448 : memref<125x32xbf16, #tpu.memory_space<vmem>>) dst(%dma_wait3A_454 : memref<10240x32xbf16, #tpu.memory_space<vmem_shared>>)
      %dma_wait3A_455 = arith.constant 3 : i32
      %dma_wait3A_456 = arith.constant 0 : i32
      %dma_wait3A_457 = arith.constant 0 : i32
      %dma_wait3A_458 = tpu.memref_slice %arg9[%dma_wait3A_455, %dma_wait3A_456, %dma_wait3A_457] : memref<10x125x32xbf16, #tpu.memory_space<vmem>> -> memref<1x125x32xbf16, #tpu.memory_space<vmem>>
      %dma_wait3A_459 = tpu.memref_squeeze %dma_wait3A_458 : memref<1x125x32xbf16, #tpu.memory_space<vmem>> -> memref<125x32xbf16, #tpu.memory_space<vmem>>
      %dma_wait3A_460 = arith.constant 0 : i32
      %dma_wait3A_461 = tpu.memref_slice %arg8[%add3A_254, %dma_wait3A_460] : memref<80x125xi32, #tpu.memory_space<vmem>> -> memref<1x125xi32, #tpu.memory_space<vmem>>
      %dma_wait3A_462 = tpu.memref_squeeze %dma_wait3A_461 : memref<1x125xi32, #tpu.memory_space<vmem>> -> memref<125xi32, #tpu.memory_space<vmem>>
      %dma_wait3A_463 = arith.constant 0 : i32
      %dma_wait3A_464 = arith.constant 0 : i32
      %dma_wait3A_465 = tpu.memref_slice %arg10[%dma_wait3A_463, %dma_wait3A_464] : memref<10240x32xbf16, #tpu.memory_space<vmem_shared>> -> memref<10240x32xbf16, #tpu.memory_space<vmem_shared>>
      tpu.wait_indirect_dma semaphore(%arg21 : memref<!tpu.dma_semaphore, #tpu.memory_space<semaphore_mem>>) src(%dma_wait3A_459 : memref<125x32xbf16, #tpu.memory_space<vmem>>) dst(%dma_wait3A_465 : memref<10240x32xbf16, #tpu.memory_space<vmem_shared>>)
      %dma_wait3A_466 = arith.constant 4 : i32
      %dma_wait3A_467 = arith.constant 0 : i32
      %dma_wait3A_468 = arith.constant 0 : i32
      %dma_wait3A_469 = tpu.memref_slice %arg9[%dma_wait3A_466, %dma_wait3A_467, %dma_wait3A_468] : memref<10x125x32xbf16, #tpu.memory_space<vmem>> -> memref<1x125x32xbf16, #tpu.memory_space<vmem>>
      %dma_wait3A_470 = tpu.memref_squeeze %dma_wait3A_469 : memref<1x125x32xbf16, #tpu.memory_space<vmem>> -> memref<125x32xbf16, #tpu.memory_space<vmem>>
      %dma_wait3A_471 = arith.constant 0 : i32
      %dma_wait3A_472 = tpu.memref_slice %arg8[%add3A_280, %dma_wait3A_471] : memref<80x125xi32, #tpu.memory_space<vmem>> -> memref<1x125xi32, #tpu.memory_space<vmem>>
      %dma_wait3A_473 = tpu.memref_squeeze %dma_wait3A_472 : memref<1x125xi32, #tpu.memory_space<vmem>> -> memref<125xi32, #tpu.memory_space<vmem>>
      %dma_wait3A_474 = arith.constant 0 : i32
      %dma_wait3A_475 = arith.constant 0 : i32
      %dma_wait3A_476 = tpu.memref_slice %arg10[%dma_wait3A_474, %dma_wait3A_475] : memref<10240x32xbf16, #tpu.memory_space<vmem_shared>> -> memref<10240x32xbf16, #tpu.memory_space<vmem_shared>>
      tpu.wait_indirect_dma semaphore(%arg21 : memref<!tpu.dma_semaphore, #tpu.memory_space<semaphore_mem>>) src(%dma_wait3A_470 : memref<125x32xbf16, #tpu.memory_space<vmem>>) dst(%dma_wait3A_476 : memref<10240x32xbf16, #tpu.memory_space<vmem_shared>>)
      %dma_wait3A_477 = arith.constant 5 : i32
      %dma_wait3A_478 = arith.constant 0 : i32
      %dma_wait3A_479 = arith.constant 0 : i32
      %dma_wait3A_480 = tpu.memref_slice %arg9[%dma_wait3A_477, %dma_wait3A_478, %dma_wait3A_479] : memref<10x125x32xbf16, #tpu.memory_space<vmem>> -> memref<1x125x32xbf16, #tpu.memory_space<vmem>>
      %dma_wait3A_481 = tpu.memref_squeeze %dma_wait3A_480 : memref<1x125x32xbf16, #tpu.memory_space<vmem>> -> memref<125x32xbf16, #tpu.memory_space<vmem>>
      %dma_wait3A_482 = arith.constant 0 : i32
      %dma_wait3A_483 = tpu.memref_slice %arg8[%add3A_306, %dma_wait3A_482] : memref<80x125xi32, #tpu.memory_space<vmem>> -> memref<1x125xi32, #tpu.memory_space<vmem>>
      %dma_wait3A_484 = tpu.memref_squeeze %dma_wait3A_483 : memref<1x125xi32, #tpu.memory_space<vmem>> -> memref<125xi32, #tpu.memory_space<vmem>>
      %dma_wait3A_485 = arith.constant 0 : i32
      %dma_wait3A_486 = arith.constant 0 : i32
      %dma_wait3A_487 = tpu.memref_slice %arg10[%dma_wait3A_485, %dma_wait3A_486] : memref<10240x32xbf16, #tpu.memory_space<vmem_shared>> -> memref<10240x32xbf16, #tpu.memory_space<vmem_shared>>
      tpu.wait_indirect_dma semaphore(%arg21 : memref<!tpu.dma_semaphore, #tpu.memory_space<semaphore_mem>>) src(%dma_wait3A_481 : memref<125x32xbf16, #tpu.memory_space<vmem>>) dst(%dma_wait3A_487 : memref<10240x32xbf16, #tpu.memory_space<vmem_shared>>)
      %dma_wait3A_488 = arith.constant 6 : i32
      %dma_wait3A_489 = arith.constant 0 : i32
      %dma_wait3A_490 = arith.constant 0 : i32
      %dma_wait3A_491 = tpu.memref_slice %arg9[%dma_wait3A_488, %dma_wait3A_489, %dma_wait3A_490] : memref<10x125x32xbf16, #tpu.memory_space<vmem>> -> memref<1x125x32xbf16, #tpu.memory_space<vmem>>
      %dma_wait3A_492 = tpu.memref_squeeze %dma_wait3A_491 : memref<1x125x32xbf16, #tpu.memory_space<vmem>> -> memref<125x32xbf16, #tpu.memory_space<vmem>>
      %dma_wait3A_493 = arith.constant 0 : i32
      %dma_wait3A_494 = tpu.memref_slice %arg8[%add3A_332, %dma_wait3A_493] : memref<80x125xi32, #tpu.memory_space<vmem>> -> memref<1x125xi32, #tpu.memory_space<vmem>>
      %dma_wait3A_495 = tpu.memref_squeeze %dma_wait3A_494 : memref<1x125xi32, #tpu.memory_space<vmem>> -> memref<125xi32, #tpu.memory_space<vmem>>
      %dma_wait3A_496 = arith.constant 0 : i32
      %dma_wait3A_497 = arith.constant 0 : i32
      %dma_wait3A_498 = tpu.memref_slice %arg10[%dma_wait3A_496, %dma_wait3A_497] : memref<10240x32xbf16, #tpu.memory_space<vmem_shared>> -> memref<10240x32xbf16, #tpu.memory_space<vmem_shared>>
      tpu.wait_indirect_dma semaphore(%arg21 : memref<!tpu.dma_semaphore, #tpu.memory_space<semaphore_mem>>) src(%dma_wait3A_492 : memref<125x32xbf16, #tpu.memory_space<vmem>>) dst(%dma_wait3A_498 : memref<10240x32xbf16, #tpu.memory_space<vmem_shared>>)
      %dma_wait3A_499 = arith.constant 7 : i32
      %dma_wait3A_500 = arith.constant 0 : i32
      %dma_wait3A_501 = arith.constant 0 : i32
      %dma_wait3A_502 = tpu.memref_slice %arg9[%dma_wait3A_499, %dma_wait3A_500, %dma_wait3A_501] : memref<10x125x32xbf16, #tpu.memory_space<vmem>> -> memref<1x125x32xbf16, #tpu.memory_space<vmem>>
      %dma_wait3A_503 = tpu.memref_squeeze %dma_wait3A_502 : memref<1x125x32xbf16, #tpu.memory_space<vmem>> -> memref<125x32xbf16, #tpu.memory_space<vmem>>
      %dma_wait3A_504 = arith.constant 0 : i32
      %dma_wait3A_505 = tpu.memref_slice %arg8[%add3A_358, %dma_wait3A_504] : memref<80x125xi32, #tpu.memory_space<vmem>> -> memref<1x125xi32, #tpu.memory_space<vmem>>
      %dma_wait3A_506 = tpu.memref_squeeze %dma_wait3A_505 : memref<1x125xi32, #tpu.memory_space<vmem>> -> memref<125xi32, #tpu.memory_space<vmem>>
      %dma_wait3A_507 = arith.constant 0 : i32
      %dma_wait3A_508 = arith.constant 0 : i32
      %dma_wait3A_509 = tpu.memref_slice %arg10[%dma_wait3A_507, %dma_wait3A_508] : memref<10240x32xbf16, #tpu.memory_space<vmem_shared>> -> memref<10240x32xbf16, #tpu.memory_space<vmem_shared>>
      tpu.wait_indirect_dma semaphore(%arg21 : memref<!tpu.dma_semaphore, #tpu.memory_space<semaphore_mem>>) src(%dma_wait3A_503 : memref<125x32xbf16, #tpu.memory_space<vmem>>) dst(%dma_wait3A_509 : memref<10240x32xbf16, #tpu.memory_space<vmem_shared>>)
      %dma_wait3A_510 = arith.constant 8 : i32
      %dma_wait3A_511 = arith.constant 0 : i32
      %dma_wait3A_512 = arith.constant 0 : i32
      %dma_wait3A_513 = tpu.memref_slice %arg9[%dma_wait3A_510, %dma_wait3A_511, %dma_wait3A_512] : memref<10x125x32xbf16, #tpu.memory_space<vmem>> -> memref<1x125x32xbf16, #tpu.memory_space<vmem>>
      %dma_wait3A_514 = tpu.memref_squeeze %dma_wait3A_513 : memref<1x125x32xbf16, #tpu.memory_space<vmem>> -> memref<125x32xbf16, #tpu.memory_space<vmem>>
      %dma_wait3A_515 = arith.constant 0 : i32
      %dma_wait3A_516 = tpu.memref_slice %arg8[%add3A_384, %dma_wait3A_515] : memref<80x125xi32, #tpu.memory_space<vmem>> -> memref<1x125xi32, #tpu.memory_space<vmem>>
      %dma_wait3A_517 = tpu.memref_squeeze %dma_wait3A_516 : memref<1x125xi32, #tpu.memory_space<vmem>> -> memref<125xi32, #tpu.memory_space<vmem>>
      %dma_wait3A_518 = arith.constant 0 : i32
      %dma_wait3A_519 = arith.constant 0 : i32
      %dma_wait3A_520 = tpu.memref_slice %arg10[%dma_wait3A_518, %dma_wait3A_519] : memref<10240x32xbf16, #tpu.memory_space<vmem_shared>> -> memref<10240x32xbf16, #tpu.memory_space<vmem_shared>>
      tpu.wait_indirect_dma semaphore(%arg21 : memref<!tpu.dma_semaphore, #tpu.memory_space<semaphore_mem>>) src(%dma_wait3A_514 : memref<125x32xbf16, #tpu.memory_space<vmem>>) dst(%dma_wait3A_520 : memref<10240x32xbf16, #tpu.memory_space<vmem_shared>>)
      %dma_wait3A_521 = arith.constant 9 : i32
      %dma_wait3A_522 = arith.constant 0 : i32
      %dma_wait3A_523 = arith.constant 0 : i32
      %dma_wait3A_524 = tpu.memref_slice %arg9[%dma_wait3A_521, %dma_wait3A_522, %dma_wait3A_523] : memref<10x125x32xbf16, #tpu.memory_space<vmem>> -> memref<1x125x32xbf16, #tpu.memory_space<vmem>>
      %dma_wait3A_525 = tpu.memref_squeeze %dma_wait3A_524 : memref<1x125x32xbf16, #tpu.memory_space<vmem>> -> memref<125x32xbf16, #tpu.memory_space<vmem>>
      %dma_wait3A_526 = arith.constant 0 : i32
      %dma_wait3A_527 = tpu.memref_slice %arg8[%add3A_410, %dma_wait3A_526] : memref<80x125xi32, #tpu.memory_space<vmem>> -> memref<1x125xi32, #tpu.memory_space<vmem>>
      %dma_wait3A_528 = tpu.memref_squeeze %dma_wait3A_527 : memref<1x125xi32, #tpu.memory_space<vmem>> -> memref<125xi32, #tpu.memory_space<vmem>>
      %dma_wait3A_529 = arith.constant 0 : i32
      %dma_wait3A_530 = arith.constant 0 : i32
      %dma_wait3A_531 = tpu.memref_slice %arg10[%dma_wait3A_529, %dma_wait3A_530] : memref<10240x32xbf16, #tpu.memory_space<vmem_shared>> -> memref<10240x32xbf16, #tpu.memory_space<vmem_shared>>
      tpu.wait_indirect_dma semaphore(%arg21 : memref<!tpu.dma_semaphore, #tpu.memory_space<semaphore_mem>>) src(%dma_wait3A_525 : memref<125x32xbf16, #tpu.memory_space<vmem>>) dst(%dma_wait3A_531 : memref<10240x32xbf16, #tpu.memory_space<vmem_shared>>)
    }
    %scan3A_7 = arith.constant 8 : i32
    %barrier3A_8 = arith.constant 0 : index
    tpu.barrier barrier_id(%barrier3A_8)
    %mul3A_9 = arith.constant 640 : i32
    %mul3A_10 = arith.muli %arg1, %mul3A_9 : i32
    %mul3A_11 = arith.constant 640 : i32
    %mul3A_12 = arith.muli %arg1, %mul3A_11 : i32
    "tpu.region"() ({
      %run_scoped3A = tpu.sem_alloc : memref<!tpu.dma_semaphore, #tpu.memory_space<semaphore_mem>>
      %dma_start3A = arith.constant 0 : i32
      %dma_start3A_13 = arith.constant 0 : i32
      %dma_start3A_14 = tpu.memref_slice %arg6[%arg0, %dma_start3A, %dma_start3A_13] : memref<2x10240x32xbf16, #tpu.memory_space<hbm>> -> memref<1x10240x32xbf16, #tpu.memory_space<hbm>>
      %dma_start3A_15 = tpu.memref_squeeze %dma_start3A_14 : memref<1x10240x32xbf16, #tpu.memory_space<hbm>> -> memref<10240x32xbf16, #tpu.memory_space<hbm>>
      %dma_start3A_16 = arith.constant 0 : i32
      %dma_start3A_17 = tpu.memref_slice %dma_start3A_15[%mul3A_12, %dma_start3A_16] : memref<10240x32xbf16, #tpu.memory_space<hbm>> -> memref<640x32xbf16, #tpu.memory_space<hbm>>
      %dma_start3A_18 = arith.constant 0 : i32
      %dma_start3A_19 = tpu.memref_slice %arg10[%mul3A_10, %dma_start3A_18] : memref<10240x32xbf16, #tpu.memory_space<vmem_shared>> -> memref<640x32xbf16, #tpu.memory_space<vmem_shared>>
      tpu.enqueue_dma source(%dma_start3A_19 : memref<640x32xbf16, #tpu.memory_space<vmem_shared>>) target(%dma_start3A_17 : memref<640x32xbf16, #tpu.memory_space<hbm>>) target_semaphore(%run_scoped3A : memref<!tpu.dma_semaphore, #tpu.memory_space<semaphore_mem>>)
      %dma_wait3A = arith.constant 0 : i32
      %dma_wait3A_20 = arith.constant 0 : i32
      %dma_wait3A_21 = tpu.memref_slice %arg6[%arg0, %dma_wait3A, %dma_wait3A_20] : memref<2x10240x32xbf16, #tpu.memory_space<hbm>> -> memref<1x10240x32xbf16, #tpu.memory_space<hbm>>
      %dma_wait3A_22 = tpu.memref_squeeze %dma_wait3A_21 : memref<1x10240x32xbf16, #tpu.memory_space<hbm>> -> memref<10240x32xbf16, #tpu.memory_space<hbm>>
      %dma_wait3A_23 = arith.constant 0 : i32
      %dma_wait3A_24 = tpu.memref_slice %dma_wait3A_22[%mul3A_12, %dma_wait3A_23] : memref<10240x32xbf16, #tpu.memory_space<hbm>> -> memref<640x32xbf16, #tpu.memory_space<hbm>>
      %dma_wait3A_25 = arith.constant 0 : i32
      %dma_wait3A_26 = tpu.memref_slice %arg10[%mul3A_10, %dma_wait3A_25] : memref<10240x32xbf16, #tpu.memory_space<vmem_shared>> -> memref<640x32xbf16, #tpu.memory_space<vmem_shared>>
      tpu.wait_dma2 semaphore(%run_scoped3A : memref<!tpu.dma_semaphore, #tpu.memory_space<semaphore_mem>>) src(%dma_wait3A_26 : memref<640x32xbf16, #tpu.memory_space<vmem_shared>>) dst(%dma_wait3A_24 : memref<640x32xbf16, #tpu.memory_space<hbm>>)
      tpu.yield
    }) : () -> ()
    return
  }
}

module attributes {stable_mosaic.version = 14 : i64} {
  func.func @_tc_a_body(%arg0: i32, %arg1: memref<2000x128xf32, #tpu.memory_space<vmem>>, %arg2: memref<128x512xf32, #tpu.memory_space<vmem>>, %arg3: memref<128x64xf32, #tpu.memory_space<vmem>>, %arg4: memref<2000x512xbf16, #tpu.memory_space<vmem>>, %arg5: memref<2000x64xf32, #tpu.memory_space<vmem>>) attributes {dimension_semantics = [#tpu.dimension_semantics<arbitrary>], iteration_bounds = array<i64: 5>, scalar_prefetch = 0 : i64, scratch_operands = 0 : i64, tpu.core_type = #tpu.core_type<tc>, window_params = [{transform_indices = @transform_0, window_bounds = array<i64: 2000, 128>}, {pipeline_mode = #tpu.pipeline_mode<synchronous>, transform_indices = @transform_1, window_bounds = array<i64: 128, 512>}, {pipeline_mode = #tpu.pipeline_mode<synchronous>, transform_indices = @transform_2, window_bounds = array<i64: 128, 64>}, {transform_indices = @transform_3, window_bounds = array<i64: 2000, 512>}, {transform_indices = @transform_4, window_bounds = array<i64: 2000, 64>}]} {
    %get3A = arith.constant 0 : index
    %get3A_0 = arith.constant 0 : index
    %get3A_1 = vector.load %arg1[%get3A, %get3A_0] : memref<2000x128xf32, #tpu.memory_space<vmem>>, vector<2000x128xf32>
    %get3A_2 = arith.constant 0 : index
    %get3A_3 = arith.constant 0 : index
    %get3A_4 = vector.load %arg2[%get3A_2, %get3A_3] : memref<128x512xf32, #tpu.memory_space<vmem>>, vector<128x512xf32>
    %dot_general3A = arith.constant dense<0.000000e+00> : vector<2000x512xf32>
    %dot_general3A_5 = tpu.matmul %get3A_1, %get3A_4, %dot_general3A {dimension_numbers = #tpu.dot_dimension_numbers<[1], [0], [0], [1], [0, 0, 1, 1], [], []>, transpose_lhs_hint = false} : vector<2000x128xf32>, vector<128x512xf32>, vector<2000x512xf32> -> vector<2000x512xf32>
    %convert_element_type3A = arith.truncf %dot_general3A_5 : vector<2000x512xf32> to vector<2000x512xbf16>
    %swap3A = arith.constant 0 : index
    %swap3A_6 = arith.constant 0 : index
    %swap3A_7 = vector.load %arg4[%swap3A, %swap3A_6] : memref<2000x512xbf16, #tpu.memory_space<vmem>>, vector<2000x512xbf16>
    tpu.vector_store %arg4[%swap3A, %swap3A_6], %convert_element_type3A {strides = array<i32>} : memref<2000x512xbf16, #tpu.memory_space<vmem>>, vector<2000x512xbf16>,
    %get3A_8 = arith.constant 0 : index
    %get3A_9 = arith.constant 0 : index
    %get3A_10 = vector.load %arg3[%get3A_8, %get3A_9] : memref<128x64xf32, #tpu.memory_space<vmem>>, vector<128x64xf32>
    %dot_general3A_11 = arith.constant dense<0.000000e+00> : vector<2000x64xf32>
    %dot_general3A_12 = tpu.matmul %get3A_1, %get3A_10, %dot_general3A_11 {dimension_numbers = #tpu.dot_dimension_numbers<[1], [0], [0], [1], [0, 0, 1, 1], [], []>, transpose_lhs_hint = false} : vector<2000x128xf32>, vector<128x64xf32>, vector<2000x64xf32> -> vector<2000x64xf32>
    %swap3A_13 = arith.constant 0 : index
    %swap3A_14 = arith.constant 0 : index
    %swap3A_15 = vector.load %arg5[%swap3A_13, %swap3A_14] : memref<2000x64xf32, #tpu.memory_space<vmem>>, vector<2000x64xf32>
    tpu.vector_store %arg5[%swap3A_13, %swap3A_14], %dot_general3A_12 {strides = array<i32>} : memref<2000x64xf32, #tpu.memory_space<vmem>>, vector<2000x64xf32>,
    return
  }
  func.func @transform_0(%arg0: i32) -> (i32, i32) {
    %c0_i32 = arith.constant 0 : i32
    %c0_i32_0 = arith.constant 0 : i32
    return %arg0, %c0_i32 : i32, i32
  }
  func.func @transform_1(%arg0: i32) -> (i32, i32) {
    %c0_i32 = arith.constant 0 : i32
    %c0_i32_0 = arith.constant 0 : i32
    %c0_i32_1 = arith.constant 0 : i32
    return %c0_i32, %c0_i32_0 : i32, i32
  }
  func.func @transform_2(%arg0: i32) -> (i32, i32) {
    %c0_i32 = arith.constant 0 : i32
    %c0_i32_0 = arith.constant 0 : i32
    %c0_i32_1 = arith.constant 0 : i32
    return %c0_i32, %c0_i32_0 : i32, i32
  }
  func.func @transform_3(%arg0: i32) -> (i32, i32) {
    %c0_i32 = arith.constant 0 : i32
    %c0_i32_0 = arith.constant 0 : i32
    return %arg0, %c0_i32 : i32, i32
  }
  func.func @transform_4(%arg0: i32) -> (i32, i32) {
    %c0_i32 = arith.constant 0 : i32
    %c0_i32_0 = arith.constant 0 : i32
    return %arg0, %c0_i32 : i32, i32
  }
}

module attributes {stable_mosaic.version = 14 : i64} {
  func.func @_tc_b_body(%arg0: i32, %arg1: memref<2000x64xbf16, #tpu.memory_space<vmem>>, %arg2: memref<2000x64xbf16, #tpu.memory_space<vmem>>, %arg3: memref<2000x8xf32, #tpu.memory_space<vmem>>, %arg4: memref<2000x8xf32, #tpu.memory_space<vmem>>, %arg5: memref<2000x64xf32, #tpu.memory_space<vmem>>, %arg6: memref<64x256xf32, #tpu.memory_space<vmem>>, %arg7: memref<64x32xf32, #tpu.memory_space<vmem>>, %arg8: memref<2000x256xbf16, #tpu.memory_space<vmem>>, %arg9: memref<2000x32xf32, #tpu.memory_space<vmem>>) attributes {dimension_semantics = [#tpu.dimension_semantics<arbitrary>], iteration_bounds = array<i64: 5>, scalar_prefetch = 0 : i64, scratch_operands = 0 : i64, tpu.core_type = #tpu.core_type<tc>, window_params = [{transform_indices = @transform_0, window_bounds = array<i64: 2000, 64>}, {transform_indices = @transform_1, window_bounds = array<i64: 2000, 64>}, {transform_indices = @transform_2, window_bounds = array<i64: 2000, 8>}, {transform_indices = @transform_3, window_bounds = array<i64: 2000, 8>}, {transform_indices = @transform_4, window_bounds = array<i64: 2000, 64>}, {pipeline_mode = #tpu.pipeline_mode<synchronous>, transform_indices = @transform_5, window_bounds = array<i64: 64, 256>}, {pipeline_mode = #tpu.pipeline_mode<synchronous>, transform_indices = @transform_6, window_bounds = array<i64: 64, 32>}, {transform_indices = @transform_7, window_bounds = array<i64: 2000, 256>}, {transform_indices = @transform_8, window_bounds = array<i64: 2000, 32>}]} {
    %get3A = arith.constant 0 : index
    %get3A_0 = arith.constant 0 : index
    %get3A_1 = vector.load %arg3[%get3A, %get3A_0] : memref<2000x8xf32, #tpu.memory_space<vmem>>, vector<2000x1xf32>
    %get3A_2 = arith.constant 0 : index
    %get3A_3 = arith.constant 0 : index
    %get3A_4 = vector.load %arg4[%get3A_2, %get3A_3] : memref<2000x8xf32, #tpu.memory_space<vmem>>, vector<2000x1xf32>
    %add3A = arith.addf %get3A_1, %get3A_4 : vector<2000x1xf32>
    %max3A = arith.constant 1.000000e+00 : f32
    %max3A_5 = vector.broadcast %max3A : f32 to vector<2000x1xf32>
    %max3A_6 = arith.maximumf %add3A, %max3A_5 : vector<2000x1xf32>
    %get3A_7 = arith.constant 0 : index
    %get3A_8 = arith.constant 0 : index
    %get3A_9 = vector.load %arg1[%get3A_7, %get3A_8] : memref<2000x64xbf16, #tpu.memory_space<vmem>>, vector<2000x64xbf16>
    %convert_element_type3A = arith.extf %get3A_9 : vector<2000x64xbf16> to vector<2000x64xf32>
    %get3A_10 = arith.constant 0 : index
    %get3A_11 = arith.constant 0 : index
    %get3A_12 = vector.load %arg2[%get3A_10, %get3A_11] : memref<2000x64xbf16, #tpu.memory_space<vmem>>, vector<2000x64xbf16>
    %convert_element_type3A_13 = arith.extf %get3A_12 : vector<2000x64xbf16> to vector<2000x64xf32>
    %add3A_14 = arith.addf %convert_element_type3A, %convert_element_type3A_13 : vector<2000x64xf32>
    %div3A = vector.broadcast %max3A_6 : vector<2000x1xf32> to vector<2000x64xf32>
    %div3A_15 = arith.divf %add3A_14, %div3A : vector<2000x64xf32>
    %get3A_16 = arith.constant 0 : index
    %get3A_17 = arith.constant 0 : index
    %get3A_18 = vector.load %arg5[%get3A_16, %get3A_17] : memref<2000x64xf32, #tpu.memory_space<vmem>>, vector<2000x64xf32>
    %add3A_19 = arith.addf %div3A_15, %get3A_18 : vector<2000x64xf32>
    %max3A_20 = arith.constant 0.000000e+00 : f32
    %max3A_21 = vector.broadcast %max3A_20 : f32 to vector<2000x64xf32>
    %max3A_22 = arith.maximumf %add3A_19, %max3A_21 : vector<2000x64xf32>
    %get3A_23 = arith.constant 0 : index
    %get3A_24 = arith.constant 0 : index
    %get3A_25 = vector.load %arg6[%get3A_23, %get3A_24] : memref<64x256xf32, #tpu.memory_space<vmem>>, vector<64x256xf32>
    %dot_general3A = arith.constant dense<0.000000e+00> : vector<2000x256xf32>
    %dot_general3A_26 = tpu.matmul %max3A_22, %get3A_25, %dot_general3A {dimension_numbers = #tpu.dot_dimension_numbers<[1], [0], [0], [1], [0, 0, 1, 1], [], []>, transpose_lhs_hint = false} : vector<2000x64xf32>, vector<64x256xf32>, vector<2000x256xf32> -> vector<2000x256xf32>
    %convert_element_type3A_27 = arith.truncf %dot_general3A_26 : vector<2000x256xf32> to vector<2000x256xbf16>
    %swap3A = arith.constant 0 : index
    %swap3A_28 = arith.constant 0 : index
    %swap3A_29 = vector.load %arg8[%swap3A, %swap3A_28] : memref<2000x256xbf16, #tpu.memory_space<vmem>>, vector<2000x256xbf16>
    tpu.vector_store %arg8[%swap3A, %swap3A_28], %convert_element_type3A_27 {strides = array<i32>} : memref<2000x256xbf16, #tpu.memory_space<vmem>>, vector<2000x256xbf16>,
    %get3A_30 = arith.constant 0 : index
    %get3A_31 = arith.constant 0 : index
    %get3A_32 = vector.load %arg7[%get3A_30, %get3A_31] : memref<64x32xf32, #tpu.memory_space<vmem>>, vector<64x32xf32>
    %dot_general3A_33 = arith.constant dense<0.000000e+00> : vector<2000x32xf32>
    %dot_general3A_34 = tpu.matmul %max3A_22, %get3A_32, %dot_general3A_33 {dimension_numbers = #tpu.dot_dimension_numbers<[1], [0], [0], [1], [0, 0, 1, 1], [], []>, transpose_lhs_hint = false} : vector<2000x64xf32>, vector<64x32xf32>, vector<2000x32xf32> -> vector<2000x32xf32>
    %swap3A_35 = arith.constant 0 : index
    %swap3A_36 = arith.constant 0 : index
    %swap3A_37 = vector.load %arg9[%swap3A_35, %swap3A_36] : memref<2000x32xf32, #tpu.memory_space<vmem>>, vector<2000x32xf32>
    tpu.vector_store %arg9[%swap3A_35, %swap3A_36], %dot_general3A_34 {strides = array<i32>} : memref<2000x32xf32, #tpu.memory_space<vmem>>, vector<2000x32xf32>,
    return
  }
  func.func @transform_0(%arg0: i32) -> (i32, i32) {
    %c0_i32 = arith.constant 0 : i32
    %c0_i32_0 = arith.constant 0 : i32
    return %arg0, %c0_i32 : i32, i32
  }
  func.func @transform_1(%arg0: i32) -> (i32, i32) {
    %c0_i32 = arith.constant 0 : i32
    %c0_i32_0 = arith.constant 0 : i32
    return %arg0, %c0_i32 : i32, i32
  }
  func.func @transform_2(%arg0: i32) -> (i32, i32) {
    %c0_i32 = arith.constant 0 : i32
    %c0_i32_0 = arith.constant 0 : i32
    return %arg0, %c0_i32 : i32, i32
  }
  func.func @transform_3(%arg0: i32) -> (i32, i32) {
    %c0_i32 = arith.constant 0 : i32
    %c0_i32_0 = arith.constant 0 : i32
    return %arg0, %c0_i32 : i32, i32
  }
  func.func @transform_4(%arg0: i32) -> (i32, i32) {
    %c0_i32 = arith.constant 0 : i32
    %c0_i32_0 = arith.constant 0 : i32
    return %arg0, %c0_i32 : i32, i32
  }
  func.func @transform_5(%arg0: i32) -> (i32, i32) {
    %c0_i32 = arith.constant 0 : i32
    %c0_i32_0 = arith.constant 0 : i32
    %c0_i32_1 = arith.constant 0 : i32
    return %c0_i32, %c0_i32_0 : i32, i32
  }
  func.func @transform_6(%arg0: i32) -> (i32, i32) {
    %c0_i32 = arith.constant 0 : i32
    %c0_i32_0 = arith.constant 0 : i32
    %c0_i32_1 = arith.constant 0 : i32
    return %c0_i32, %c0_i32_0 : i32, i32
  }
  func.func @transform_7(%arg0: i32) -> (i32, i32) {
    %c0_i32 = arith.constant 0 : i32
    %c0_i32_0 = arith.constant 0 : i32
    return %arg0, %c0_i32 : i32, i32
  }
  func.func @transform_8(%arg0: i32) -> (i32, i32) {
    %c0_i32 = arith.constant 0 : i32
    %c0_i32_0 = arith.constant 0 : i32
    return %arg0, %c0_i32 : i32, i32
  }
}

module attributes {stable_mosaic.version = 14 : i64} {
  func.func @_tc_c_body(%arg0: i32, %arg1: memref<2000x32xbf16, #tpu.memory_space<vmem>>, %arg2: memref<2000x32xbf16, #tpu.memory_space<vmem>>, %arg3: memref<2000x8xf32, #tpu.memory_space<vmem>>, %arg4: memref<2000x8xf32, #tpu.memory_space<vmem>>, %arg5: memref<2000x32xf32, #tpu.memory_space<vmem>>, %arg6: memref<2000x32xf32, #tpu.memory_space<vmem>>) attributes {dimension_semantics = [#tpu.dimension_semantics<arbitrary>], iteration_bounds = array<i64: 5>, scalar_prefetch = 0 : i64, scratch_operands = 0 : i64, tpu.core_type = #tpu.core_type<tc>, window_params = [{transform_indices = @transform_0, window_bounds = array<i64: 2000, 32>}, {transform_indices = @transform_1, window_bounds = array<i64: 2000, 32>}, {transform_indices = @transform_2, window_bounds = array<i64: 2000, 8>}, {transform_indices = @transform_3, window_bounds = array<i64: 2000, 8>}, {transform_indices = @transform_4, window_bounds = array<i64: 2000, 32>}, {transform_indices = @transform_5, window_bounds = array<i64: 2000, 32>}]} {
    %get3A = arith.constant 0 : index
    %get3A_0 = arith.constant 0 : index
    %get3A_1 = vector.load %arg3[%get3A, %get3A_0] : memref<2000x8xf32, #tpu.memory_space<vmem>>, vector<2000x1xf32>
    %get3A_2 = arith.constant 0 : index
    %get3A_3 = arith.constant 0 : index
    %get3A_4 = vector.load %arg4[%get3A_2, %get3A_3] : memref<2000x8xf32, #tpu.memory_space<vmem>>, vector<2000x1xf32>
    %add3A = arith.addf %get3A_1, %get3A_4 : vector<2000x1xf32>
    %max3A = arith.constant 1.000000e+00 : f32
    %max3A_5 = vector.broadcast %max3A : f32 to vector<2000x1xf32>
    %max3A_6 = arith.maximumf %add3A, %max3A_5 : vector<2000x1xf32>
    %get3A_7 = arith.constant 0 : index
    %get3A_8 = arith.constant 0 : index
    %get3A_9 = vector.load %arg1[%get3A_7, %get3A_8] : memref<2000x32xbf16, #tpu.memory_space<vmem>>, vector<2000x32xbf16>
    %convert_element_type3A = arith.extf %get3A_9 : vector<2000x32xbf16> to vector<2000x32xf32>
    %get3A_10 = arith.constant 0 : index
    %get3A_11 = arith.constant 0 : index
    %get3A_12 = vector.load %arg2[%get3A_10, %get3A_11] : memref<2000x32xbf16, #tpu.memory_space<vmem>>, vector<2000x32xbf16>
    %convert_element_type3A_13 = arith.extf %get3A_12 : vector<2000x32xbf16> to vector<2000x32xf32>
    %add3A_14 = arith.addf %convert_element_type3A, %convert_element_type3A_13 : vector<2000x32xf32>
    %div3A = vector.broadcast %max3A_6 : vector<2000x1xf32> to vector<2000x32xf32>
    %div3A_15 = arith.divf %add3A_14, %div3A : vector<2000x32xf32>
    %get3A_16 = arith.constant 0 : index
    %get3A_17 = arith.constant 0 : index
    %get3A_18 = vector.load %arg5[%get3A_16, %get3A_17] : memref<2000x32xf32, #tpu.memory_space<vmem>>, vector<2000x32xf32>
    %add3A_19 = arith.addf %div3A_15, %get3A_18 : vector<2000x32xf32>
    %swap3A = arith.constant 0 : index
    %swap3A_20 = arith.constant 0 : index
    %swap3A_21 = vector.load %arg6[%swap3A, %swap3A_20] : memref<2000x32xf32, #tpu.memory_space<vmem>>, vector<2000x32xf32>
    tpu.vector_store %arg6[%swap3A, %swap3A_20], %add3A_19 {strides = array<i32>} : memref<2000x32xf32, #tpu.memory_space<vmem>>, vector<2000x32xf32>,
    return
  }
  func.func @transform_0(%arg0: i32) -> (i32, i32) {
    %c0_i32 = arith.constant 0 : i32
    %c0_i32_0 = arith.constant 0 : i32
    return %arg0, %c0_i32 : i32, i32
  }
  func.func @transform_1(%arg0: i32) -> (i32, i32) {
    %c0_i32 = arith.constant 0 : i32
    %c0_i32_0 = arith.constant 0 : i32
    return %arg0, %c0_i32 : i32, i32
  }
  func.func @transform_2(%arg0: i32) -> (i32, i32) {
    %c0_i32 = arith.constant 0 : i32
    %c0_i32_0 = arith.constant 0 : i32
    return %arg0, %c0_i32 : i32, i32
  }
  func.func @transform_3(%arg0: i32) -> (i32, i32) {
    %c0_i32 = arith.constant 0 : i32
    %c0_i32_0 = arith.constant 0 : i32
    return %arg0, %c0_i32 : i32, i32
  }
  func.func @transform_4(%arg0: i32) -> (i32, i32) {
    %c0_i32 = arith.constant 0 : i32
    %c0_i32_0 = arith.constant 0 : i32
    return %arg0, %c0_i32 : i32, i32
  }
  func.func @transform_5(%arg0: i32) -> (i32, i32) {
    %c0_i32 = arith.constant 0 : i32
    %c0_i32_0 = arith.constant 0 : i32
    return %arg0, %c0_i32 : i32, i32
  }
}

</mosaic_0001>

<sc_bundles>
// kernel: kernel.10.cloned.1.call-start
scs
__scs_entry_jumppad:
0x0: {  	(pc) =	sbr.rel $0x88, $3  }
0x1: {  	(tag) =	ssettag $0x0;
	lr =	simm.s32 $0x1  }
0x2: {  	[smem:$0x3F9A] =	sst lr;
	_ =	strace $0xD0000000  }
0x3: {  	_ = 	snop  }
0x4: {  	_ = 	snop  }
0x5: {  	_ = 	snop  }
0x6: {  	_ = 	snop  }
0x7: {  	_ = 	snop  }
__scs_overlays_trampoline_lowered:
0x8: {  	[smem:$0x3FA9] =	sst s0  }
0x9: {  	[smem:$0x3FAA] =	sst s1  }
0xa: {  	[smem:$0x3FAB] =	sst s2  }
0xb: {  	[smem:$0x3FAC] =	sst s3  }
0xc: {  	[smem:$0x3FAD] =	sst s4  }
0xd: {  	[smem:$0x3FAE] =	sst s5  }
0xe: {  	[smem:$0x3FAF] =	sst s6  }
0xf: {  	[smem:$0x3FB0] =	sst s7  }
0x10: {  	[smem:$0x3FB1] =	sst s8  }
0x11: {  	[smem:$0x3FB2] =	sst s9;
	s0 =	simm.s32 @!p0 $0x0  }
0x12: {  	s1 =	sld [smem:$0x3F98];
	s0 =	simm.s32 @p0 $0x1  }
0x13: {  	[smem:$0x3FB3] =	sst s0;
	s0 =	simm.s32 @!p1 $0x0  }
0x14: {  	s2 =	sld [smem:$0x3F97];
	s0 =	simm.s32 @p1 $0x1  }
0x15: {  	[smem:$0x3FB4] =	sst s0;
	s0 =	simm.s32 @!p2 $0x0  }
0x16: {  	s3 =	sld [smem:$0x3FDB];
	s0 =	simm.s32 @p2 $0x1  }
0x17: {  	s4 =	simm.s32 $0x1BF5;
	[smem:$0x3FB6] =	sst s0  }
0x18: {  	s0 =	sld [smem:$0x3F99];
	_ =	swait.ge [sflag:s4], $0x0  }
0x19: {  	s7 =	sld [smem:$0x3F9A]  }
0x1a: {  	s8 =	sadd.s32 $0xFFFFE003, lr  }
0x1b: {  	s9 =	sadd.s32 $0xFFFFFEF7, lr;
	s5 =	simm.s32 $0xFFFFFFFF;
	p2 =	slt.u32 s8, $0xFFFFF086  }
0x1c: {  	p1 =	slt.u32 s9, $0xF7A;
	s5 =	simm.s32 @!p2 $0x0  }
0x1d: {  	s5 =	simm.s32 @p1 $0x1;
	p0 =	seq.s32 s7, s2  }
0x1e: {  	s7 =	smul.u32 @!p0 $0xF7A, s2;
	p2 =	seq.s32 @!p0 s5, $0x0  }
0x1f: {  	s9 =	smul.u32 $0xF7A, s1;
	s8 =	simm.s32 @!p0 $0x1BF5;
	p2 =	por !p2, p0  }
0x20: {  	[sflag:s8] =	ssyncset.s32 @!p0 $0xFFFFF086;
	s6 =	sadd.s32 @!p0 s3, s7;
	s7 =	simm.s32 @!p0 $0x108  }
0x21: {  	s3 =	sadd.s32 s3, s9;
	s6 =	sadd.s32 @!p0 $0x88, s6;
	s7 =	simm.s32 @p2 $0x1082  }
0x22: {  	[simem:s7], [sflag:s8] =	dma.local @!p0 [hbm:s6], $0xF7A  }
0x23: {  	s9 =	sor.u32 $0xD0000000, s2;
	s6 =	simm.s32 $0x108;
	_ =	swait.ge @!p0 [sflag:s8], $0x0  }
0x24: {  	s3 =	sadd.s32 $0x88, s3;
	s6 =	simm.s32 @!p1 $0x1082;
	[sflag:s4] =	ssyncset.s32 $0xFFFFF086  }
0x25: {  	[simem:s6], [sflag:s4] =	dma.local [hbm:s3], $0xF7A  }
0x26: {  	[smem:$0x3F9A] =	sst s1;
	(tag) =	ssettag s2;
	_ =	strace s9  }
0x27: {  	s1 =	sld [smem:$0x3FAA]  }
0x28: {  	s2 =	sld [smem:$0x3FAB]  }
0x29: {  	s4 =	sld [smem:$0x3FAD]  }
0x2a: {  	p0 =	seq.s32 s5, $0x0;
	s5 =	sld [smem:$0x3FAE]  }
0x2b: {  	s6 =	sld [smem:$0x3FAF]  }
0x2c: {  	s7 =	sld [smem:$0x3FB0]  }
0x2d: {  	s3 =	simm.s32 $0x108;
	s8 =	sld [smem:$0x3FB1]  }
0x2e: {  	s3 =	simm.s32 @!p0 $0x1082;
	s9 =	sld [smem:$0x3FB2]  }
0x2f: {  	lr =	sadd.s32 s0, s3;
	s0 =	sld [smem:$0x3FA9]  }
0x30: {  	s3 =	sld [smem:$0x3FAC]  }
0x31: {  	[smem:$0x3FB5] =	sst s10  }
0x32: {  	s10 =	sld [smem:$0x3FB3];
	_ =	sdelay $0x3  }
0x33: {  	p0 =	seq.s32 s10, $0x1;
	s10 =	sld [smem:$0x3FB5];
	_ =	sdelay $0x3  }
0x34: {  	[smem:$0x3FB5] =	sst s10  }
0x35: {  	s10 =	sld [smem:$0x3FB4];
	_ =	sdelay $0x3  }
0x36: {  	p1 =	seq.s32 s10, $0x1;
	s10 =	sld [smem:$0x3FB5];
	_ =	sdelay $0x3  }
0x37: {  	[smem:$0x3FB5] =	sst s10  }
0x38: {  	s10 =	sld [smem:$0x3FB6]  }
0x39: {  	_ = 	snop;
	(pc) =	sbr.ind lr, $3  }
0x3a: {  	_ = 	snop  }
0x3b: {  	_ = 	snop  }
0x3c: {  	p2 =	seq.s32 s10, $0x1;
	s10 =	sld [smem:$0x3FB5]  }
0x3d: {  	_ =	shalt  }
0x3e: {  	_ =	shalt  }
0x3f: {  	_ =	shalt  }
0x40: {  	_ =	shalt  }
0x41: {  	_ =	shalt  }
0x42: {  	_ =	shalt  }
0x43: {  	_ =	shalt  }
0x44: {  	_ =	shalt  }
0x45: {  	_ =	shalt  }
0x46: {  	_ =	shalt  }
0x47: {  	_ =	shalt  }
0x48: {  	_ =	shalt  }
0x49: {  	_ =	shalt  }
0x4a: {  	_ =	shalt  }
0x4b: {  	_ =	shalt  }
0x4c: {  	_ =	shalt  }
0x4d: {  	_ =	shalt  }
0x4e: {  	_ =	shalt  }
0x4f: {  	_ =	shalt  }
0x50: {  	_ =	shalt  }
0x51: {  	_ =	shalt  }
0x52: {  	_ =	shalt  }
0x53: {  	_ =	shalt  }
0x54: {  	_ =	shalt  }
0x55: {  	_ =	shalt  }
0x56: {  	_ =	shalt  }
0x57: {  	_ =	shalt  }
0x58: {  	_ =	shalt  }
0x59: {  	_ =	shalt  }
0x5a: {  	_ =	shalt  }
0x5b: {  	_ =	shalt  }
0x5c: {  	_ =	shalt  }
0x5d: {  	_ =	shalt  }
0x5e: {  	_ =	shalt  }
0x5f: {  	_ =	shalt  }
0x60: {  	_ =	shalt  }
0x61: {  	_ =	shalt  }
0x62: {  	_ =	shalt  }
0x63: {  	_ =	shalt  }
0x64: {  	_ =	shalt  }
0x65: {  	_ =	shalt  }
0x66: {  	_ =	shalt  }
0x67: {  	_ =	shalt  }
0x68: {  	_ =	shalt  }
0x69: {  	_ =	shalt  }
0x6a: {  	_ =	shalt  }
0x6b: {  	_ =	shalt  }
0x6c: {  	_ =	shalt  }
0x6d: {  	_ =	shalt  }
0x6e: {  	_ =	shalt  }
0x6f: {  	_ =	shalt  }
0x70: {  	_ =	shalt  }
0x71: {  	_ =	shalt  }
0x72: {  	_ =	shalt  }
0x73: {  	_ =	shalt  }
0x74: {  	_ =	shalt  }
0x75: {  	_ =	shalt  }
0x76: {  	_ =	shalt  }
0x77: {  	_ =	shalt  }
0x78: {  	_ =	shalt  }
0x79: {  	_ =	shalt  }
0x7a: {  	_ =	shalt  }
0x7b: {  	_ =	shalt  }
0x7c: {  	_ =	shalt  }
0x7d: {  	_ =	shalt  }
0x7e: {  	_ =	shalt  }
0x7f: {  	_ =	shalt  }
0x80: {  	_ =	shalt  }
0x81: {  	_ =	shalt  }
0x82: {  	_ =	shalt  }
0x83: {  	_ =	shalt  }
0x84: {  	_ =	shalt  }
0x85: {  	_ =	shalt  }
0x86: {  	_ =	shalt  }
0x87: {  	_ =	shalt  }
.Lfunc_end0:
.L_simem_size_0:
called_computation.1_lowered:
.L_overlay_start_0:
0x88: {  	s2 =	sld [smem:$0x3FD9]  }
0x89: {  	s3 =	sld [smem:$0x3FFE];
	_ =	sdelay $0x1  }
0x8a: {  	s1 =	srdreg.scid  }
0x8b: {  	s0 =	sand.u32 $0x1, s1  }
0x8c: {  	s16 =	sshll.u32 s0, $0xA;
	s2 =	sadd.s32 s3, s2  }
0x8d: {  	s2 =	sadd.s32 s2, s16  }
0x8e: {  	[smem:$0x3FC1] =	sst s2  }
0x8f: {  	_ = 	snop  }
0x90: {  	(tm) =	ssettm $0x1  }
0x91: {  	s17 =	sld [smem:$0x3FFB];
	_ =	sdelay $0x3  }
0x92: {  	_ =	strace s17  }
0x93: {  	s2 =	sld [smem:$0x3FFC];
	_ =	sdelay $0x3  }
0x94: {  	_ =	strace s2  }
0x95: {  	s2 =	sld [smem:$0x3FFD];
	_ =	sdelay $0x3  }
0x96: {  	_ =	strace s2  }
0x97: {  	_ =	strace $0x8FFFFFFF  }
0x98: {  	s18 =	sld [smem:$0x3FDB];
	_ =	sdelay $0x1  }
0x99: {  	s19 =	simm.s32 $_scs_section_size  }
0x9a: {  	s4 =	simm.s32 $_size__tile_overlayer_lowered;
	s5 =	simm.s32 $_tile_overlayer_lowered  }
0x9b: {  	s22 =	simm.s32 $0x1BFF;
	s21 =	sshll.u32 s5, $0x1;
	s2 =	sadd.s32 s19, s18  }
0x9c: {  	s6 =	simm.s32 $0x0;
	s20 =	sshll.u32 s4, $0x1;
	s4 =	sadd.s32 s21, s2  }
0x9d: {  	[timem:s6], [sflag:s22] =	dma.local [hbm:s4], s20  }
0x9e: {  	_ =	swait.ge [sflag:s22], s20  }
0x9f: {  	s3 =	ssub.s32 $0x0, s20;
	[sflag:s22] =	ssyncset.done $0x0  }
0xa0: {  	[sflag:s22] =	ssyncadd.s32 s3;
	_ =	sdelay $0x1  }
0xa1: {  	s23 =	simm.s32 $0x1B8B  }
0xa2: {  	_ =	swait.ge [sflag:s23], $0x1  }
0xa3: {  	[sflag:s23] =	ssyncset.done $0x0  }
0xa4: {  	s25 =	simm.s32 $0x1B8E;
	s24 =	sld [smem:$0x3FFE];
	[sflag:s23] =	ssyncadd.s32 $0xFFFFFFFF  }
0xa5: {  	s26 =	simm.s32 $execute0_lowered;
	[smem:$0x3FD2] =	sst s25  }
0xa6: {  	s4 =	sshll.u32 s26, $0x1;
	_ =	strace $0x80000049;
	[dreg:$0x1] =	wrdreg $0xFFFFFFFF  }
0xa7: {  	s28 =	simm.s32 $_size_execute0_lowered;
	s2 =	sadd.s32 s2, s4;
	[dreg:$0x0] =	wrdreg $0x0  }
0xa8: {  	s4 =	sshll.u32 s28, $0x1;
	[dreg:$0x2] =	wrdreg s2  }
0xa9: {  	[dreg:$0x3] =	wrdreg s4  }
0xaa: {  	[dreg:$0x4] =	wrdreg $0xC0  }
0xab: {  	_ =	task [dreg:s6], $0x5FFFF  }
0xac: {  	[dreg:$0x1] =	wrdreg $0xFFFFFFFF  }
0xad: {  	[dreg:$0x0] =	wrdreg $0x60  }
0xae: {  	[dreg:$0x2] =	wrdreg s24  }
0xaf: {  	[dreg:$0x3] =	wrdreg $0x9E200  }
0xb0: {  	[dreg:$0x4] =	wrdreg $0x9  }
0xb1: {  	_ =	task.clear_ibuf [dreg:s6], $0x5FFFF;
	_ =	strace $0x90000049  }
0xb2: {  	s29 =	simm.s32 $0x9;
	_ =	strace $0x8000004B  }
0xb3: {  	_ =	swait.ge [sflag:s29], $0x1  }
0xb4: {  	[sflag:s29] =	ssyncadd.s32 $0xFFFFFFFF  }
0xb5: {  	_ =	strace $0x9000004B  }
0xb6: {  	_ =	sfence  }
0xb7: {  	s30 =	sld [smem:$0x0];
	_ =	sdelay $0x2  }
0xb8: {  	s31 =	sshll.u32 s1, $0xD;
	s1 =	sshrl.u32 s1, $0x2  }
0xb9: {  	s3 =	sand.u32 $0x4000, s31;
	s1 =	sadd.s32 s1, s30  }
0xba: {  	s0 =	sor.u32 s3, s0;
	s1 =	sshll.u32 s1, $0x11  }
0xbb: {  	s0 =	sor.u32 s1, s0  }
0xbc: {  	s0 =	sadd.s32 $0x8F2B, s0  }
0xbd: {  	[sflag:s0] =	ssyncadd.remote.s32 $0x1  }
0xbe: {  	_ =	sfence.sel $0xFFFF  }
0xbf: {  	[dreg:$0x0] =	wrdreg $0xFFFFFFFF;
	(pc) =	sbr.abs _section_cstart, $3  }
0xc0: {  	[dreg:$0x1] =	wrdreg $0xFFFFFFFF  }
0xc1: {  	_ =	task.clear_ibuf [dreg:s6], $0x2FFFF;
	_ =	strace $0x9FFFFFFF  }
0xc2: {  	(tm) =	ssettm $0x7FFFFFFF  }
0xc3: {  	_ =	shalt  }
tec
execute0_lowered:
.L_overlay_start_1:
0x0: {  	(tag) =	ssettag $0x1  }
0x1: {  	s0 =	srdreg.scid;
	s1 =	rddreg [dreg:$0x0]  }
0x2: {  	s8 =	stileid.u32;
	s2 =	rddreg [dreg:$0x1]  }
0x3: {  	s4 =	simm.s32 $0x0;
	s11 =	simm.s32 $0xC;
	s13 =	simm.s32 $0x7D  }
0x4: {  	s14 =	simm.s32 $0x5000;
	s15 =	simm.s32 $0x57D0;
	s16 =	simm.s32 $0x5FA0  }
0x5: {  	s17 =	simm.s32 $0x6770;
	s18 =	simm.s32 $0x6F40;
	s19 =	simm.s32 $0x7710  }
0x6: {  	s28 =	simm.s32 $0x3;
	s29 =	simm.s32 $0x4;
	s30 =	simm.s32 $0x5  }
0x7: {  	s31 =	simm.s32 $0x6;
	s12 =	simm.s32 $0x9;
	s0 =	sand.u32 $0x1, s0  }
0x8: {  	[smem:$0x7FF] =	sst s4;
	s6 =	smul.u32 $0x5000, s8;
	s4 =	sadd.s32 $0x3EA00, s1  }
0x9: {  	s7 =	sadd.s32 $0x79C00, s1;
	s23 =	sshll.u32 s8, $0x6;
	s3 =	sshll.u32 s0, $0x4  }
0xa: {  	s5 =	smul.u32 $0x5000, s0;
	_ =	strace $0x8000004A;
	[dreg:$0x3] =	wrdreg s7  }
0xb: {  	s0 =	ssub.s32 $0x2, s0;
	s7 =	simm.s32 $0x0;
	s3 =	sor.u32 s8, s3  }
0xc: {  	s20 =	sshrl.u32 s0, $0x1;
	s21 =	sshrl.u32 s6, $0x1;
	s8 =	sor.u32 $0x1C0C, s23  }
0xd: {  	s25 =	sshrl.u32 s6, $0x4;
	s23 =	simm.s32 $0x9650;
	s3 =	smul.u32 $0x500, s3  }
0xe: {  	s0 =	ssub.s32 s0, s20;
	s22 =	sadd.s32 s21, s2;
	s20 =	simm.s32 $0x7EE0  }
0xf: {  	s21 =	simm.s32 $0x86B0;
	[dreg:$0x7] =	wrdreg s8;
	s0 =	smax.u32 s0, $0x1  }
0x10: {  	s9 =	sshrl.u32 s22, $0x3;
	s22 =	simm.s32 $0x8E80;
	s3 =	sadd.s32 s3, s1  }
0x11: {  	s1 =	sadd.s32 s5, s1;
	[dreg:$0x6] =	wrdreg s0;
	s24 =	sadd.s32 $0x2A00, s3  }
0x12: {  	s0 =	simm.s32 $0x8;
	s3 =	sadd.s32 $0xCA00, s3;
	[dreg:$0x4] =	wrdreg s24  }
0x13: {  	s5 =	simm.s32 $0xB;
	s1 =	sadd.s32 $0x65C00, s1;
	[dreg:$0x5] =	wrdreg s3  }
0x14: {  	s26 =	sadd.s32 s25, s1;
	s25 =	simm.s32 $0x1;
	s1 =	simm.s32 $0x7  }
0x15: {  	s3 =	simm.s32 $0xA;
	[dreg:$0x8] =	wrdreg s26;
	s26 =	simm.s32 $0x2  }
.LBB2_1:
0x16: {  	s6 =	rddreg [dreg:$0x3]  }
0x17: {  	[spmem:s9], [sflag:s8] =	dma.local [hbm:s6], $0x500  }
0x18: {  	_ =	swait.ge [sflag:s11], $0x500  }
0x19: {  	[sflag:s11] =	ssyncset.done $0x0  }
0x1a: {  	s6 =	simm.s32 $0x0;
	s24 =	rddreg [dreg:$0x4];
	[sflag:s11] =	ssyncadd.s32 $0xFFFFFB00  }
0x1b: {  	[tilespmem:s6], [sflag:$0xC] =	stream.linear.gather [hbm4b:s24+s6], $0x2800, $0x38;
	[tilespmem:$0xC620] =	vst v63  }
0x1c: {  	_ =	swait.ge [sflag:s11], $0x2800  }
0x1d: {  	s10 =	smov.u32 s9;
	[sflag:s11] =	ssyncset.done $0x0  }
0x1e: {  	s24 =	simm.s32 $0x2800;
	s9 =	rddreg [dreg:$0x5];
	[sflag:s11] =	ssyncadd.s32 $0xFFFFD800  }
0x1f: {  	[tilespmem:s24], [sflag:$0xC] =	stream.linear.gather [hbm4b:s9+s6], $0x2800, $0x38;
	[tilespmem:$0xC620] =	vst v63  }
0x20: {  	_ =	swait.ge [sflag:s11], $0x2800  }
0x21: {  	[sflag:s11] =	ssyncset.done $0x0  }
0x22: {  	[sflag:s11] =	ssyncadd.s32 $0xFFFFD800  }
0x23: {  	s9 =	simm.s32 $0x0;
	[bflag:$0x0] =	sbarrier.arrive $0xFFFF  }
0x24: {  	[tilespmem:s14], [sflag:$0x1] =	stream.indirect.gather [hbm4b:s4+s13], $0x10, s9, s13, $0xb8;
	[tilespmem:$0xC620] =	vst v63  }
0x25: {  	s24 =	simm.s32 $0x80  }
0x26: {  	[tilespmem:s15], [sflag:$0x2] =	stream.indirect.gather [hbm4b:s4+s13], $0x10, s24, s13, $0xb8;
	[tilespmem:$0xC620] =	vst v63  }
0x27: {  	s8 =	simm.s32 $0x100  }
0x28: {  	[tilespmem:s16], [sflag:$0x3] =	stream.indirect.gather [hbm4b:s4+s13], $0x10, s8, s13, $0xb8;
	[tilespmem:$0xC620] =	vst v63  }
0x29: {  	s9 =	simm.s32 $0x180  }
0x2a: {  	[tilespmem:s17], [sflag:$0x4] =	stream.indirect.gather [hbm4b:s4+s13], $0x10, s9, s13, $0xb8;
	[tilespmem:$0xC620] =	vst v63  }
0x2b: {  	s24 =	simm.s32 $0x200  }
0x2c: {  	[tilespmem:s18], [sflag:$0x5] =	stream.indirect.gather [hbm4b:s4+s13], $0x10, s24, s13, $0xb8;
	[tilespmem:$0xC620] =	vst v63  }
0x2d: {  	s8 =	simm.s32 $0x280  }
0x2e: {  	[tilespmem:s19], [sflag:$0x6] =	stream.indirect.gather [hbm4b:s4+s13], $0x10, s8, s13, $0xb8;
	[tilespmem:$0xC620] =	vst v63  }
0x2f: {  	s9 =	simm.s32 $0x300  }
0x30: {  	[tilespmem:s20], [sflag:$0x7] =	stream.indirect.gather [hbm4b:s4+s13], $0x10, s9, s13, $0xb8;
	[tilespmem:$0xC620] =	vst v63  }
0x31: {  	s24 =	simm.s32 $0x380  }
0x32: {  	[tilespmem:s21], [sflag:$0x8] =	stream.indirect.gather [hbm4b:s4+s13], $0x10, s24, s13, $0xb8;
	[tilespmem:$0xC620] =	vst v63  }
0x33: {  	s8 =	simm.s32 $0x400  }
0x34: {  	[tilespmem:s22], [sflag:$0x9] =	stream.indirect.gather [hbm4b:s4+s13], $0x10, s8, s13, $0xb8;
	[tilespmem:$0xC620] =	vst v63  }
0x35: {  	s9 =	simm.s32 $0x480  }
0x36: {  	[tilespmem:s23], [sflag:$0xA] =	stream.indirect.gather [hbm4b:s4+s13], $0x10, s9, s13, $0xb8;
	[tilespmem:$0xC620] =	vst v63  }
0x37: {  	_ =	swait.ge [sflag:s25], $0x7D0  }
0x38: {  	[sflag:s25] =	ssyncset.done $0x0  }
0x39: {  	s24 =	simm.s32 $0x2800;
	[sflag:s25] =	ssyncadd.s32 $0xFFFFF830  }
0x3a: {  	[spmem:s2] =	stream.indirect.scatter.add.bf16 [tilespmem:s14], [sflag:$0xB], $0x10, s24, s13, $0xb8;
	[tilespmem:$0xC620] =	vst v63  }
0x3b: {  	_ =	swait.ge [sflag:s26], $0x7D0  }
0x3c: {  	[sflag:s26] =	ssyncset.done $0x0  }
0x3d: {  	s8 =	simm.s32 $0x2880;
	[sflag:s26] =	ssyncadd.s32 $0xFFFFF830  }
0x3e: {  	[spmem:s2] =	stream.indirect.scatter.add.bf16 [tilespmem:s15], [sflag:$0xB], $0x10, s8, s13, $0xb8;
	[tilespmem:$0xC620] =	vst v63  }
0x3f: {  	_ =	swait.ge [sflag:s28], $0x7D0  }
0x40: {  	[sflag:s28] =	ssyncset.done $0x0  }
0x41: {  	s9 =	simm.s32 $0x2900;
	[sflag:s28] =	ssyncadd.s32 $0xFFFFF830  }
0x42: {  	[spmem:s2] =	stream.indirect.scatter.add.bf16 [tilespmem:s16], [sflag:$0xB], $0x10, s9, s13, $0xb8;
	[tilespmem:$0xC620] =	vst v63  }
0x43: {  	_ =	swait.ge [sflag:s29], $0x7D0  }
0x44: {  	[sflag:s29] =	ssyncset.done $0x0  }
0x45: {  	s24 =	simm.s32 $0x2980;
	[sflag:s29] =	ssyncadd.s32 $0xFFFFF830  }
0x46: {  	[spmem:s2] =	stream.indirect.scatter.add.bf16 [tilespmem:s17], [sflag:$0xB], $0x10, s24, s13, $0xb8;
	[tilespmem:$0xC620] =	vst v63  }
0x47: {  	_ =	swait.ge [sflag:s30], $0x7D0  }
0x48: {  	[sflag:s30] =	ssyncset.done $0x0  }
0x49: {  	s8 =	simm.s32 $0x2A00;
	[sflag:s30] =	ssyncadd.s32 $0xFFFFF830  }
0x4a: {  	[spmem:s2] =	stream.indirect.scatter.add.bf16 [tilespmem:s18], [sflag:$0xB], $0x10, s8, s13, $0xb8;
	[tilespmem:$0xC620] =	vst v63  }
0x4b: {  	_ =	swait.ge [sflag:s31], $0x7D0  }
0x4c: {  	[sflag:s31] =	ssyncset.done $0x0  }
0x4d: {  	s9 =	simm.s32 $0x2A80;
	[sflag:s31] =	ssyncadd.s32 $0xFFFFF830  }
0x4e: {  	[spmem:s2] =	stream.indirect.scatter.add.bf16 [tilespmem:s19], [sflag:$0xB], $0x10, s9, s13, $0xb8;
	[tilespmem:$0xC620] =	vst v63  }
0x4f: {  	_ =	swait.ge [sflag:s1], $0x7D0  }
0x50: {  	[sflag:s1] =	ssyncset.done $0x0  }
0x51: {  	s24 =	simm.s32 $0x2B00;
	[sflag:s1] =	ssyncadd.s32 $0xFFFFF830  }
0x52: {  	[spmem:s2] =	stream.indirect.scatter.add.bf16 [tilespmem:s20], [sflag:$0xB], $0x10, s24, s13, $0xb8;
	[tilespmem:$0xC620] =	vst v63  }
0x53: {  	_ =	swait.ge [sflag:s0], $0x7D0  }
0x54: {  	[sflag:s0] =	ssyncset.done $0x0  }
0x55: {  	s8 =	simm.s32 $0x2B80;
	[sflag:s0] =	ssyncadd.s32 $0xFFFFF830  }
0x56: {  	[spmem:s2] =	stream.indirect.scatter.add.bf16 [tilespmem:s21], [sflag:$0xB], $0x10, s8, s13, $0xb8;
	[tilespmem:$0xC620] =	vst v63  }
0x57: {  	_ =	swait.ge [sflag:s12], $0x7D0  }
0x58: {  	[sflag:s12] =	ssyncset.done $0x0  }
0x59: {  	s9 =	simm.s32 $0x2C00;
	[sflag:s12] =	ssyncadd.s32 $0xFFFFF830  }
0x5a: {  	[spmem:s2] =	stream.indirect.scatter.add.bf16 [tilespmem:s22], [sflag:$0xB], $0x10, s9, s13, $0xb8;
	[tilespmem:$0xC620] =	vst v63  }
0x5b: {  	_ =	swait.ge [sflag:s3], $0x7D0  }
0x5c: {  	[sflag:s3] =	ssyncset.done $0x0  }
0x5d: {  	s24 =	simm.s32 $0x2C80;
	[sflag:s3] =	ssyncadd.s32 $0xFFFFF830  }
0x5e: {  	[spmem:s2] =	stream.indirect.scatter.add.bf16 [tilespmem:s23], [sflag:$0xB], $0x10, s24, s13, $0xb8;
	[tilespmem:$0xC620] =	vst v63  }
0x5f: {  	_ =	swait.ge [sflag:s5], $0x7D0  }
0x60: {  	[sflag:s5] =	ssyncset.done $0x0  }
0x61: {  	[sflag:s5] =	ssyncadd.s32 $0xFFFFF830  }
0x62: {  	_ =	swait.ge [sflag:s5], $0x7D0  }
0x63: {  	[sflag:s5] =	ssyncset.done $0x0  }
0x64: {  	[sflag:s5] =	ssyncadd.s32 $0xFFFFF830  }
0x65: {  	_ =	swait.ge [sflag:s5], $0x7D0  }
0x66: {  	[sflag:s5] =	ssyncset.done $0x0  }
0x67: {  	[sflag:s5] =	ssyncadd.s32 $0xFFFFF830  }
0x68: {  	_ =	swait.ge [sflag:s5], $0x7D0  }
0x69: {  	[sflag:s5] =	ssyncset.done $0x0  }
0x6a: {  	[sflag:s5] =	ssyncadd.s32 $0xFFFFF830  }
0x6b: {  	_ =	swait.ge [sflag:s5], $0x7D0  }
0x6c: {  	[sflag:s5] =	ssyncset.done $0x0  }
0x6d: {  	[sflag:s5] =	ssyncadd.s32 $0xFFFFF830  }
0x6e: {  	_ =	swait.ge [sflag:s5], $0x7D0  }
0x6f: {  	[sflag:s5] =	ssyncset.done $0x0  }
0x70: {  	[sflag:s5] =	ssyncadd.s32 $0xFFFFF830  }
0x71: {  	_ =	swait.ge [sflag:s5], $0x7D0  }
0x72: {  	[sflag:s5] =	ssyncset.done $0x0  }
0x73: {  	[sflag:s5] =	ssyncadd.s32 $0xFFFFF830  }
0x74: {  	_ =	swait.ge [sflag:s5], $0x7D0  }
0x75: {  	[sflag:s5] =	ssyncset.done $0x0  }
0x76: {  	[sflag:s5] =	ssyncadd.s32 $0xFFFFF830  }
0x77: {  	_ =	swait.ge [sflag:s5], $0x7D0  }
0x78: {  	[sflag:s5] =	ssyncset.done $0x0  }
0x79: {  	[sflag:s5] =	ssyncadd.s32 $0xFFFFF830  }
0x7a: {  	_ =	swait.ge [sflag:s5], $0x7D0  }
0x7b: {  	s8 =	simm.s32 $0x1400;
	s9 =	simm.s32 $0x2800;
	[sflag:s5] =	ssyncset.done $0x0  }
.LBB2_2:
0x7c: {  	s24 =	sshra.s32 s8, $0x2  }
0x7d: {  	[sflag:s5] =	ssyncadd.s32 $0xFFFFF830;
	s8 =	smov.u32 s9;
	s6 =	sadd.s32 $0x1400, s9  }
0x7e: {  	[tilespmem:s14], [sflag:$0x1] =	stream.indirect.gather [hbm4b:s4+s13], $0x10, s24, s13, $0xb8;
	[tilespmem:$0xC620] =	vst v63  }
0x7f: {  	p0 =	sne.s32 s9, $0x8C00;
	s9 =	sadd.s32 $0x80, s24  }
0x80: {  	[tilespmem:s15], [sflag:$0x2] =	stream.indirect.gather [hbm4b:s4+s13], $0x10, s9, s13, $0xb8;
	[tilespmem:$0xC620] =	vst v63  }
0x81: {  	s9 =	sadd.s32 $0x100, s24  }
0x82: {  	[tilespmem:s16], [sflag:$0x3] =	stream.indirect.gather [hbm4b:s4+s13], $0x10, s9, s13, $0xb8;
	[tilespmem:$0xC620] =	vst v63  }
0x83: {  	s9 =	sadd.s32 $0x180, s24  }
0x84: {  	[tilespmem:s17], [sflag:$0x4] =	stream.indirect.gather [hbm4b:s4+s13], $0x10, s9, s13, $0xb8;
	[tilespmem:$0xC620] =	vst v63  }
0x85: {  	s9 =	sadd.s32 $0x200, s24  }
0x86: {  	[tilespmem:s18], [sflag:$0x5] =	stream.indirect.gather [hbm4b:s4+s13], $0x10, s9, s13, $0xb8;
	[tilespmem:$0xC620] =	vst v63  }
0x87: {  	s9 =	sadd.s32 $0x280, s24  }
0x88: {  	[tilespmem:s19], [sflag:$0x6] =	stream.indirect.gather [hbm4b:s4+s13], $0x10, s9, s13, $0xb8;
	[tilespmem:$0xC620] =	vst v63  }
0x89: {  	s9 =	sadd.s32 $0x300, s24  }
0x8a: {  	[tilespmem:s20], [sflag:$0x7] =	stream.indirect.gather [hbm4b:s4+s13], $0x10, s9, s13, $0xb8;
	[tilespmem:$0xC620] =	vst v63  }
0x8b: {  	s9 =	sadd.s32 $0x380, s24  }
0x8c: {  	[tilespmem:s21], [sflag:$0x8] =	stream.indirect.gather [hbm4b:s4+s13], $0x10, s9, s13, $0xb8;
	[tilespmem:$0xC620] =	vst v63  }
0x8d: {  	s9 =	sadd.s32 $0x400, s24  }
0x8e: {  	[tilespmem:s22], [sflag:$0x9] =	stream.indirect.gather [hbm4b:s4+s13], $0x10, s9, s13, $0xb8;
	[tilespmem:$0xC620] =	vst v63  }
0x8f: {  	s9 =	sadd.s32 $0x480, s24  }
0x90: {  	[tilespmem:s23], [sflag:$0xA] =	stream.indirect.gather [hbm4b:s4+s13], $0x10, s9, s13, $0xb8;
	[tilespmem:$0xC620] =	vst v63  }
0x91: {  	_ =	swait.ge [sflag:s25], $0x7D0  }
0x92: {  	[sflag:s25] =	ssyncset.done $0x0  }
0x93: {  	s9 =	sadd.s32 $0x2800, s24;
	[sflag:s25] =	ssyncadd.s32 $0xFFFFF830  }
0x94: {  	[spmem:s2] =	stream.indirect.scatter.add.bf16 [tilespmem:s14], [sflag:$0xB], $0x10, s9, s13, $0xb8;
	[tilespmem:$0xC620] =	vst v63  }
0x95: {  	_ =	swait.ge [sflag:s26], $0x7D0  }
0x96: {  	[sflag:s26] =	ssyncset.done $0x0  }
0x97: {  	s9 =	sadd.s32 $0x2880, s24;
	[sflag:s26] =	ssyncadd.s32 $0xFFFFF830  }
0x98: {  	[spmem:s2] =	stream.indirect.scatter.add.bf16 [tilespmem:s15], [sflag:$0xB], $0x10, s9, s13, $0xb8;
	[tilespmem:$0xC620] =	vst v63  }
0x99: {  	_ =	swait.ge [sflag:s28], $0x7D0  }
0x9a: {  	[sflag:s28] =	ssyncset.done $0x0  }
0x9b: {  	s9 =	sadd.s32 $0x2900, s24;
	[sflag:s28] =	ssyncadd.s32 $0xFFFFF830  }
0x9c: {  	[spmem:s2] =	stream.indirect.scatter.add.bf16 [tilespmem:s16], [sflag:$0xB], $0x10, s9, s13, $0xb8;
	[tilespmem:$0xC620] =	vst v63  }
0x9d: {  	_ =	swait.ge [sflag:s29], $0x7D0  }
0x9e: {  	[sflag:s29] =	ssyncset.done $0x0  }
0x9f: {  	s9 =	sadd.s32 $0x2980, s24;
	[sflag:s29] =	ssyncadd.s32 $0xFFFFF830  }
0xa0: {  	[spmem:s2] =	stream.indirect.scatter.add.bf16 [tilespmem:s17], [sflag:$0xB], $0x10, s9, s13, $0xb8;
	[tilespmem:$0xC620] =	vst v63  }
0xa1: {  	_ =	swait.ge [sflag:s30], $0x7D0  }
0xa2: {  	[sflag:s30] =	ssyncset.done $0x0  }
0xa3: {  	s9 =	sadd.s32 $0x2A00, s24;
	[sflag:s30] =	ssyncadd.s32 $0xFFFFF830  }
0xa4: {  	[spmem:s2] =	stream.indirect.scatter.add.bf16 [tilespmem:s18], [sflag:$0xB], $0x10, s9, s13, $0xb8;
	[tilespmem:$0xC620] =	vst v63  }
0xa5: {  	_ =	swait.ge [sflag:s31], $0x7D0  }
0xa6: {  	[sflag:s31] =	ssyncset.done $0x0  }
0xa7: {  	s9 =	sadd.s32 $0x2A80, s24;
	[sflag:s31] =	ssyncadd.s32 $0xFFFFF830  }
0xa8: {  	[spmem:s2] =	stream.indirect.scatter.add.bf16 [tilespmem:s19], [sflag:$0xB], $0x10, s9, s13, $0xb8;
	[tilespmem:$0xC620] =	vst v63  }
0xa9: {  	_ =	swait.ge [sflag:s1], $0x7D0  }
0xaa: {  	[sflag:s1] =	ssyncset.done $0x0  }
0xab: {  	s9 =	sadd.s32 $0x2B00, s24;
	[sflag:s1] =	ssyncadd.s32 $0xFFFFF830  }
0xac: {  	[spmem:s2] =	stream.indirect.scatter.add.bf16 [tilespmem:s20], [sflag:$0xB], $0x10, s9, s13, $0xb8;
	[tilespmem:$0xC620] =	vst v63  }
0xad: {  	_ =	swait.ge [sflag:s0], $0x7D0  }
0xae: {  	[sflag:s0] =	ssyncset.done $0x0  }
0xaf: {  	s9 =	sadd.s32 $0x2B80, s24;
	[sflag:s0] =	ssyncadd.s32 $0xFFFFF830  }
0xb0: {  	[spmem:s2] =	stream.indirect.scatter.add.bf16 [tilespmem:s21], [sflag:$0xB], $0x10, s9, s13, $0xb8;
	[tilespmem:$0xC620] =	vst v63  }
0xb1: {  	_ =	swait.ge [sflag:s12], $0x7D0  }
0xb2: {  	[sflag:s12] =	ssyncset.done $0x0  }
0xb3: {  	s9 =	sadd.s32 $0x2C00, s24;
	[sflag:s12] =	ssyncadd.s32 $0xFFFFF830  }
0xb4: {  	[spmem:s2] =	stream.indirect.scatter.add.bf16 [tilespmem:s22], [sflag:$0xB], $0x10, s9, s13, $0xb8;
	[tilespmem:$0xC620] =	vst v63  }
0xb5: {  	_ =	swait.ge [sflag:s3], $0x7D0  }
0xb6: {  	[sflag:s3] =	ssyncset.done $0x0  }
0xb7: {  	s9 =	sadd.s32 $0x2C80, s24;
	[sflag:s3] =	ssyncadd.s32 $0xFFFFF830  }
0xb8: {  	[spmem:s2] =	stream.indirect.scatter.add.bf16 [tilespmem:s23], [sflag:$0xB], $0x10, s9, s13, $0xb8;
	[tilespmem:$0xC620] =	vst v63  }
0xb9: {  	_ =	swait.ge [sflag:s5], $0x7D0  }
0xba: {  	[sflag:s5] =	ssyncset.done $0x0  }
0xbb: {  	[sflag:s5] =	ssyncadd.s32 $0xFFFFF830  }
0xbc: {  	_ =	swait.ge [sflag:s5], $0x7D0  }
0xbd: {  	[sflag:s5] =	ssyncset.done $0x0  }
0xbe: {  	[sflag:s5] =	ssyncadd.s32 $0xFFFFF830  }
0xbf: {  	_ =	swait.ge [sflag:s5], $0x7D0  }
0xc0: {  	[sflag:s5] =	ssyncset.done $0x0  }
0xc1: {  	[sflag:s5] =	ssyncadd.s32 $0xFFFFF830  }
0xc2: {  	_ =	swait.ge [sflag:s5], $0x7D0  }
0xc3: {  	[sflag:s5] =	ssyncset.done $0x0  }
0xc4: {  	[sflag:s5] =	ssyncadd.s32 $0xFFFFF830  }
0xc5: {  	_ =	swait.ge [sflag:s5], $0x7D0  }
0xc6: {  	[sflag:s5] =	ssyncset.done $0x0  }
0xc7: {  	[sflag:s5] =	ssyncadd.s32 $0xFFFFF830  }
0xc8: {  	_ =	swait.ge [sflag:s5], $0x7D0  }
0xc9: {  	[sflag:s5] =	ssyncset.done $0x0  }
0xca: {  	[sflag:s5] =	ssyncadd.s32 $0xFFFFF830  }
0xcb: {  	_ =	swait.ge [sflag:s5], $0x7D0  }
0xcc: {  	[sflag:s5] =	ssyncset.done $0x0  }
0xcd: {  	[sflag:s5] =	ssyncadd.s32 $0xFFFFF830  }
0xce: {  	_ =	swait.ge [sflag:s5], $0x7D0  }
0xcf: {  	[sflag:s5] =	ssyncset.done $0x0  }
0xd0: {  	[sflag:s5] =	ssyncadd.s32 $0xFFFFF830  }
.Ltmp0:
0xd1: {  	_ =	swait.ge [sflag:s5], $0x7D0;
	(pc) =	sbr.rel @p0 .LBB2_2-.Ltmp0, $4  }
0xd2: {  	[sflag:s5] =	ssyncset.done $0x0  }
0xd3: {  	[sflag:s5] =	ssyncadd.s32 $0xFFFFF830  }
0xd4: {  	_ =	swait.ge [sflag:s5], $0x7D0  }
0xd5: {  	s9 =	smov.u32 s6;
	[sflag:s5] =	ssyncset.done $0x0  }
0xd6: {  	s8 =	sshra.s32 s8, $0x2;
	[sflag:s5] =	ssyncadd.s32 $0xFFFFF830  }
0xd7: {  	[tilespmem:s14], [sflag:$0x1] =	stream.indirect.gather [hbm4b:s4+s13], $0x10, s8, s13, $0xb8;
	[tilespmem:$0xC620] =	vst v63  }
0xd8: {  	s6 =	sadd.s32 $0x80, s8  }
0xd9: {  	[tilespmem:s15], [sflag:$0x2] =	stream.indirect.gather [hbm4b:s4+s13], $0x10, s6, s13, $0xb8;
	[tilespmem:$0xC620] =	vst v63  }
0xda: {  	s24 =	sadd.s32 $0x100, s8  }
0xdb: {  	[tilespmem:s16], [sflag:$0x3] =	stream.indirect.gather [hbm4b:s4+s13], $0x10, s24, s13, $0xb8;
	[tilespmem:$0xC620] =	vst v63  }
0xdc: {  	s9 =	sadd.s32 $0x180, s8  }
0xdd: {  	[tilespmem:s17], [sflag:$0x4] =	stream.indirect.gather [hbm4b:s4+s13], $0x10, s9, s13, $0xb8;
	[tilespmem:$0xC620] =	vst v63  }
0xde: {  	s24 =	sadd.s32 $0x200, s8  }
0xdf: {  	[tilespmem:s18], [sflag:$0x5] =	stream.indirect.gather [hbm4b:s4+s13], $0x10, s24, s13, $0xb8;
	[tilespmem:$0xC620] =	vst v63  }
0xe0: {  	s9 =	sadd.s32 $0x280, s8  }
0xe1: {  	[tilespmem:s19], [sflag:$0x6] =	stream.indirect.gather [hbm4b:s4+s13], $0x10, s9, s13, $0xb8;
	[tilespmem:$0xC620] =	vst v63  }
0xe2: {  	s24 =	sadd.s32 $0x300, s8  }
0xe3: {  	[tilespmem:s20], [sflag:$0x7] =	stream.indirect.gather [hbm4b:s4+s13], $0x10, s24, s13, $0xb8;
	[tilespmem:$0xC620] =	vst v63  }
0xe4: {  	s9 =	sadd.s32 $0x380, s8  }
0xe5: {  	[tilespmem:s21], [sflag:$0x8] =	stream.indirect.gather [hbm4b:s4+s13], $0x10, s9, s13, $0xb8;
	[tilespmem:$0xC620] =	vst v63  }
0xe6: {  	s24 =	sadd.s32 $0x400, s8  }
0xe7: {  	[tilespmem:s22], [sflag:$0x9] =	stream.indirect.gather [hbm4b:s4+s13], $0x10, s24, s13, $0xb8;
	[tilespmem:$0xC620] =	vst v63  }
0xe8: {  	s9 =	sadd.s32 $0x480, s8  }
0xe9: {  	[tilespmem:s23], [sflag:$0xA] =	stream.indirect.gather [hbm4b:s4+s13], $0x10, s9, s13, $0xb8;
	[tilespmem:$0xC620] =	vst v63  }
0xea: {  	_ =	swait.ge [sflag:s25], $0x7D0  }
0xeb: {  	[sflag:s25] =	ssyncset.done $0x0  }
0xec: {  	s24 =	sadd.s32 $0x2800, s8;
	[sflag:s25] =	ssyncadd.s32 $0xFFFFF830  }
0xed: {  	[spmem:s2] =	stream.indirect.scatter.add.bf16 [tilespmem:s14], [sflag:$0xB], $0x10, s24, s13, $0xb8;
	[tilespmem:$0xC620] =	vst v63  }
0xee: {  	_ =	swait.ge [sflag:s26], $0x7D0  }
0xef: {  	[sflag:s26] =	ssyncset.done $0x0  }
0xf0: {  	s9 =	sadd.s32 $0x2880, s8;
	[sflag:s26] =	ssyncadd.s32 $0xFFFFF830  }
0xf1: {  	[spmem:s2] =	stream.indirect.scatter.add.bf16 [tilespmem:s15], [sflag:$0xB], $0x10, s9, s13, $0xb8;
	[tilespmem:$0xC620] =	vst v63  }
0xf2: {  	_ =	swait.ge [sflag:s28], $0x7D0  }
0xf3: {  	[sflag:s28] =	ssyncset.done $0x0  }
0xf4: {  	s24 =	sadd.s32 $0x2900, s8;
	[sflag:s28] =	ssyncadd.s32 $0xFFFFF830  }
0xf5: {  	[spmem:s2] =	stream.indirect.scatter.add.bf16 [tilespmem:s16], [sflag:$0xB], $0x10, s24, s13, $0xb8;
	[tilespmem:$0xC620] =	vst v63  }
0xf6: {  	_ =	swait.ge [sflag:s29], $0x7D0  }
0xf7: {  	[sflag:s29] =	ssyncset.done $0x0  }
0xf8: {  	s9 =	sadd.s32 $0x2980, s8;
	[sflag:s29] =	ssyncadd.s32 $0xFFFFF830  }
0xf9: {  	[spmem:s2] =	stream.indirect.scatter.add.bf16 [tilespmem:s17], [sflag:$0xB], $0x10, s9, s13, $0xb8;
	[tilespmem:$0xC620] =	vst v63  }
0xfa: {  	_ =	swait.ge [sflag:s30], $0x7D0  }
0xfb: {  	[sflag:s30] =	ssyncset.done $0x0  }
0xfc: {  	s24 =	sadd.s32 $0x2A00, s8;
	[sflag:s30] =	ssyncadd.s32 $0xFFFFF830  }
0xfd: {  	[spmem:s2] =	stream.indirect.scatter.add.bf16 [tilespmem:s18], [sflag:$0xB], $0x10, s24, s13, $0xb8;
	[tilespmem:$0xC620] =	vst v63  }
0xfe: {  	_ =	swait.ge [sflag:s31], $0x7D0  }
0xff: {  	[sflag:s31] =	ssyncset.done $0x0  }
0x100: {  	s9 =	sadd.s32 $0x2A80, s8;
	[sflag:s31] =	ssyncadd.s32 $0xFFFFF830  }
0x101: {  	[spmem:s2] =	stream.indirect.scatter.add.bf16 [tilespmem:s19], [sflag:$0xB], $0x10, s9, s13, $0xb8;
	[tilespmem:$0xC620] =	vst v63  }
0x102: {  	_ =	swait.ge [sflag:s1], $0x7D0  }
0x103: {  	[sflag:s1] =	ssyncset.done $0x0  }
0x104: {  	s24 =	sadd.s32 $0x2B00, s8;
	[sflag:s1] =	ssyncadd.s32 $0xFFFFF830  }
0x105: {  	[spmem:s2] =	stream.indirect.scatter.add.bf16 [tilespmem:s20], [sflag:$0xB], $0x10, s24, s13, $0xb8;
	[tilespmem:$0xC620] =	vst v63  }
0x106: {  	_ =	swait.ge [sflag:s0], $0x7D0  }
0x107: {  	[sflag:s0] =	ssyncset.done $0x0  }
0x108: {  	s9 =	sadd.s32 $0x2B80, s8;
	[sflag:s0] =	ssyncadd.s32 $0xFFFFF830  }
0x109: {  	[spmem:s2] =	stream.indirect.scatter.add.bf16 [tilespmem:s21], [sflag:$0xB], $0x10, s9, s13, $0xb8;
	[tilespmem:$0xC620] =	vst v63  }
0x10a: {  	_ =	swait.ge [sflag:s12], $0x7D0  }
0x10b: {  	[sflag:s12] =	ssyncset.done $0x0  }
0x10c: {  	s24 =	sadd.s32 $0x2C00, s8;
	[sflag:s12] =	ssyncadd.s32 $0xFFFFF830  }
0x10d: {  	[spmem:s2] =	stream.indirect.scatter.add.bf16 [tilespmem:s22], [sflag:$0xB], $0x10, s24, s13, $0xb8;
	[tilespmem:$0xC620] =	vst v63  }
0x10e: {  	_ =	swait.ge [sflag:s3], $0x7D0  }
0x10f: {  	[sflag:s3] =	ssyncset.done $0x0  }
0x110: {  	s9 =	sadd.s32 $0x2C80, s8;
	[sflag:s3] =	ssyncadd.s32 $0xFFFFF830  }
0x111: {  	[spmem:s2] =	stream.indirect.scatter.add.bf16 [tilespmem:s23], [sflag:$0xB], $0x10, s9, s13, $0xb8;
	[tilespmem:$0xC620] =	vst v63  }
0x112: {  	_ =	swait.ge [sflag:s5], $0x7D0  }
0x113: {  	[sflag:s5] =	ssyncset.done $0x0  }
0x114: {  	[sflag:s5] =	ssyncadd.s32 $0xFFFFF830  }
0x115: {  	_ =	swait.ge [sflag:s5], $0x7D0  }
0x116: {  	[sflag:s5] =	ssyncset.done $0x0  }
0x117: {  	[sflag:s5] =	ssyncadd.s32 $0xFFFFF830  }
0x118: {  	_ =	swait.ge [sflag:s5], $0x7D0  }
0x119: {  	[sflag:s5] =	ssyncset.done $0x0  }
0x11a: {  	[sflag:s5] =	ssyncadd.s32 $0xFFFFF830  }
0x11b: {  	_ =	swait.ge [sflag:s5], $0x7D0  }
0x11c: {  	[sflag:s5] =	ssyncset.done $0x0  }
0x11d: {  	[sflag:s5] =	ssyncadd.s32 $0xFFFFF830  }
0x11e: {  	_ =	swait.ge [sflag:s5], $0x7D0  }
0x11f: {  	[sflag:s5] =	ssyncset.done $0x0  }
0x120: {  	[sflag:s5] =	ssyncadd.s32 $0xFFFFF830  }
0x121: {  	_ =	swait.ge [sflag:s5], $0x7D0  }
0x122: {  	[sflag:s5] =	ssyncset.done $0x0  }
0x123: {  	[sflag:s5] =	ssyncadd.s32 $0xFFFFF830  }
0x124: {  	_ =	swait.ge [sflag:s5], $0x7D0  }
0x125: {  	[sflag:s5] =	ssyncset.done $0x0  }
0x126: {  	[sflag:s5] =	ssyncadd.s32 $0xFFFFF830  }
0x127: {  	_ =	swait.ge [sflag:s5], $0x7D0  }
0x128: {  	[sflag:s5] =	ssyncset.done $0x0  }
0x129: {  	[sflag:s5] =	ssyncadd.s32 $0xFFFFF830  }
0x12a: {  	_ =	swait.ge [sflag:s5], $0x7D0  }
0x12b: {  	[sflag:s5] =	ssyncset.done $0x0  }
0x12c: {  	[sflag:s5] =	ssyncadd.s32 $0xFFFFF830  }
0x12d: {  	_ =	swait.ge [sflag:s5], $0x7D0  }
0x12e: {  	[sflag:s5] =	ssyncset.done $0x0  }
0x12f: {  	[sflag:s5] =	ssyncadd.s32 $0xFFFFF830  }
0x130: {  	[bflag:$0x0] =	sbarrier.arrive $0xFFFF  }
0x131: {  	s8 =	rddreg [dreg:$0x7]  }
0x132: {  	s24 =	rddreg [dreg:$0x8]  }
0x133: {  	[hbm:s24], [sflag:s8] =	dma.local [spmem:s10], $0x500  }
0x134: {  	_ =	swait.ge [sflag:s11], $0x500  }
0x135: {  	s7 =	sadd.s32 $0x1, s7;
	s24 =	rddreg [dreg:$0x6]  }
0x136: {  	p0 =	sne.s32 s7, s24  }
.Ltmp1:
0x137: {  	_ = 	snop;
	(pc) =	sbr.rel @p0 .LBB2_1-.Ltmp1, $3  }
0x138: {  	_ =	sdelay $0x1  }
0x139: {  	[sflag:s11] =	ssyncset.done $0x0  }
0x13a: {  	s9 =	smov.u32 s10;
	[sflag:s11] =	ssyncadd.s32 $0xFFFFFB00  }
0x13b: {  	_ =	sfence.sel $0x180000  }
0x13c: {  	[bflag:$0x0] =	sbarrier.arrive $0xFFFF  }
0x13d: {  	_ =	strace $0x9000004A  }
0x13e: {  	s0 =	stileid.u32;
	[bflag:$0x2] =	sbarrier.arrive $0xFFFF  }
0x13f: {  	p0 =	sne.s32 s0, $0x0;
	s0 =	rddreg [dreg:$0x2]  }
0x140: {  	s0 =	sadd.s32 @!p0 $0x100000, s0  }
0x141: {  	[sflag:s0] =	ssyncadd.tile.s32 @!p0 $0x1;
	_ =	shalt  }
.Lfunc_end2:
_tile_overlayer_lowered:
.L_overlay_start_2:
0x142: {  	(tag) =	ssettag $0x2  }
0x143: {  	s0 =	rddreg [dreg:$0x0];
	s2 =	stileid.u32  }
0x144: {  	s1 =	rddreg [dreg:$0x1];
	p0 =	sne.s32 s2, $0x0  }
0x145: {  	s3 =	rddreg [dreg:$0x2];
	[bflag:$0x3] =	sbarrier.arrive $0xFFFF;
	s2 =	simm.s32 @!p0 $0x1C0C  }
0x146: {  	[timem:s3], [sflag:s2] =	dma.local @!p0 [hbm:s0], s1  }
0x147: {  	s0 =	simm.s32 @!p0 $0xC  }
0x148: {  	_ =	swait.ge @!p0 [sflag:s0], s1  }
0x149: {  	s1 =	ssub.s32 @!p0 $0x0, s1;
	[sflag:s0] =	ssyncset.done @!p0 $0x0  }
0x14a: {  	[sflag:s0] =	ssyncadd.s32 @!p0 s1  }
0x14b: {  	[bflag:$0x3] =	sbarrier.arrive $0xFFFF  }
0x14c: {  	_ =	shalt  }

// kernel: kernel.7.cloned.1.call-start
scs
__scs_entry_jumppad:
0x0: {  	(pc) =	sbr.rel $0x88, $3  }
0x1: {  	(tag) =	ssettag $0x0;
	lr =	simm.s32 $0x1  }
0x2: {  	[smem:$0x3F9A] =	sst lr;
	_ =	strace $0xD0000000  }
0x3: {  	_ = 	snop  }
0x4: {  	_ = 	snop  }
0x5: {  	_ = 	snop  }
0x6: {  	_ = 	snop  }
0x7: {  	_ = 	snop  }
__scs_overlays_trampoline_lowered:
0x8: {  	[smem:$0x3FA9] =	sst s0  }
0x9: {  	[smem:$0x3FAA] =	sst s1  }
0xa: {  	[smem:$0x3FAB] =	sst s2  }
0xb: {  	[smem:$0x3FAC] =	sst s3  }
0xc: {  	[smem:$0x3FAD] =	sst s4  }
0xd: {  	[smem:$0x3FAE] =	sst s5  }
0xe: {  	[smem:$0x3FAF] =	sst s6  }
0xf: {  	[smem:$0x3FB0] =	sst s7  }
0x10: {  	[smem:$0x3FB1] =	sst s8  }
0x11: {  	[smem:$0x3FB2] =	sst s9;
	s0 =	simm.s32 @!p0 $0x0  }
0x12: {  	s1 =	sld [smem:$0x3F98];
	s0 =	simm.s32 @p0 $0x1  }
0x13: {  	[smem:$0x3FB3] =	sst s0;
	s0 =	simm.s32 @!p1 $0x0  }
0x14: {  	s2 =	sld [smem:$0x3F97];
	s0 =	simm.s32 @p1 $0x1  }
0x15: {  	[smem:$0x3FB4] =	sst s0;
	s0 =	simm.s32 @!p2 $0x0  }
0x16: {  	s3 =	sld [smem:$0x3FDB];
	s0 =	simm.s32 @p2 $0x1  }
0x17: {  	s4 =	simm.s32 $0x1BF5;
	[smem:$0x3FB6] =	sst s0  }
0x18: {  	s0 =	sld [smem:$0x3F99];
	_ =	swait.ge [sflag:s4], $0x0  }
0x19: {  	s7 =	sld [smem:$0x3F9A]  }
0x1a: {  	s8 =	sadd.s32 $0xFFFFE003, lr  }
0x1b: {  	s9 =	sadd.s32 $0xFFFFFEF7, lr;
	s5 =	simm.s32 $0xFFFFFFFF;
	p2 =	slt.u32 s8, $0xFFFFF086  }
0x1c: {  	p1 =	slt.u32 s9, $0xF7A;
	s5 =	simm.s32 @!p2 $0x0  }
0x1d: {  	s5 =	simm.s32 @p1 $0x1;
	p0 =	seq.s32 s7, s2  }
0x1e: {  	s7 =	smul.u32 @!p0 $0xF7A, s2;
	p2 =	seq.s32 @!p0 s5, $0x0  }
0x1f: {  	s9 =	smul.u32 $0xF7A, s1;
	s8 =	simm.s32 @!p0 $0x1BF5;
	p2 =	por !p2, p0  }
0x20: {  	[sflag:s8] =	ssyncset.s32 @!p0 $0xFFFFF086;
	s6 =	sadd.s32 @!p0 s3, s7;
	s7 =	simm.s32 @!p0 $0x108  }
0x21: {  	s3 =	sadd.s32 s3, s9;
	s6 =	sadd.s32 @!p0 $0x88, s6;
	s7 =	simm.s32 @p2 $0x1082  }
0x22: {  	[simem:s7], [sflag:s8] =	dma.local @!p0 [hbm:s6], $0xF7A  }
0x23: {  	s9 =	sor.u32 $0xD0000000, s2;
	s6 =	simm.s32 $0x108;
	_ =	swait.ge @!p0 [sflag:s8], $0x0  }
0x24: {  	s3 =	sadd.s32 $0x88, s3;
	s6 =	simm.s32 @!p1 $0x1082;
	[sflag:s4] =	ssyncset.s32 $0xFFFFF086  }
0x25: {  	[simem:s6], [sflag:s4] =	dma.local [hbm:s3], $0xF7A  }
0x26: {  	[smem:$0x3F9A] =	sst s1;
	(tag) =	ssettag s2;
	_ =	strace s9  }
0x27: {  	s1 =	sld [smem:$0x3FAA]  }
0x28: {  	s2 =	sld [smem:$0x3FAB]  }
0x29: {  	s4 =	sld [smem:$0x3FAD]  }
0x2a: {  	p0 =	seq.s32 s5, $0x0;
	s5 =	sld [smem:$0x3FAE]  }
0x2b: {  	s6 =	sld [smem:$0x3FAF]  }
0x2c: {  	s7 =	sld [smem:$0x3FB0]  }
0x2d: {  	s3 =	simm.s32 $0x108;
	s8 =	sld [smem:$0x3FB1]  }
0x2e: {  	s3 =	simm.s32 @!p0 $0x1082;
	s9 =	sld [smem:$0x3FB2]  }
0x2f: {  	lr =	sadd.s32 s0, s3;
	s0 =	sld [smem:$0x3FA9]  }
0x30: {  	s3 =	sld [smem:$0x3FAC]  }
0x31: {  	[smem:$0x3FB5] =	sst s10  }
0x32: {  	s10 =	sld [smem:$0x3FB3];
	_ =	sdelay $0x3  }
0x33: {  	p0 =	seq.s32 s10, $0x1;
	s10 =	sld [smem:$0x3FB5];
	_ =	sdelay $0x3  }
0x34: {  	[smem:$0x3FB5] =	sst s10  }
0x35: {  	s10 =	sld [smem:$0x3FB4];
	_ =	sdelay $0x3  }
0x36: {  	p1 =	seq.s32 s10, $0x1;
	s10 =	sld [smem:$0x3FB5];
	_ =	sdelay $0x3  }
0x37: {  	[smem:$0x3FB5] =	sst s10  }
0x38: {  	s10 =	sld [smem:$0x3FB6]  }
0x39: {  	_ = 	snop;
	(pc) =	sbr.ind lr, $3  }
0x3a: {  	_ = 	snop  }
0x3b: {  	_ = 	snop  }
0x3c: {  	p2 =	seq.s32 s10, $0x1;
	s10 =	sld [smem:$0x3FB5]  }
0x3d: {  	_ =	shalt  }
0x3e: {  	_ =	shalt  }
0x3f: {  	_ =	shalt  }
0x40: {  	_ =	shalt  }
0x41: {  	_ =	shalt  }
0x42: {  	_ =	shalt  }
0x43: {  	_ =	shalt  }
0x44: {  	_ =	shalt  }
0x45: {  	_ =	shalt  }
0x46: {  	_ =	shalt  }
0x47: {  	_ =	shalt  }
0x48: {  	_ =	shalt  }
0x49: {  	_ =	shalt  }
0x4a: {  	_ =	shalt  }
0x4b: {  	_ =	shalt  }
0x4c: {  	_ =	shalt  }
0x4d: {  	_ =	shalt  }
0x4e: {  	_ =	shalt  }
0x4f: {  	_ =	shalt  }
0x50: {  	_ =	shalt  }
0x51: {  	_ =	shalt  }
0x52: {  	_ =	shalt  }
0x53: {  	_ =	shalt  }
0x54: {  	_ =	shalt  }
0x55: {  	_ =	shalt  }
0x56: {  	_ =	shalt  }
0x57: {  	_ =	shalt  }
0x58: {  	_ =	shalt  }
0x59: {  	_ =	shalt  }
0x5a: {  	_ =	shalt  }
0x5b: {  	_ =	shalt  }
0x5c: {  	_ =	shalt  }
0x5d: {  	_ =	shalt  }
0x5e: {  	_ =	shalt  }
0x5f: {  	_ =	shalt  }
0x60: {  	_ =	shalt  }
0x61: {  	_ =	shalt  }
0x62: {  	_ =	shalt  }
0x63: {  	_ =	shalt  }
0x64: {  	_ =	shalt  }
0x65: {  	_ =	shalt  }
0x66: {  	_ =	shalt  }
0x67: {  	_ =	shalt  }
0x68: {  	_ =	shalt  }
0x69: {  	_ =	shalt  }
0x6a: {  	_ =	shalt  }
0x6b: {  	_ =	shalt  }
0x6c: {  	_ =	shalt  }
0x6d: {  	_ =	shalt  }
0x6e: {  	_ =	shalt  }
0x6f: {  	_ =	shalt  }
0x70: {  	_ =	shalt  }
0x71: {  	_ =	shalt  }
0x72: {  	_ =	shalt  }
0x73: {  	_ =	shalt  }
0x74: {  	_ =	shalt  }
0x75: {  	_ =	shalt  }
0x76: {  	_ =	shalt  }
0x77: {  	_ =	shalt  }
0x78: {  	_ =	shalt  }
0x79: {  	_ =	shalt  }
0x7a: {  	_ =	shalt  }
0x7b: {  	_ =	shalt  }
0x7c: {  	_ =	shalt  }
0x7d: {  	_ =	shalt  }
0x7e: {  	_ =	shalt  }
0x7f: {  	_ =	shalt  }
0x80: {  	_ =	shalt  }
0x81: {  	_ =	shalt  }
0x82: {  	_ =	shalt  }
0x83: {  	_ =	shalt  }
0x84: {  	_ =	shalt  }
0x85: {  	_ =	shalt  }
0x86: {  	_ =	shalt  }
0x87: {  	_ =	shalt  }
.Lfunc_end0:
.L_simem_size_0:
called_computation_lowered:
.L_overlay_start_0:
0x88: {  	s2 =	sld [smem:$0x3FD9]  }
0x89: {  	s3 =	sld [smem:$0x3FFE];
	_ =	sdelay $0x1  }
0x8a: {  	s1 =	srdreg.scid  }
0x8b: {  	s0 =	sand.u32 $0x1, s1  }
0x8c: {  	s17 =	sshll.u32 s0, $0xA;
	s2 =	sadd.s32 s3, s2  }
0x8d: {  	s2 =	sadd.s32 s2, s17  }
0x8e: {  	[smem:$0x3FC1] =	sst s2  }
0x8f: {  	_ = 	snop  }
0x90: {  	s2 =	sld [smem:$0x3FD0];
	(tm) =	ssettm $0x1  }
0x91: {  	s18 =	sld [smem:$0x3FFB];
	_ =	sdelay $0x3  }
0x92: {  	_ =	strace s18  }
0x93: {  	s3 =	sld [smem:$0x3FFC];
	_ =	sdelay $0x3  }
0x94: {  	_ =	strace s3  }
0x95: {  	s3 =	sld [smem:$0x3FFD];
	_ =	sdelay $0x3  }
0x96: {  	_ =	strace s3  }
0x97: {  	_ =	strace $0x8FFFFFFF  }
0x98: {  	s19 =	sld [smem:$0x3FDB];
	_ =	sdelay $0x1  }
0x99: {  	s4 =	simm.s32 $_scs_section_size  }
0x9a: {  	s5 =	simm.s32 $_size__tile_overlayer_lowered;
	s6 =	simm.s32 $_tile_overlayer_lowered  }
0x9b: {  	s22 =	simm.s32 $0x1BFF;
	s21 =	sshll.u32 s6, $0x1;
	s3 =	sadd.s32 s4, s19  }
0x9c: {  	s7 =	simm.s32 $0x0;
	s20 =	sshll.u32 s5, $0x1;
	s5 =	sadd.s32 s21, s3  }
0x9d: {  	[timem:s7], [sflag:s22] =	dma.local [hbm:s5], s20  }
0x9e: {  	_ =	swait.ge [sflag:s22], s20  }
0x9f: {  	s4 =	ssub.s32 $0x0, s20;
	[sflag:s22] =	ssyncset.done $0x0  }
0xa0: {  	[sflag:s22] =	ssyncadd.s32 s4;
	_ =	sdelay $0x1  }
0xa1: {  	s23 =	simm.s32 $0x1B8B  }
0xa2: {  	_ =	swait.ge [sflag:s23], $0x1  }
0xa3: {  	[sflag:s23] =	ssyncset.done $0x0  }
0xa4: {  	s25 =	simm.s32 $0x1B8E;
	s24 =	sld [smem:$0x3FFE];
	[sflag:s23] =	ssyncadd.s32 $0xFFFFFFFF  }
0xa5: {  	s26 =	simm.s32 $execute0_lowered;
	[smem:$0x3FD2] =	sst s25  }
0xa6: {  	s5 =	sshll.u32 s26, $0x1;
	_ =	strace $0x80000046;
	[dreg:$0x1] =	wrdreg $0xFFFFFFFF  }
0xa7: {  	s28 =	simm.s32 $_size_execute0_lowered;
	s3 =	sadd.s32 s3, s5;
	[dreg:$0x0] =	wrdreg $0x0  }
0xa8: {  	s5 =	sshll.u32 s28, $0x1;
	[dreg:$0x2] =	wrdreg s3  }
0xa9: {  	[dreg:$0x3] =	wrdreg s5  }
0xaa: {  	[dreg:$0x4] =	wrdreg $0xC0  }
0xab: {  	_ =	task [dreg:s7], $0x5FFFF  }
0xac: {  	[dreg:$0x1] =	wrdreg $0xFFFFFFFF  }
0xad: {  	[dreg:$0x0] =	wrdreg $0x60  }
0xae: {  	[dreg:$0x2] =	wrdreg s24  }
0xaf: {  	[dreg:$0x3] =	wrdreg s2  }
0xb0: {  	[dreg:$0x4] =	wrdreg $0xEC400  }
0xb1: {  	[dreg:$0x5] =	wrdreg $0x140280  }
0xb2: {  	[dreg:$0x6] =	wrdreg $0x9  }
0xb3: {  	_ =	task.clear_ibuf [dreg:s7], $0x7FFFF;
	_ =	strace $0x90000046  }
0xb4: {  	s29 =	simm.s32 $0x9;
	_ =	strace $0x80000048  }
0xb5: {  	_ =	swait.ge [sflag:s29], $0x1  }
0xb6: {  	[sflag:s29] =	ssyncadd.s32 $0xFFFFFFFF  }
0xb7: {  	_ =	strace $0x90000048  }
0xb8: {  	_ =	sfence  }
0xb9: {  	s30 =	sld [smem:$0x0];
	_ =	sdelay $0x2  }
0xba: {  	s31 =	sshll.u32 s1, $0xD;
	s1 =	sshrl.u32 s1, $0x2  }
0xbb: {  	s3 =	sand.u32 $0x4000, s31;
	s1 =	sadd.s32 s1, s30  }
0xbc: {  	s0 =	sor.u32 s3, s0;
	s1 =	sshll.u32 s1, $0x11  }
0xbd: {  	s0 =	sor.u32 s1, s0  }
0xbe: {  	s0 =	sadd.s32 $0x8F2B, s0  }
0xbf: {  	[sflag:s0] =	ssyncadd.remote.s32 $0x1  }
0xc0: {  	_ =	sfence.sel $0xFFFF  }
0xc1: {  	[dreg:$0x0] =	wrdreg $0xFFFFFFFF;
	(pc) =	sbr.abs _section_cstart, $3  }
0xc2: {  	[dreg:$0x1] =	wrdreg $0xFFFFFFFF  }
0xc3: {  	_ =	task.clear_ibuf [dreg:s7], $0x2FFFF;
	_ =	strace $0x9FFFFFFF  }
0xc4: {  	(tm) =	ssettm $0x7FFFFFFF  }
0xc5: {  	_ =	shalt  }
tec
execute0_lowered:
.L_overlay_start_1:
0x0: {  	(tag) =	ssettag $0x1  }
0x1: {  	s0 =	rddreg [dreg:$0x0]  }
0x2: {  	s1 =	srdreg.scid;
	s4 =	rddreg [dreg:$0x1]  }
0x3: {  	s2 =	rddreg [dreg:$0x2];
	s11 =	stileid.u32  }
0x4: {  	s3 =	rddreg [dreg:$0x3];
	s6 =	simm.s32 $0x0;
	s28 =	simm.s32 $0xADC0  }
0x5: {  	s29 =	simm.s32 $0xBD60;
	s30 =	simm.s32 $0xCD00;
	s31 =	simm.s32 $0xDCA0  }
0x6: {  	s1 =	sand.u32 $0x1, s1;
	[smem:$0x7FF] =	sst s6;
	s7 =	sadd.s32 $0x64C00, s0  }
0x7: {  	s9 =	sadd.s32 $0x65600, s0;
	s10 =	smul.u32 $0xA000, s11;
	s12 =	sadd.s32 $0x65A00, s0  }
0x8: {  	s20 =	sshll.u32 s11, $0x6;
	_ =	strace $0x80000047;
	[dreg:$0x5] =	wrdreg s7  }
0x9: {  	s5 =	sshll.u32 s1, $0x4;
	s16 =	smul.u32 $0xA000, s1;
	[dreg:$0x6] =	wrdreg s9  }
0xa: {  	s8 =	ssub.s32 $0x2, s1;
	[dreg:$0x7] =	wrdreg s12;
	s13 =	sor.u32 $0x1C0D, s20  }
0xb: {  	s1 =	smul.u32 $0x2800, s1;
	s20 =	simm.s32 $0x5FA0;
	s12 =	simm.s32 $0x9  }
0xc: {  	s9 =	simm.s32 $0x0;
	s5 =	sor.u32 s11, s5;
	s17 =	sshrl.u32 s8, $0x1  }
0xd: {  	s19 =	sshrl.u32 s10, $0x1;
	s11 =	smul.u32 $0x1400, s11;
	[dreg:$0x10] =	wrdreg s9  }
0xe: {  	s23 =	sshrl.u32 s10, $0x4;
	s10 =	simm.s32 $0x7;
	[dreg:$0x8] =	wrdreg s13  }
0xf: {  	s5 =	smul.u32 $0x500, s5;
	s18 =	ssub.s32 s8, s17;
	s8 =	sadd.s32 s19, s2  }
0x10: {  	s1 =	sadd.s32 s4, s1;
	s19 =	simm.s32 $0x5000;
	s17 =	simm.s32 $0x3  }
0x11: {  	s4 =	simm.s32 $0xC;
	s21 =	sadd.s32 s11, s3;
	s24 =	sshrl.u32 s11, $0x3  }
0x12: {  	s7 =	smax.u32 s18, $0x1;
	s14 =	sshrl.u32 s8, $0x3;
	s18 =	simm.s32 $0x7D  }
0x13: {  	s8 =	simm.s32 $0x6;
	s11 =	simm.s32 $0x8;
	s15 =	sadd.s32 s5, s0  }
0x14: {  	s5 =	sadd.s32 $0x16A00, s0;
	s0 =	sadd.s32 s16, s0;
	[dreg:$0xb] =	wrdreg s7  }
0x15: {  	s25 =	sshrl.u32 s21, $0x3;
	s16 =	simm.s32 $0x13C40;
	s21 =	simm.s32 $0x6F40  }
0x16: {  	s26 =	sadd.s32 s24, s1;
	s1 =	simm.s32 $0x1;
	[dreg:$0xc] =	wrdreg s14  }
0x17: {  	s7 =	simm.s32 $0x5;
	s24 =	simm.s32 $0xB;
	[dreg:$0xd] =	wrdreg s25  }
0x18: {  	s22 =	sadd.s32 $0x2A00, s15;
	s6 =	sadd.s32 $0xCA00, s15;
	[dreg:$0xf] =	wrdreg s26  }
0x19: {  	s0 =	sadd.s32 $0x65C00, s0;
	s15 =	simm.s32 $0xD;
	[dreg:$0x9] =	wrdreg s22  }
0x1a: {  	s25 =	simm.s32 $0x8E80;
	s26 =	simm.s32 $0x9E20;
	[dreg:$0xa] =	wrdreg s6  }
0x1b: {  	s0 =	sadd.s32 s23, s0;
	s23 =	simm.s32 $0x7EE0;
	s6 =	simm.s32 $0x4  }
0x1c: {  	s22 =	simm.s32 $0xA;
	[dreg:$0xe] =	wrdreg s0;
	s0 =	simm.s32 $0x2  }
.LBB2_1:
0x1d: {  	s9 =	rddreg [dreg:$0x5]  }
0x1e: {  	[spmem:s14], [sflag:s13] =	dma.local [hbm:s9], $0xA00  }
0x1f: {  	_ =	swait.ge [sflag:s15], $0xA00  }
0x20: {  	[sflag:s15] =	ssyncset.done $0x0;
	s9 =	rddreg [dreg:$0x6]  }
0x21: {  	s14 =	rddreg [dreg:$0xd];
	[sflag:s15] =	ssyncadd.s32 $0xFFFFF600  }
0x22: {  	[spmem:s14], [sflag:s13] =	dma.local [hbm:s9], $0x280  }
0x23: {  	_ =	swait.ge [sflag:s15], $0x280  }
0x24: {  	[sflag:s15] =	ssyncset.done $0x0  }
0x25: {  	s9 =	simm.s32 $0x0;
	s14 =	rddreg [dreg:$0x7];
	[sflag:s15] =	ssyncadd.s32 $0xFFFFFD80  }
0x26: {  	[tilespmem:s16], [sflag:$0xD] =	stream.linear.gather [hbm4b:s14+s9], $0x3E8, $0x38;
	[tilespmem:$0x15428] =	vst v63  }
0x27: {  	_ =	swait.ge [sflag:s15], $0x3E8  }
0x28: {  	[sflag:s15] =	ssyncset.done $0x0  }
0x29: {  	s14 =	rddreg [dreg:$0x9];
	[sflag:s15] =	ssyncadd.s32 $0xFFFFFC18  }
0x2a: {  	[tilespmem:s9], [sflag:$0xD] =	stream.linear.gather [hbm4b:s14+s9], $0x2800, $0x38;
	[tilespmem:$0x15428] =	vst v63  }
0x2b: {  	_ =	swait.ge [sflag:s15], $0x2800  }
0x2c: {  	[sflag:s15] =	ssyncset.done $0x0  }
0x2d: {  	s14 =	simm.s32 $0x2800;
	s13 =	rddreg [dreg:$0xa];
	[sflag:s15] =	ssyncadd.s32 $0xFFFFD800  }
0x2e: {  	[tilespmem:s14], [sflag:$0xD] =	stream.linear.gather [hbm4b:s13+s9], $0x2800, $0x38;
	[tilespmem:$0x15428] =	vst v63  }
0x2f: {  	_ =	swait.ge [sflag:s15], $0x2800  }
0x30: {  	[sflag:s15] =	ssyncset.done $0x0  }
0x31: {  	[sflag:s15] =	ssyncadd.s32 $0xFFFFD800  }
0x32: {  	s14 =	simm.s32 $0x0;
	[bflag:$0x0] =	sbarrier.arrive $0xFFFF  }
0x33: {  	[tilespmem:s19], [sflag:$0x1] =	stream.indirect.gather [hbm4b:s5+s18], $0x20, s14, s18, $0xb8;
	[tilespmem:$0x15428] =	vst v63  }
0x34: {  	s15 =	simm.s32 $0x80  }
0x35: {  	[tilespmem:s20], [sflag:$0x2] =	stream.indirect.gather [hbm4b:s5+s18], $0x20, s15, s18, $0xb8;
	[tilespmem:$0x15428] =	vst v63  }
0x36: {  	s13 =	simm.s32 $0x100  }
0x37: {  	[tilespmem:s21], [sflag:$0x3] =	stream.indirect.gather [hbm4b:s5+s18], $0x20, s13, s18, $0xb8;
	[tilespmem:$0x15428] =	vst v63  }
0x38: {  	s14 =	simm.s32 $0x180  }
0x39: {  	[tilespmem:s23], [sflag:$0x4] =	stream.indirect.gather [hbm4b:s5+s18], $0x20, s14, s18, $0xb8;
	[tilespmem:$0x15428] =	vst v63  }
0x3a: {  	s15 =	simm.s32 $0x200  }
0x3b: {  	[tilespmem:s25], [sflag:$0x5] =	stream.indirect.gather [hbm4b:s5+s18], $0x20, s15, s18, $0xb8;
	[tilespmem:$0x15428] =	vst v63  }
0x3c: {  	s13 =	simm.s32 $0x280  }
0x3d: {  	[tilespmem:s26], [sflag:$0x6] =	stream.indirect.gather [hbm4b:s5+s18], $0x20, s13, s18, $0xb8;
	[tilespmem:$0x15428] =	vst v63  }
0x3e: {  	s14 =	simm.s32 $0x300  }
0x3f: {  	[tilespmem:s28], [sflag:$0x7] =	stream.indirect.gather [hbm4b:s5+s18], $0x20, s14, s18, $0xb8;
	[tilespmem:$0x15428] =	vst v63  }
0x40: {  	s15 =	simm.s32 $0x380  }
0x41: {  	[tilespmem:s29], [sflag:$0x8] =	stream.indirect.gather [hbm4b:s5+s18], $0x20, s15, s18, $0xb8;
	[tilespmem:$0x15428] =	vst v63  }
0x42: {  	s13 =	simm.s32 $0x400  }
0x43: {  	[tilespmem:s30], [sflag:$0x9] =	stream.indirect.gather [hbm4b:s5+s18], $0x20, s13, s18, $0xb8;
	[tilespmem:$0x15428] =	vst v63  }
0x44: {  	s14 =	simm.s32 $0x480  }
0x45: {  	[tilespmem:s31], [sflag:$0xA] =	stream.indirect.gather [hbm4b:s5+s18], $0x20, s14, s18, $0xb8;
	[tilespmem:$0x15428] =	vst v63  }
0x46: {  	_ =	swait.ge [sflag:s1], $0xFA0  }
0x47: {  	[sflag:s1] =	ssyncset.done $0x0  }
0x48: {  	s15 =	simm.s32 $0x2800;
	[sflag:s1] =	ssyncadd.s32 $0xFFFFF060  }
0x49: {  	[spmem:s2] =	stream.indirect.scatter.add.bf16 [tilespmem:s19], [sflag:$0xB], $0x20, s15, s18, $0xb8;
	[tilespmem:$0x15428] =	vst v63  }
0x4a: {  	_ = 	snop  }
0x4b: {  	[spmem:s3] =	stream.indirect.scatter.add.f32 [tilespmem:s16], [sflag:$0xC], $0x8, s15, s18, $0xb8;
	[tilespmem:$0x15428] =	vst v63  }
0x4c: {  	_ =	swait.ge [sflag:s0], $0xFA0  }
0x4d: {  	[sflag:s0] =	ssyncset.done $0x0  }
0x4e: {  	s13 =	simm.s32 $0x2880;
	[sflag:s0] =	ssyncadd.s32 $0xFFFFF060  }
0x4f: {  	[spmem:s2] =	stream.indirect.scatter.add.bf16 [tilespmem:s20], [sflag:$0xB], $0x20, s13, s18, $0xb8;
	[tilespmem:$0x15428] =	vst v63  }
0x50: {  	_ = 	snop  }
0x51: {  	[spmem:s3] =	stream.indirect.scatter.add.f32 [tilespmem:s16], [sflag:$0xC], $0x8, s13, s18, $0xb8;
	[tilespmem:$0x15428] =	vst v63  }
0x52: {  	_ =	swait.ge [sflag:s17], $0xFA0  }
0x53: {  	[sflag:s17] =	ssyncset.done $0x0  }
0x54: {  	s14 =	simm.s32 $0x2900;
	[sflag:s17] =	ssyncadd.s32 $0xFFFFF060  }
0x55: {  	[spmem:s2] =	stream.indirect.scatter.add.bf16 [tilespmem:s21], [sflag:$0xB], $0x20, s14, s18, $0xb8;
	[tilespmem:$0x15428] =	vst v63  }
0x56: {  	_ = 	snop  }
0x57: {  	[spmem:s3] =	stream.indirect.scatter.add.f32 [tilespmem:s16], [sflag:$0xC], $0x8, s14, s18, $0xb8;
	[tilespmem:$0x15428] =	vst v63  }
0x58: {  	_ =	swait.ge [sflag:s6], $0xFA0  }
0x59: {  	[sflag:s6] =	ssyncset.done $0x0  }
0x5a: {  	s15 =	simm.s32 $0x2980;
	[sflag:s6] =	ssyncadd.s32 $0xFFFFF060  }
0x5b: {  	[spmem:s2] =	stream.indirect.scatter.add.bf16 [tilespmem:s23], [sflag:$0xB], $0x20, s15, s18, $0xb8;
	[tilespmem:$0x15428] =	vst v63  }
0x5c: {  	_ = 	snop  }
0x5d: {  	[spmem:s3] =	stream.indirect.scatter.add.f32 [tilespmem:s16], [sflag:$0xC], $0x8, s15, s18, $0xb8;
	[tilespmem:$0x15428] =	vst v63  }
0x5e: {  	_ =	swait.ge [sflag:s7], $0xFA0  }
0x5f: {  	[sflag:s7] =	ssyncset.done $0x0  }
0x60: {  	s13 =	simm.s32 $0x2A00;
	[sflag:s7] =	ssyncadd.s32 $0xFFFFF060  }
0x61: {  	[spmem:s2] =	stream.indirect.scatter.add.bf16 [tilespmem:s25], [sflag:$0xB], $0x20, s13, s18, $0xb8;
	[tilespmem:$0x15428] =	vst v63  }
0x62: {  	_ = 	snop  }
0x63: {  	[spmem:s3] =	stream.indirect.scatter.add.f32 [tilespmem:s16], [sflag:$0xC], $0x8, s13, s18, $0xb8;
	[tilespmem:$0x15428] =	vst v63  }
0x64: {  	_ =	swait.ge [sflag:s8], $0xFA0  }
0x65: {  	[sflag:s8] =	ssyncset.done $0x0  }
0x66: {  	s14 =	simm.s32 $0x2A80;
	[sflag:s8] =	ssyncadd.s32 $0xFFFFF060  }
0x67: {  	[spmem:s2] =	stream.indirect.scatter.add.bf16 [tilespmem:s26], [sflag:$0xB], $0x20, s14, s18, $0xb8;
	[tilespmem:$0x15428] =	vst v63  }
0x68: {  	_ = 	snop  }
0x69: {  	[spmem:s3] =	stream.indirect.scatter.add.f32 [tilespmem:s16], [sflag:$0xC], $0x8, s14, s18, $0xb8;
	[tilespmem:$0x15428] =	vst v63  }
0x6a: {  	_ =	swait.ge [sflag:s10], $0xFA0  }
0x6b: {  	[sflag:s10] =	ssyncset.done $0x0  }
0x6c: {  	s15 =	simm.s32 $0x2B00;
	[sflag:s10] =	ssyncadd.s32 $0xFFFFF060  }
0x6d: {  	[spmem:s2] =	stream.indirect.scatter.add.bf16 [tilespmem:s28], [sflag:$0xB], $0x20, s15, s18, $0xb8;
	[tilespmem:$0x15428] =	vst v63  }
0x6e: {  	_ = 	snop  }
0x6f: {  	[spmem:s3] =	stream.indirect.scatter.add.f32 [tilespmem:s16], [sflag:$0xC], $0x8, s15, s18, $0xb8;
	[tilespmem:$0x15428] =	vst v63  }
0x70: {  	_ =	swait.ge [sflag:s11], $0xFA0  }
0x71: {  	[sflag:s11] =	ssyncset.done $0x0  }
0x72: {  	s13 =	simm.s32 $0x2B80;
	[sflag:s11] =	ssyncadd.s32 $0xFFFFF060  }
0x73: {  	[spmem:s2] =	stream.indirect.scatter.add.bf16 [tilespmem:s29], [sflag:$0xB], $0x20, s13, s18, $0xb8;
	[tilespmem:$0x15428] =	vst v63  }
0x74: {  	_ = 	snop  }
0x75: {  	[spmem:s3] =	stream.indirect.scatter.add.f32 [tilespmem:s16], [sflag:$0xC], $0x8, s13, s18, $0xb8;
	[tilespmem:$0x15428] =	vst v63  }
0x76: {  	_ =	swait.ge [sflag:s12], $0xFA0  }
0x77: {  	[sflag:s12] =	ssyncset.done $0x0  }
0x78: {  	s14 =	simm.s32 $0x2C00;
	[sflag:s12] =	ssyncadd.s32 $0xFFFFF060  }
0x79: {  	[spmem:s2] =	stream.indirect.scatter.add.bf16 [tilespmem:s30], [sflag:$0xB], $0x20, s14, s18, $0xb8;
	[tilespmem:$0x15428] =	vst v63  }
0x7a: {  	_ = 	snop  }
0x7b: {  	[spmem:s3] =	stream.indirect.scatter.add.f32 [tilespmem:s16], [sflag:$0xC], $0x8, s14, s18, $0xb8;
	[tilespmem:$0x15428] =	vst v63  }
0x7c: {  	_ =	swait.ge [sflag:s22], $0xFA0  }
0x7d: {  	[sflag:s22] =	ssyncset.done $0x0  }
0x7e: {  	s15 =	simm.s32 $0x2C80;
	[sflag:s22] =	ssyncadd.s32 $0xFFFFF060  }
0x7f: {  	[spmem:s2] =	stream.indirect.scatter.add.bf16 [tilespmem:s31], [sflag:$0xB], $0x20, s15, s18, $0xb8;
	[tilespmem:$0x15428] =	vst v63  }
0x80: {  	_ = 	snop  }
0x81: {  	[spmem:s3] =	stream.indirect.scatter.add.f32 [tilespmem:s16], [sflag:$0xC], $0x8, s15, s18, $0xb8;
	[tilespmem:$0x15428] =	vst v63  }
0x82: {  	_ =	swait.ge [sflag:s24], $0xFA0  }
0x83: {  	[sflag:s24] =	ssyncset.done $0x0  }
0x84: {  	[sflag:s24] =	ssyncadd.s32 $0xFFFFF060  }
0x85: {  	_ =	swait.ge [sflag:s4], $0x3E8  }
0x86: {  	[sflag:s4] =	ssyncset.done $0x0  }
0x87: {  	[sflag:s4] =	ssyncadd.s32 $0xFFFFFC18  }
0x88: {  	_ =	swait.ge [sflag:s24], $0xFA0  }
0x89: {  	[sflag:s24] =	ssyncset.done $0x0  }
0x8a: {  	[sflag:s24] =	ssyncadd.s32 $0xFFFFF060  }
0x8b: {  	_ =	swait.ge [sflag:s4], $0x3E8  }
0x8c: {  	[sflag:s4] =	ssyncset.done $0x0  }
0x8d: {  	[sflag:s4] =	ssyncadd.s32 $0xFFFFFC18  }
0x8e: {  	_ =	swait.ge [sflag:s24], $0xFA0  }
0x8f: {  	[sflag:s24] =	ssyncset.done $0x0  }
0x90: {  	[sflag:s24] =	ssyncadd.s32 $0xFFFFF060  }
0x91: {  	_ =	swait.ge [sflag:s4], $0x3E8  }
0x92: {  	[sflag:s4] =	ssyncset.done $0x0  }
0x93: {  	[sflag:s4] =	ssyncadd.s32 $0xFFFFFC18  }
0x94: {  	_ =	swait.ge [sflag:s24], $0xFA0  }
0x95: {  	[sflag:s24] =	ssyncset.done $0x0  }
0x96: {  	[sflag:s24] =	ssyncadd.s32 $0xFFFFF060  }
0x97: {  	_ =	swait.ge [sflag:s4], $0x3E8  }
0x98: {  	[sflag:s4] =	ssyncset.done $0x0  }
0x99: {  	[sflag:s4] =	ssyncadd.s32 $0xFFFFFC18  }
0x9a: {  	_ =	swait.ge [sflag:s24], $0xFA0  }
0x9b: {  	[sflag:s24] =	ssyncset.done $0x0  }
0x9c: {  	[sflag:s24] =	ssyncadd.s32 $0xFFFFF060  }
0x9d: {  	_ =	swait.ge [sflag:s4], $0x3E8  }
0x9e: {  	[sflag:s4] =	ssyncset.done $0x0  }
0x9f: {  	[sflag:s4] =	ssyncadd.s32 $0xFFFFFC18  }
0xa0: {  	_ =	swait.ge [sflag:s24], $0xFA0  }
0xa1: {  	[sflag:s24] =	ssyncset.done $0x0  }
0xa2: {  	[sflag:s24] =	ssyncadd.s32 $0xFFFFF060  }
0xa3: {  	_ =	swait.ge [sflag:s4], $0x3E8  }
0xa4: {  	[sflag:s4] =	ssyncset.done $0x0  }
0xa5: {  	[sflag:s4] =	ssyncadd.s32 $0xFFFFFC18  }
0xa6: {  	_ =	swait.ge [sflag:s24], $0xFA0  }
0xa7: {  	[sflag:s24] =	ssyncset.done $0x0  }
0xa8: {  	[sflag:s24] =	ssyncadd.s32 $0xFFFFF060  }
0xa9: {  	_ =	swait.ge [sflag:s4], $0x3E8  }
0xaa: {  	[sflag:s4] =	ssyncset.done $0x0  }
0xab: {  	[sflag:s4] =	ssyncadd.s32 $0xFFFFFC18  }
0xac: {  	_ =	swait.ge [sflag:s24], $0xFA0  }
0xad: {  	[sflag:s24] =	ssyncset.done $0x0  }
0xae: {  	[sflag:s24] =	ssyncadd.s32 $0xFFFFF060  }
0xaf: {  	_ =	swait.ge [sflag:s4], $0x3E8  }
0xb0: {  	[sflag:s4] =	ssyncset.done $0x0  }
0xb1: {  	[sflag:s4] =	ssyncadd.s32 $0xFFFFFC18  }
0xb2: {  	_ =	swait.ge [sflag:s24], $0xFA0  }
0xb3: {  	[sflag:s24] =	ssyncset.done $0x0  }
0xb4: {  	[sflag:s24] =	ssyncadd.s32 $0xFFFFF060  }
0xb5: {  	_ =	swait.ge [sflag:s4], $0x3E8  }
0xb6: {  	[sflag:s4] =	ssyncset.done $0x0  }
0xb7: {  	[sflag:s4] =	ssyncadd.s32 $0xFFFFFC18  }
0xb8: {  	_ =	swait.ge [sflag:s24], $0xFA0  }
0xb9: {  	[sflag:s24] =	ssyncset.done $0x0  }
0xba: {  	[sflag:s24] =	ssyncadd.s32 $0xFFFFF060  }
0xbb: {  	_ =	swait.ge [sflag:s4], $0x3E8  }
0xbc: {  	s9 =	simm.s32 $0x2800;
	s15 =	simm.s32 $0x1400;
	[sflag:s4] =	ssyncset.done $0x0  }
.LBB2_2:
0xbd: {  	s13 =	sshra.s32 s15, $0x2  }
0xbe: {  	[sflag:s4] =	ssyncadd.s32 $0xFFFFFC18;
	s15 =	smov.u32 s9;
	s14 =	sadd.s32 $0x1400, s9  }
0xbf: {  	[tilespmem:s19], [sflag:$0x1] =	stream.indirect.gather [hbm4b:s5+s18], $0x20, s13, s18, $0xb8;
	[tilespmem:$0x15428] =	vst v63  }
0xc0: {  	p0 =	sne.s32 s9, $0x8C00;
	s9 =	sadd.s32 $0x80, s13  }
0xc1: {  	[tilespmem:s20], [sflag:$0x2] =	stream.indirect.gather [hbm4b:s5+s18], $0x20, s9, s18, $0xb8;
	[tilespmem:$0x15428] =	vst v63  }
0xc2: {  	s9 =	sadd.s32 $0x100, s13  }
0xc3: {  	[tilespmem:s21], [sflag:$0x3] =	stream.indirect.gather [hbm4b:s5+s18], $0x20, s9, s18, $0xb8;
	[tilespmem:$0x15428] =	vst v63  }
0xc4: {  	s9 =	sadd.s32 $0x180, s13  }
0xc5: {  	[tilespmem:s23], [sflag:$0x4] =	stream.indirect.gather [hbm4b:s5+s18], $0x20, s9, s18, $0xb8;
	[tilespmem:$0x15428] =	vst v63  }
0xc6: {  	s9 =	sadd.s32 $0x200, s13  }
0xc7: {  	[tilespmem:s25], [sflag:$0x5] =	stream.indirect.gather [hbm4b:s5+s18], $0x20, s9, s18, $0xb8;
	[tilespmem:$0x15428] =	vst v63  }
0xc8: {  	s9 =	sadd.s32 $0x280, s13  }
0xc9: {  	[tilespmem:s26], [sflag:$0x6] =	stream.indirect.gather [hbm4b:s5+s18], $0x20, s9, s18, $0xb8;
	[tilespmem:$0x15428] =	vst v63  }
0xca: {  	s9 =	sadd.s32 $0x300, s13  }
0xcb: {  	[tilespmem:s28], [sflag:$0x7] =	stream.indirect.gather [hbm4b:s5+s18], $0x20, s9, s18, $0xb8;
	[tilespmem:$0x15428] =	vst v63  }
0xcc: {  	s9 =	sadd.s32 $0x380, s13  }
0xcd: {  	[tilespmem:s29], [sflag:$0x8] =	stream.indirect.gather [hbm4b:s5+s18], $0x20, s9, s18, $0xb8;
	[tilespmem:$0x15428] =	vst v63  }
0xce: {  	s9 =	sadd.s32 $0x400, s13  }
0xcf: {  	[tilespmem:s30], [sflag:$0x9] =	stream.indirect.gather [hbm4b:s5+s18], $0x20, s9, s18, $0xb8;
	[tilespmem:$0x15428] =	vst v63  }
0xd0: {  	s9 =	sadd.s32 $0x480, s13  }
0xd1: {  	[tilespmem:s31], [sflag:$0xA] =	stream.indirect.gather [hbm4b:s5+s18], $0x20, s9, s18, $0xb8;
	[tilespmem:$0x15428] =	vst v63  }
0xd2: {  	_ =	swait.ge [sflag:s1], $0xFA0  }
0xd3: {  	[sflag:s1] =	ssyncset.done $0x0  }
0xd4: {  	s9 =	sadd.s32 $0x2800, s13;
	[sflag:s1] =	ssyncadd.s32 $0xFFFFF060  }
0xd5: {  	[spmem:s2] =	stream.indirect.scatter.add.bf16 [tilespmem:s19], [sflag:$0xB], $0x20, s9, s18, $0xb8;
	[tilespmem:$0x15428] =	vst v63  }
0xd6: {  	_ = 	snop  }
0xd7: {  	[spmem:s3] =	stream.indirect.scatter.add.f32 [tilespmem:s16], [sflag:$0xC], $0x8, s9, s18, $0xb8;
	[tilespmem:$0x15428] =	vst v63  }
0xd8: {  	_ =	swait.ge [sflag:s0], $0xFA0  }
0xd9: {  	[sflag:s0] =	ssyncset.done $0x0  }
0xda: {  	s9 =	sadd.s32 $0x2880, s13;
	[sflag:s0] =	ssyncadd.s32 $0xFFFFF060  }
0xdb: {  	[spmem:s2] =	stream.indirect.scatter.add.bf16 [tilespmem:s20], [sflag:$0xB], $0x20, s9, s18, $0xb8;
	[tilespmem:$0x15428] =	vst v63  }
0xdc: {  	_ = 	snop  }
0xdd: {  	[spmem:s3] =	stream.indirect.scatter.add.f32 [tilespmem:s16], [sflag:$0xC], $0x8, s9, s18, $0xb8;
	[tilespmem:$0x15428] =	vst v63  }
0xde: {  	_ =	swait.ge [sflag:s17], $0xFA0  }
0xdf: {  	[sflag:s17] =	ssyncset.done $0x0  }
0xe0: {  	s9 =	sadd.s32 $0x2900, s13;
	[sflag:s17] =	ssyncadd.s32 $0xFFFFF060  }
0xe1: {  	[spmem:s2] =	stream.indirect.scatter.add.bf16 [tilespmem:s21], [sflag:$0xB], $0x20, s9, s18, $0xb8;
	[tilespmem:$0x15428] =	vst v63  }
0xe2: {  	_ = 	snop  }
0xe3: {  	[spmem:s3] =	stream.indirect.scatter.add.f32 [tilespmem:s16], [sflag:$0xC], $0x8, s9, s18, $0xb8;
	[tilespmem:$0x15428] =	vst v63  }
0xe4: {  	_ =	swait.ge [sflag:s6], $0xFA0  }
0xe5: {  	[sflag:s6] =	ssyncset.done $0x0  }
0xe6: {  	s9 =	sadd.s32 $0x2980, s13;
	[sflag:s6] =	ssyncadd.s32 $0xFFFFF060  }
0xe7: {  	[spmem:s2] =	stream.indirect.scatter.add.bf16 [tilespmem:s23], [sflag:$0xB], $0x20, s9, s18, $0xb8;
	[tilespmem:$0x15428] =	vst v63  }
0xe8: {  	_ = 	snop  }
0xe9: {  	[spmem:s3] =	stream.indirect.scatter.add.f32 [tilespmem:s16], [sflag:$0xC], $0x8, s9, s18, $0xb8;
	[tilespmem:$0x15428] =	vst v63  }
0xea: {  	_ =	swait.ge [sflag:s7], $0xFA0  }
0xeb: {  	[sflag:s7] =	ssyncset.done $0x0  }
0xec: {  	s9 =	sadd.s32 $0x2A00, s13;
	[sflag:s7] =	ssyncadd.s32 $0xFFFFF060  }
0xed: {  	[spmem:s2] =	stream.indirect.scatter.add.bf16 [tilespmem:s25], [sflag:$0xB], $0x20, s9, s18, $0xb8;
	[tilespmem:$0x15428] =	vst v63  }
0xee: {  	_ = 	snop  }
0xef: {  	[spmem:s3] =	stream.indirect.scatter.add.f32 [tilespmem:s16], [sflag:$0xC], $0x8, s9, s18, $0xb8;
	[tilespmem:$0x15428] =	vst v63  }
0xf0: {  	_ =	swait.ge [sflag:s8], $0xFA0  }
0xf1: {  	[sflag:s8] =	ssyncset.done $0x0  }
0xf2: {  	s9 =	sadd.s32 $0x2A80, s13;
	[sflag:s8] =	ssyncadd.s32 $0xFFFFF060  }
0xf3: {  	[spmem:s2] =	stream.indirect.scatter.add.bf16 [tilespmem:s26], [sflag:$0xB], $0x20, s9, s18, $0xb8;
	[tilespmem:$0x15428] =	vst v63  }
0xf4: {  	_ = 	snop  }
0xf5: {  	[spmem:s3] =	stream.indirect.scatter.add.f32 [tilespmem:s16], [sflag:$0xC], $0x8, s9, s18, $0xb8;
	[tilespmem:$0x15428] =	vst v63  }
0xf6: {  	_ =	swait.ge [sflag:s10], $0xFA0  }
0xf7: {  	[sflag:s10] =	ssyncset.done $0x0  }
0xf8: {  	s9 =	sadd.s32 $0x2B00, s13;
	[sflag:s10] =	ssyncadd.s32 $0xFFFFF060  }
0xf9: {  	[spmem:s2] =	stream.indirect.scatter.add.bf16 [tilespmem:s28], [sflag:$0xB], $0x20, s9, s18, $0xb8;
	[tilespmem:$0x15428] =	vst v63  }
0xfa: {  	_ = 	snop  }
0xfb: {  	[spmem:s3] =	stream.indirect.scatter.add.f32 [tilespmem:s16], [sflag:$0xC], $0x8, s9, s18, $0xb8;
	[tilespmem:$0x15428] =	vst v63  }
0xfc: {  	_ =	swait.ge [sflag:s11], $0xFA0  }
0xfd: {  	[sflag:s11] =	ssyncset.done $0x0  }
0xfe: {  	s9 =	sadd.s32 $0x2B80, s13;
	[sflag:s11] =	ssyncadd.s32 $0xFFFFF060  }
0xff: {  	[spmem:s2] =	stream.indirect.scatter.add.bf16 [tilespmem:s29], [sflag:$0xB], $0x20, s9, s18, $0xb8;
	[tilespmem:$0x15428] =	vst v63  }
0x100: {  	_ = 	snop  }
0x101: {  	[spmem:s3] =	stream.indirect.scatter.add.f32 [tilespmem:s16], [sflag:$0xC], $0x8, s9, s18, $0xb8;
	[tilespmem:$0x15428] =	vst v63  }
0x102: {  	_ =	swait.ge [sflag:s12], $0xFA0  }
0x103: {  	[sflag:s12] =	ssyncset.done $0x0  }
0x104: {  	s9 =	sadd.s32 $0x2C00, s13;
	[sflag:s12] =	ssyncadd.s32 $0xFFFFF060  }
0x105: {  	[spmem:s2] =	stream.indirect.scatter.add.bf16 [tilespmem:s30], [sflag:$0xB], $0x20, s9, s18, $0xb8;
	[tilespmem:$0x15428] =	vst v63  }
0x106: {  	_ = 	snop  }
0x107: {  	[spmem:s3] =	stream.indirect.scatter.add.f32 [tilespmem:s16], [sflag:$0xC], $0x8, s9, s18, $0xb8;
	[tilespmem:$0x15428] =	vst v63  }
0x108: {  	_ =	swait.ge [sflag:s22], $0xFA0  }
0x109: {  	[sflag:s22] =	ssyncset.done $0x0  }
0x10a: {  	s9 =	sadd.s32 $0x2C80, s13;
	[sflag:s22] =	ssyncadd.s32 $0xFFFFF060  }
0x10b: {  	[spmem:s2] =	stream.indirect.scatter.add.bf16 [tilespmem:s31], [sflag:$0xB], $0x20, s9, s18, $0xb8;
	[tilespmem:$0x15428] =	vst v63  }
0x10c: {  	_ = 	snop  }
0x10d: {  	[spmem:s3] =	stream.indirect.scatter.add.f32 [tilespmem:s16], [sflag:$0xC], $0x8, s9, s18, $0xb8;
	[tilespmem:$0x15428] =	vst v63  }
0x10e: {  	_ =	swait.ge [sflag:s24], $0xFA0  }
0x10f: {  	[sflag:s24] =	ssyncset.done $0x0  }
0x110: {  	[sflag:s24] =	ssyncadd.s32 $0xFFFFF060  }
0x111: {  	_ =	swait.ge [sflag:s4], $0x3E8  }
0x112: {  	[sflag:s4] =	ssyncset.done $0x0  }
0x113: {  	[sflag:s4] =	ssyncadd.s32 $0xFFFFFC18  }
0x114: {  	_ =	swait.ge [sflag:s24], $0xFA0  }
0x115: {  	[sflag:s24] =	ssyncset.done $0x0  }
0x116: {  	[sflag:s24] =	ssyncadd.s32 $0xFFFFF060  }
0x117: {  	_ =	swait.ge [sflag:s4], $0x3E8  }
0x118: {  	[sflag:s4] =	ssyncset.done $0x0  }
0x119: {  	[sflag:s4] =	ssyncadd.s32 $0xFFFFFC18  }
0x11a: {  	_ =	swait.ge [sflag:s24], $0xFA0  }
0x11b: {  	[sflag:s24] =	ssyncset.done $0x0  }
0x11c: {  	[sflag:s24] =	ssyncadd.s32 $0xFFFFF060  }
0x11d: {  	_ =	swait.ge [sflag:s4], $0x3E8  }
0x11e: {  	[sflag:s4] =	ssyncset.done $0x0  }
0x11f: {  	[sflag:s4] =	ssyncadd.s32 $0xFFFFFC18  }
0x120: {  	_ =	swait.ge [sflag:s24], $0xFA0  }
0x121: {  	[sflag:s24] =	ssyncset.done $0x0  }
0x122: {  	[sflag:s24] =	ssyncadd.s32 $0xFFFFF060  }
0x123: {  	_ =	swait.ge [sflag:s4], $0x3E8  }
0x124: {  	[sflag:s4] =	ssyncset.done $0x0  }
0x125: {  	[sflag:s4] =	ssyncadd.s32 $0xFFFFFC18  }
0x126: {  	_ =	swait.ge [sflag:s24], $0xFA0  }
0x127: {  	[sflag:s24] =	ssyncset.done $0x0  }
0x128: {  	[sflag:s24] =	ssyncadd.s32 $0xFFFFF060  }
0x129: {  	_ =	swait.ge [sflag:s4], $0x3E8  }
0x12a: {  	[sflag:s4] =	ssyncset.done $0x0  }
0x12b: {  	[sflag:s4] =	ssyncadd.s32 $0xFFFFFC18  }
0x12c: {  	_ =	swait.ge [sflag:s24], $0xFA0  }
0x12d: {  	[sflag:s24] =	ssyncset.done $0x0  }
0x12e: {  	[sflag:s24] =	ssyncadd.s32 $0xFFFFF060  }
0x12f: {  	_ =	swait.ge [sflag:s4], $0x3E8  }
0x130: {  	[sflag:s4] =	ssyncset.done $0x0  }
0x131: {  	[sflag:s4] =	ssyncadd.s32 $0xFFFFFC18  }
0x132: {  	_ =	swait.ge [sflag:s24], $0xFA0  }
0x133: {  	[sflag:s24] =	ssyncset.done $0x0  }
0x134: {  	[sflag:s24] =	ssyncadd.s32 $0xFFFFF060  }
0x135: {  	_ =	swait.ge [sflag:s4], $0x3E8  }
0x136: {  	[sflag:s4] =	ssyncset.done $0x0  }
0x137: {  	[sflag:s4] =	ssyncadd.s32 $0xFFFFFC18  }
0x138: {  	_ =	swait.ge [sflag:s24], $0xFA0  }
0x139: {  	[sflag:s24] =	ssyncset.done $0x0  }
0x13a: {  	[sflag:s24] =	ssyncadd.s32 $0xFFFFF060  }
0x13b: {  	_ =	swait.ge [sflag:s4], $0x3E8  }
0x13c: {  	[sflag:s4] =	ssyncset.done $0x0  }
0x13d: {  	[sflag:s4] =	ssyncadd.s32 $0xFFFFFC18  }
0x13e: {  	_ =	swait.ge [sflag:s24], $0xFA0  }
0x13f: {  	[sflag:s24] =	ssyncset.done $0x0  }
0x140: {  	[sflag:s24] =	ssyncadd.s32 $0xFFFFF060  }
0x141: {  	_ =	swait.ge [sflag:s4], $0x3E8  }
0x142: {  	[sflag:s4] =	ssyncset.done $0x0  }
0x143: {  	[sflag:s4] =	ssyncadd.s32 $0xFFFFFC18  }
.Ltmp0:
0x144: {  	_ =	swait.ge [sflag:s24], $0xFA0;
	(pc) =	sbr.rel @p0 .LBB2_2-.Ltmp0, $4  }
0x145: {  	[sflag:s24] =	ssyncset.done $0x0  }
0x146: {  	[sflag:s24] =	ssyncadd.s32 $0xFFFFF060  }
0x147: {  	_ =	swait.ge [sflag:s4], $0x3E8  }
0x148: {  	s9 =	smov.u32 s14;
	[sflag:s4] =	ssyncset.done $0x0  }
0x149: {  	s9 =	sshra.s32 s15, $0x2;
	[sflag:s4] =	ssyncadd.s32 $0xFFFFFC18  }
0x14a: {  	[tilespmem:s19], [sflag:$0x1] =	stream.indirect.gather [hbm4b:s5+s18], $0x20, s9, s18, $0xb8;
	[tilespmem:$0x15428] =	vst v63  }
0x14b: {  	s13 =	sadd.s32 $0x80, s9  }
0x14c: {  	[tilespmem:s20], [sflag:$0x2] =	stream.indirect.gather [hbm4b:s5+s18], $0x20, s13, s18, $0xb8;
	[tilespmem:$0x15428] =	vst v63  }
0x14d: {  	s14 =	sadd.s32 $0x100, s9  }
0x14e: {  	[tilespmem:s21], [sflag:$0x3] =	stream.indirect.gather [hbm4b:s5+s18], $0x20, s14, s18, $0xb8;
	[tilespmem:$0x15428] =	vst v63  }
0x14f: {  	s15 =	sadd.s32 $0x180, s9  }
0x150: {  	[tilespmem:s23], [sflag:$0x4] =	stream.indirect.gather [hbm4b:s5+s18], $0x20, s15, s18, $0xb8;
	[tilespmem:$0x15428] =	vst v63  }
0x151: {  	s14 =	sadd.s32 $0x200, s9  }
0x152: {  	[tilespmem:s25], [sflag:$0x5] =	stream.indirect.gather [hbm4b:s5+s18], $0x20, s14, s18, $0xb8;
	[tilespmem:$0x15428] =	vst v63  }
0x153: {  	s15 =	sadd.s32 $0x280, s9  }
0x154: {  	[tilespmem:s26], [sflag:$0x6] =	stream.indirect.gather [hbm4b:s5+s18], $0x20, s15, s18, $0xb8;
	[tilespmem:$0x15428] =	vst v63  }
0x155: {  	s14 =	sadd.s32 $0x300, s9  }
0x156: {  	[tilespmem:s28], [sflag:$0x7] =	stream.indirect.gather [hbm4b:s5+s18], $0x20, s14, s18, $0xb8;
	[tilespmem:$0x15428] =	vst v63  }
0x157: {  	s15 =	sadd.s32 $0x380, s9  }
0x158: {  	[tilespmem:s29], [sflag:$0x8] =	stream.indirect.gather [hbm4b:s5+s18], $0x20, s15, s18, $0xb8;
	[tilespmem:$0x15428] =	vst v63  }
0x159: {  	s14 =	sadd.s32 $0x400, s9  }
0x15a: {  	[tilespmem:s30], [sflag:$0x9] =	stream.indirect.gather [hbm4b:s5+s18], $0x20, s14, s18, $0xb8;
	[tilespmem:$0x15428] =	vst v63  }
0x15b: {  	s15 =	sadd.s32 $0x480, s9  }
0x15c: {  	[tilespmem:s31], [sflag:$0xA] =	stream.indirect.gather [hbm4b:s5+s18], $0x20, s15, s18, $0xb8;
	[tilespmem:$0x15428] =	vst v63  }
0x15d: {  	_ =	swait.ge [sflag:s1], $0xFA0  }
0x15e: {  	[sflag:s1] =	ssyncset.done $0x0  }
0x15f: {  	s14 =	sadd.s32 $0x2800, s9;
	[sflag:s1] =	ssyncadd.s32 $0xFFFFF060  }
0x160: {  	[spmem:s2] =	stream.indirect.scatter.add.bf16 [tilespmem:s19], [sflag:$0xB], $0x20, s14, s18, $0xb8;
	[tilespmem:$0x15428] =	vst v63  }
0x161: {  	_ = 	snop  }
0x162: {  	[spmem:s3] =	stream.indirect.scatter.add.f32 [tilespmem:s16], [sflag:$0xC], $0x8, s14, s18, $0xb8;
	[tilespmem:$0x15428] =	vst v63  }
0x163: {  	_ =	swait.ge [sflag:s0], $0xFA0  }
0x164: {  	[sflag:s0] =	ssyncset.done $0x0  }
0x165: {  	s15 =	sadd.s32 $0x2880, s9;
	[sflag:s0] =	ssyncadd.s32 $0xFFFFF060  }
0x166: {  	[spmem:s2] =	stream.indirect.scatter.add.bf16 [tilespmem:s20], [sflag:$0xB], $0x20, s15, s18, $0xb8;
	[tilespmem:$0x15428] =	vst v63  }
0x167: {  	_ = 	snop  }
0x168: {  	[spmem:s3] =	stream.indirect.scatter.add.f32 [tilespmem:s16], [sflag:$0xC], $0x8, s15, s18, $0xb8;
	[tilespmem:$0x15428] =	vst v63  }
0x169: {  	_ =	swait.ge [sflag:s17], $0xFA0  }
0x16a: {  	[sflag:s17] =	ssyncset.done $0x0  }
0x16b: {  	s14 =	sadd.s32 $0x2900, s9;
	[sflag:s17] =	ssyncadd.s32 $0xFFFFF060  }
0x16c: {  	[spmem:s2] =	stream.indirect.scatter.add.bf16 [tilespmem:s21], [sflag:$0xB], $0x20, s14, s18, $0xb8;
	[tilespmem:$0x15428] =	vst v63  }
0x16d: {  	_ = 	snop  }
0x16e: {  	[spmem:s3] =	stream.indirect.scatter.add.f32 [tilespmem:s16], [sflag:$0xC], $0x8, s14, s18, $0xb8;
	[tilespmem:$0x15428] =	vst v63  }
0x16f: {  	_ =	swait.ge [sflag:s6], $0xFA0  }
0x170: {  	[sflag:s6] =	ssyncset.done $0x0  }
0x171: {  	s15 =	sadd.s32 $0x2980, s9;
	[sflag:s6] =	ssyncadd.s32 $0xFFFFF060  }
0x172: {  	[spmem:s2] =	stream.indirect.scatter.add.bf16 [tilespmem:s23], [sflag:$0xB], $0x20, s15, s18, $0xb8;
	[tilespmem:$0x15428] =	vst v63  }
0x173: {  	_ = 	snop  }
0x174: {  	[spmem:s3] =	stream.indirect.scatter.add.f32 [tilespmem:s16], [sflag:$0xC], $0x8, s15, s18, $0xb8;
	[tilespmem:$0x15428] =	vst v63  }
0x175: {  	_ =	swait.ge [sflag:s7], $0xFA0  }
0x176: {  	[sflag:s7] =	ssyncset.done $0x0  }
0x177: {  	s14 =	sadd.s32 $0x2A00, s9;
	[sflag:s7] =	ssyncadd.s32 $0xFFFFF060  }
0x178: {  	[spmem:s2] =	stream.indirect.scatter.add.bf16 [tilespmem:s25], [sflag:$0xB], $0x20, s14, s18, $0xb8;
	[tilespmem:$0x15428] =	vst v63  }
0x179: {  	_ = 	snop  }
0x17a: {  	[spmem:s3] =	stream.indirect.scatter.add.f32 [tilespmem:s16], [sflag:$0xC], $0x8, s14, s18, $0xb8;
	[tilespmem:$0x15428] =	vst v63  }
0x17b: {  	_ =	swait.ge [sflag:s8], $0xFA0  }
0x17c: {  	[sflag:s8] =	ssyncset.done $0x0  }
0x17d: {  	s15 =	sadd.s32 $0x2A80, s9;
	[sflag:s8] =	ssyncadd.s32 $0xFFFFF060  }
0x17e: {  	[spmem:s2] =	stream.indirect.scatter.add.bf16 [tilespmem:s26], [sflag:$0xB], $0x20, s15, s18, $0xb8;
	[tilespmem:$0x15428] =	vst v63  }
0x17f: {  	_ = 	snop  }
0x180: {  	[spmem:s3] =	stream.indirect.scatter.add.f32 [tilespmem:s16], [sflag:$0xC], $0x8, s15, s18, $0xb8;
	[tilespmem:$0x15428] =	vst v63  }
0x181: {  	_ =	swait.ge [sflag:s10], $0xFA0  }
0x182: {  	[sflag:s10] =	ssyncset.done $0x0  }
0x183: {  	s14 =	sadd.s32 $0x2B00, s9;
	[sflag:s10] =	ssyncadd.s32 $0xFFFFF060  }
0x184: {  	[spmem:s2] =	stream.indirect.scatter.add.bf16 [tilespmem:s28], [sflag:$0xB], $0x20, s14, s18, $0xb8;
	[tilespmem:$0x15428] =	vst v63  }
0x185: {  	_ = 	snop  }
0x186: {  	[spmem:s3] =	stream.indirect.scatter.add.f32 [tilespmem:s16], [sflag:$0xC], $0x8, s14, s18, $0xb8;
	[tilespmem:$0x15428] =	vst v63  }
0x187: {  	_ =	swait.ge [sflag:s11], $0xFA0  }
0x188: {  	[sflag:s11] =	ssyncset.done $0x0  }
0x189: {  	s15 =	sadd.s32 $0x2B80, s9;
	[sflag:s11] =	ssyncadd.s32 $0xFFFFF060  }
0x18a: {  	[spmem:s2] =	stream.indirect.scatter.add.bf16 [tilespmem:s29], [sflag:$0xB], $0x20, s15, s18, $0xb8;
	[tilespmem:$0x15428] =	vst v63  }
0x18b: {  	_ = 	snop  }
0x18c: {  	[spmem:s3] =	stream.indirect.scatter.add.f32 [tilespmem:s16], [sflag:$0xC], $0x8, s15, s18, $0xb8;
	[tilespmem:$0x15428] =	vst v63  }
0x18d: {  	_ =	swait.ge [sflag:s12], $0xFA0  }
0x18e: {  	[sflag:s12] =	ssyncset.done $0x0  }
0x18f: {  	s14 =	sadd.s32 $0x2C00, s9;
	[sflag:s12] =	ssyncadd.s32 $0xFFFFF060  }
0x190: {  	[spmem:s2] =	stream.indirect.scatter.add.bf16 [tilespmem:s30], [sflag:$0xB], $0x20, s14, s18, $0xb8;
	[tilespmem:$0x15428] =	vst v63  }
0x191: {  	_ = 	snop  }
0x192: {  	[spmem:s3] =	stream.indirect.scatter.add.f32 [tilespmem:s16], [sflag:$0xC], $0x8, s14, s18, $0xb8;
	[tilespmem:$0x15428] =	vst v63  }
0x193: {  	_ =	swait.ge [sflag:s22], $0xFA0  }
0x194: {  	[sflag:s22] =	ssyncset.done $0x0  }
0x195: {  	s9 =	sadd.s32 $0x2C80, s9;
	[sflag:s22] =	ssyncadd.s32 $0xFFFFF060  }
0x196: {  	[spmem:s2] =	stream.indirect.scatter.add.bf16 [tilespmem:s31], [sflag:$0xB], $0x20, s9, s18, $0xb8;
	[tilespmem:$0x15428] =	vst v63  }
0x197: {  	_ = 	snop  }
0x198: {  	[spmem:s3] =	stream.indirect.scatter.add.f32 [tilespmem:s16], [sflag:$0xC], $0x8, s9, s18, $0xb8;
	[tilespmem:$0x15428] =	vst v63  }
0x199: {  	_ =	swait.ge [sflag:s24], $0xFA0  }
0x19a: {  	[sflag:s24] =	ssyncset.done $0x0  }
0x19b: {  	[sflag:s24] =	ssyncadd.s32 $0xFFFFF060  }
0x19c: {  	_ =	swait.ge [sflag:s4], $0x3E8  }
0x19d: {  	[sflag:s4] =	ssyncset.done $0x0  }
0x19e: {  	[sflag:s4] =	ssyncadd.s32 $0xFFFFFC18  }
0x19f: {  	_ =	swait.ge [sflag:s24], $0xFA0  }
0x1a0: {  	[sflag:s24] =	ssyncset.done $0x0  }
0x1a1: {  	[sflag:s24] =	ssyncadd.s32 $0xFFFFF060  }
0x1a2: {  	_ =	swait.ge [sflag:s4], $0x3E8  }
0x1a3: {  	[sflag:s4] =	ssyncset.done $0x0  }
0x1a4: {  	[sflag:s4] =	ssyncadd.s32 $0xFFFFFC18  }
0x1a5: {  	_ =	swait.ge [sflag:s24], $0xFA0  }
0x1a6: {  	[sflag:s24] =	ssyncset.done $0x0  }
0x1a7: {  	[sflag:s24] =	ssyncadd.s32 $0xFFFFF060  }
0x1a8: {  	_ =	swait.ge [sflag:s4], $0x3E8  }
0x1a9: {  	[sflag:s4] =	ssyncset.done $0x0  }
0x1aa: {  	[sflag:s4] =	ssyncadd.s32 $0xFFFFFC18  }
0x1ab: {  	_ =	swait.ge [sflag:s24], $0xFA0  }
0x1ac: {  	[sflag:s24] =	ssyncset.done $0x0  }
0x1ad: {  	[sflag:s24] =	ssyncadd.s32 $0xFFFFF060  }
0x1ae: {  	_ =	swait.ge [sflag:s4], $0x3E8  }
0x1af: {  	[sflag:s4] =	ssyncset.done $0x0  }
0x1b0: {  	[sflag:s4] =	ssyncadd.s32 $0xFFFFFC18  }
0x1b1: {  	_ =	swait.ge [sflag:s24], $0xFA0  }
0x1b2: {  	[sflag:s24] =	ssyncset.done $0x0  }
0x1b3: {  	[sflag:s24] =	ssyncadd.s32 $0xFFFFF060  }
0x1b4: {  	_ =	swait.ge [sflag:s4], $0x3E8  }
0x1b5: {  	[sflag:s4] =	ssyncset.done $0x0  }
0x1b6: {  	[sflag:s4] =	ssyncadd.s32 $0xFFFFFC18  }
0x1b7: {  	_ =	swait.ge [sflag:s24], $0xFA0  }
0x1b8: {  	[sflag:s24] =	ssyncset.done $0x0  }
0x1b9: {  	[sflag:s24] =	ssyncadd.s32 $0xFFFFF060  }
0x1ba: {  	_ =	swait.ge [sflag:s4], $0x3E8  }
0x1bb: {  	[sflag:s4] =	ssyncset.done $0x0  }
0x1bc: {  	[sflag:s4] =	ssyncadd.s32 $0xFFFFFC18  }
0x1bd: {  	_ =	swait.ge [sflag:s24], $0xFA0  }
0x1be: {  	[sflag:s24] =	ssyncset.done $0x0  }
0x1bf: {  	[sflag:s24] =	ssyncadd.s32 $0xFFFFF060  }
0x1c0: {  	_ =	swait.ge [sflag:s4], $0x3E8  }
0x1c1: {  	[sflag:s4] =	ssyncset.done $0x0  }
0x1c2: {  	[sflag:s4] =	ssyncadd.s32 $0xFFFFFC18  }
0x1c3: {  	_ =	swait.ge [sflag:s24], $0xFA0  }
0x1c4: {  	[sflag:s24] =	ssyncset.done $0x0  }
0x1c5: {  	[sflag:s24] =	ssyncadd.s32 $0xFFFFF060  }
0x1c6: {  	_ =	swait.ge [sflag:s4], $0x3E8  }
0x1c7: {  	[sflag:s4] =	ssyncset.done $0x0  }
0x1c8: {  	[sflag:s4] =	ssyncadd.s32 $0xFFFFFC18  }
0x1c9: {  	_ =	swait.ge [sflag:s24], $0xFA0  }
0x1ca: {  	[sflag:s24] =	ssyncset.done $0x0  }
0x1cb: {  	[sflag:s24] =	ssyncadd.s32 $0xFFFFF060  }
0x1cc: {  	_ =	swait.ge [sflag:s4], $0x3E8  }
0x1cd: {  	[sflag:s4] =	ssyncset.done $0x0  }
0x1ce: {  	[sflag:s4] =	ssyncadd.s32 $0xFFFFFC18  }
0x1cf: {  	_ =	swait.ge [sflag:s24], $0xFA0  }
0x1d0: {  	[sflag:s24] =	ssyncset.done $0x0  }
0x1d1: {  	[sflag:s24] =	ssyncadd.s32 $0xFFFFF060  }
0x1d2: {  	_ =	swait.ge [sflag:s4], $0x3E8  }
0x1d3: {  	[sflag:s4] =	ssyncset.done $0x0  }
0x1d4: {  	[sflag:s4] =	ssyncadd.s32 $0xFFFFFC18  }
0x1d5: {  	[bflag:$0x0] =	sbarrier.arrive $0xFFFF  }
0x1d6: {  	s13 =	rddreg [dreg:$0x8]  }
0x1d7: {  	s14 =	rddreg [dreg:$0xc]  }
0x1d8: {  	s15 =	rddreg [dreg:$0xe]  }
0x1d9: {  	[hbm:s15], [sflag:s13] =	dma.local [spmem:s14], $0xA00  }
0x1da: {  	s15 =	simm.s32 $0xD  }
0x1db: {  	_ =	swait.ge [sflag:s15], $0xA00  }
0x1dc: {  	[sflag:s15] =	ssyncset.done $0x0;
	s14 =	rddreg [dreg:$0xd]  }
0x1dd: {  	s9 =	rddreg [dreg:$0xf];
	[sflag:s15] =	ssyncadd.s32 $0xFFFFF600  }
0x1de: {  	[hbm:s9], [sflag:s13] =	dma.local [spmem:s14], $0x280  }
0x1df: {  	_ =	swait.ge [sflag:s15], $0x280  }
0x1e0: {  	s9 =	rddreg [dreg:$0x10]  }
0x1e1: {  	s14 =	sadd.s32 $0x1, s9;
	s9 =	rddreg [dreg:$0xb]  }
0x1e2: {  	p0 =	sne.s32 s14, s9  }
.Ltmp1:
0x1e3: {  	_ = 	snop;
	(pc) =	sbr.rel @p0 .LBB2_1-.Ltmp1, $3  }
0x1e4: {  	_ =	sdelay $0x1  }
0x1e5: {  	[sflag:s15] =	ssyncset.done $0x0;
	[dreg:$0x10] =	wrdreg s14  }
0x1e6: {  	[sflag:s15] =	ssyncadd.s32 $0xFFFFFD80;
	s14 =	rddreg [dreg:$0xc]  }
0x1e7: {  	_ =	sfence.sel $0x180000  }
0x1e8: {  	[bflag:$0x0] =	sbarrier.arrive $0xFFFF  }
0x1e9: {  	_ =	strace $0x90000047  }
0x1ea: {  	s0 =	stileid.u32;
	[bflag:$0x2] =	sbarrier.arrive $0xFFFF  }
0x1eb: {  	p0 =	sne.s32 s0, $0x0;
	s0 =	rddreg [dreg:$0x4]  }
0x1ec: {  	s0 =	sadd.s32 @!p0 $0x100000, s0  }
0x1ed: {  	[sflag:s0] =	ssyncadd.tile.s32 @!p0 $0x1;
	_ =	shalt  }
.Lfunc_end2:
_tile_overlayer_lowered:
.L_overlay_start_2:
0x1ee: {  	(tag) =	ssettag $0x2  }
0x1ef: {  	s0 =	rddreg [dreg:$0x0];
	s2 =	stileid.u32  }
0x1f0: {  	s1 =	rddreg [dreg:$0x1];
	p0 =	sne.s32 s2, $0x0  }
0x1f1: {  	s3 =	rddreg [dreg:$0x2];
	[bflag:$0x3] =	sbarrier.arrive $0xFFFF;
	s2 =	simm.s32 @!p0 $0x1C0D  }
0x1f2: {  	[timem:s3], [sflag:s2] =	dma.local @!p0 [hbm:s0], s1  }
0x1f3: {  	s0 =	simm.s32 @!p0 $0xD  }
0x1f4: {  	_ =	swait.ge @!p0 [sflag:s0], s1  }
0x1f5: {  	s1 =	ssub.s32 @!p0 $0x0, s1;
	[sflag:s0] =	ssyncset.done @!p0 $0x0  }
0x1f6: {  	[sflag:s0] =	ssyncadd.s32 @!p0 s1  }
0x1f7: {  	[bflag:$0x3] =	sbarrier.arrive $0xFFFF  }
0x1f8: {  	_ =	shalt  }

</sc_bundles>
